<compile_context>
chip_gen: v7x
topology: tpu7x:2x2x1
jax: 0.10.2.dev20260603
libtpu: 0.0.44.dev20260713+nightly
codegen_flags: <defaults>
</compile_context>

<pallas_src>
import functools

import jax
import jax.numpy as jnp
from jax import lax
from jax.experimental import pallas as pl
from jax.experimental.pallas import tpu as pltpu
from jax.experimental.pallas import tpu_sc as plsc

B = 1024
F = 64
M = 100000
L = 10000
TEMP = 0.05

NC = 2
NS = 16
NW = NC * NS
RPW = M // NW
CHUNK = 125
NCH = RPW // CHUNK
LPW = L // NS
TPW = B // NW
CW = 8

@functools.cache
def _build_sc_segment_sum():
    mesh = plsc.VectorSubcoreMesh(core_axis_name="c", subcore_axis_name="s")

    @functools.partial(
        pl.kernel,
        mesh=mesh,
        compiler_params=pltpu.CompilerParams(use_tc_tiling_on_sc=False),
        out_type=[
            jax.ShapeDtypeStruct((NC * L, F), jnp.float32),
            jax.ShapeDtypeStruct((NC * L, CW), jnp.float32),
            jax.ShapeDtypeStruct((B,), jnp.int32),
        ],
        scratch_types=[
            pltpu.VMEM((CHUNK, F), jnp.float32),
            pltpu.VMEM((NCH, CHUNK), jnp.int32),
            pltpu.VMEM((CHUNK, CW), jnp.float32),
            pltpu.VMEM((TPW,), jnp.int32),
            pltpu.VMEM((TPW,), jnp.int32),
            pltpu.VMEM_SHARED((L, F), jnp.float32),
            pltpu.VMEM_SHARED((L, CW), jnp.float32),
            pltpu.SemaphoreType.DMA,
        ],
    )
    def sc_segment_sum(
        features_hbm, labels2d_hbm, labels1d_hbm, indexes_hbm, ones_hbm,
        zf_hbm, zc_hbm,
        out_feat, out_cnt, out_tgt,
        rows_v, lab_v, ones_v, idx_v, tgt_v, acc_f, acc_c, sem,
    ):
        cid = lax.axis_index("c")
        sid = lax.axis_index("s")
        wid = sid * NC + cid

        pltpu.sync_copy(zf_hbm.at[pl.ds(sid * LPW, LPW)], acc_f.at[pl.ds(sid * LPW, LPW)])
        pltpu.sync_copy(zc_hbm.at[pl.ds(sid * LPW, LPW)], acc_c.at[pl.ds(sid * LPW, LPW)])

        pltpu.sync_copy(labels2d_hbm.at[pl.ds(wid * NCH, NCH)], lab_v)
        pltpu.sync_copy(ones_hbm, ones_v)

        pltpu.sync_copy(indexes_hbm.at[pl.ds(wid * TPW, TPW)], idx_v)
        pltpu.async_copy(labels1d_hbm.at[idx_v], tgt_v, sem).wait()
        pltpu.sync_copy(tgt_v, out_tgt.at[pl.ds(wid * TPW, TPW)])

        plsc.subcore_barrier()

        base = wid * RPW
        for j in range(NCH):
            pltpu.sync_copy(features_hbm.at[pl.ds(base + j * CHUNK, CHUNK)], rows_v)
            pltpu.sync_copy(rows_v, acc_f.at[lab_v.at[j]], add=True)
            pltpu.sync_copy(ones_v, acc_c.at[lab_v.at[j]], add=True)

        plsc.subcore_barrier()

        pltpu.sync_copy(
            acc_f.at[pl.ds(sid * LPW, LPW)],
            out_feat.at[pl.ds(cid * L + sid * LPW, LPW)],
        )
        pltpu.sync_copy(
            acc_c.at[pl.ds(sid * LPW, LPW)],
            out_cnt.at[pl.ds(cid * L + sid * LPW, LPW)],
        )

    return sc_segment_sum


TL = 1000


def _tc_body(cf2_ref, cnt2_ref, feat_ref, tgt_ref, out_ref, denom_ref, tnum_ref):
    i = pl.program_id(0)

    @pl.when(i == 0)
    def _init():
        denom_ref[...] = jnp.zeros_like(denom_ref)
        tnum_ref[...] = jnp.zeros_like(tnum_ref)

    x = feat_ref[...]
    nrm = jnp.sqrt(jnp.sum(x * x, axis=1, keepdims=True)) + 1e-12
    xn = x / nrm

    cf = cf2_ref[0] + cf2_ref[1]
    cnt = cnt2_ref[0, :, 0:1] + cnt2_ref[1, :, 0:1]
    sim = lax.dot_general(
        cf, xn, (((1,), (1,)), ((), ())),
        preferred_element_type=jnp.float32,
        precision=lax.Precision.HIGHEST,
    )
    mask = cnt > 0.0
    sim = sim / (TEMP * jnp.where(mask, cnt, 1.0))
    e = jnp.where(mask, jnp.exp(sim), 0.0)
    denom_ref[...] += jnp.sum(e, axis=0, keepdims=True)

    row = i * TL + lax.broadcasted_iota(jnp.int32, (TL, 1), 0)
    tmatch = row == tgt_ref[...]
    tnum_ref[...] += jnp.sum(jnp.where(tmatch, sim, 0.0), axis=0, keepdims=True)

    @pl.when(i == pl.num_programs(0) - 1)
    def _fin():
        p = jnp.exp(tnum_ref[...]) / (denom_ref[...] + 1e-6)
        lp = jnp.log(p + 1e-6)
        out_ref[0, 0] = -jnp.mean(lp)


def _tc_loss(cf2, cnt2, feat, tgt2d):
    return pl.pallas_call(
        _tc_body,
        grid=(L // TL,),
        in_specs=[
            pl.BlockSpec((NC, TL, F), lambda i: (0, i, 0)),
            pl.BlockSpec((NC, TL, CW), lambda i: (0, i, 0)),
            pl.BlockSpec((B, F), lambda i: (0, 0)),
            pl.BlockSpec((1, B), lambda i: (0, 0)),
        ],
        out_specs=pl.BlockSpec((1, 1), lambda i: (0, 0), memory_space=pltpu.SMEM),
        out_shape=jax.ShapeDtypeStruct((1, 1), jnp.float32),
        scratch_shapes=[
            pltpu.VMEM((1, B), jnp.float32),
            pltpu.VMEM((1, B), jnp.float32),
        ],
    )(cf2, cnt2, feat, tgt2d)


def kernel(feat, indexes, features, labels):
    labels2d = labels.reshape(NW * NCH, CHUNK)
    ones = jnp.ones((CHUNK, CW), jnp.float32)
    zf = jnp.zeros((L, F), jnp.float32)
    zc = jnp.zeros((L, CW), jnp.float32)

    cf, cnt, targets = _build_sc_segment_sum()(
        features, labels2d, labels, indexes, ones, zf, zc
    )
    loss = _tc_loss(
        cf.reshape(NC, L, F),
        cnt.reshape(NC, L, CW),
        feat,
        targets.reshape(1, B),
    )
    return loss[0, 0]

# --- scband reference (transcript-rebuilt; emitter-appended) ---
"""Pipeline reference for scband-hybrid-memory-19112604467968 (READ-ONLY COPY).

The authoritative reference and input builder live on the scoring server;
editing this copy changes nothing except your own understanding.
"""

import jax, jax.numpy as jnp
import numpy as np

B = 1024
NUM_FEATURES = 64
NUM_MEMORY = 100000
NUM_CLASSES = 10000
TEMP = 0.05


def setup_inputs(seed: int = 0) -> dict:
    key = jax.random.key(seed)
    k1, k2, k3, k4 = jax.random.split(key, 4)
    feat = jax.random.normal(k1, (B, NUM_FEATURES), dtype=jnp.float32)
    indexes = jax.random.randint(k2, (B,), 0, NUM_MEMORY, dtype=jnp.int32)
    # memory bank buffer 'features' (stored L2-normalized, as _update_feature does)
    features = jax.random.normal(k3, (NUM_MEMORY, NUM_FEATURES), dtype=jnp.float32)
    features = features / (jnp.linalg.norm(features, axis=1, keepdims=True) + 1e-12)
    # pseudo-label buffer 'labels' in [0, NUM_CLASSES)
    labels = jax.random.randint(k4, (NUM_MEMORY,), 0, NUM_CLASSES, dtype=jnp.int32)
    return {"feat": feat, "indexes": indexes, "features": features, "labels": labels}


def reference(feat, indexes, features, labels):
    # F.normalize(inputs, p=2, dim=1)
    inputs = feat / (jnp.linalg.norm(feat, axis=1, keepdims=True) + 1e-12)
    # HM.apply forward: similarity against full memory bank [B, M]
    sims = inputs @ features.T
    sims = sims / TEMP
    L = NUM_CLASSES  # static stand-in for labels.max()+1 (labels drawn in [0, NUM_CLASSES))
    # sim.index_add_(0, labels, inputs.t()) -> scatter-add rows of [M, B] by label
    sim = jax.ops.segment_sum(sims.T, labels, num_segments=L)  # [L, B]
    # nums.index_add_(0, labels, ones) -> per-class counts
    nums = jax.ops.segment_sum(jnp.ones((NUM_MEMORY, 1), dtype=jnp.float32), labels, num_segments=L)  # [L, 1]
    mask = (nums > 0.0).astype(jnp.float32)  # [L, 1]
    sim = sim / (mask * nums + (1.0 - mask))  # class-mean similarity
    mask_full = jnp.broadcast_to(mask, sim.shape)  # [L, B]
    # masked_softmax(sim.t(), mask.t(), coef=None)
    vec = sim.T          # [B, L]
    m = mask_full.T      # [B, L]
    exps = jnp.exp(vec)
    masked_exps = exps * m
    masked_sums = jnp.sum(masked_exps, axis=1, keepdims=True) + 1e-06
    masked_sim = masked_exps / masked_sums
    targets = labels[indexes]  # [B]
    logp = jnp.log(masked_sim + 1e-06)
    # F.nll_loss(logp, targets) with default mean reduction
    loss = -jnp.mean(logp[jnp.arange(vec.shape[0]), targets])
    return loss

if __name__ == "__main__":
    import jax
    _d = setup_inputs()
    print(jax.jit(kernel)(*tuple(_d.values())))

</pallas_src>

<mosaic_0001>
#map = affine_map<(d0, d1) -> (0, 0)>
#map1 = affine_map<(d0, d1) -> (0)>
module attributes {stable_mosaic.version = 14 : i64} {
  func.func @sc_segment_sum(%arg0: i32, %arg1: i32, %arg2: memref<100000x64xf32, #tpu.memory_space<hbm>>, %arg3: memref<800x125xi32, #tpu.memory_space<hbm>>, %arg4: memref<100000xi32, #tpu.memory_space<hbm>>, %arg5: memref<1024xi32, #tpu.memory_space<hbm>>, %arg6: memref<125x8xf32, #tpu.memory_space<hbm>>, %arg7: memref<10000x64xf32, #tpu.memory_space<hbm>>, %arg8: memref<10000x8xf32, #tpu.memory_space<hbm>>, %arg9: memref<20000x64xf32, #tpu.memory_space<hbm>>, %arg10: memref<20000x8xf32, #tpu.memory_space<hbm>>, %arg11: memref<1024xi32, #tpu.memory_space<hbm>>, %arg12: memref<125x64xf32, #tpu.memory_space<vmem>>, %arg13: memref<25x125xi32, #tpu.memory_space<vmem>>, %arg14: memref<125x8xf32, #tpu.memory_space<vmem>>, %arg15: memref<32xi32, #tpu.memory_space<vmem>>, %arg16: memref<32xi32, #tpu.memory_space<vmem>>, %arg17: memref<10000x64xf32, #tpu.memory_space<vmem_shared>>, %arg18: memref<10000x8xf32, #tpu.memory_space<vmem_shared>>, %arg19: memref<!tpu.dma_semaphore, #tpu.memory_space<semaphore_mem>>) attributes {dimension_semantics = [#tpu.dimension_semantics<core_parallel>, #tpu.dimension_semantics<subcore_parallel>], iteration_bounds = array<i64: 2, 16>, scalar_prefetch = 0 : i64, scratch_operands = 8 : i64, tpu.core_type = #tpu.core_type<sc_vector_subcore>, window_params = [{transform_indices = #map}, {transform_indices = #map}, {transform_indices = #map1}, {transform_indices = #map1}, {transform_indices = #map}, {transform_indices = #map}, {transform_indices = #map}, {transform_indices = #map}, {transform_indices = #map}, {transform_indices = #map1}]} {
    %mul3A = arith.constant 2 : i32
    %mul3A_0 = arith.muli %arg1, %mul3A : i32
    %add3A = arith.addi %mul3A_0, %arg0 : i32
    %mul3A_1 = arith.constant 625 : i32
    %mul3A_2 = arith.muli %arg1, %mul3A_1 : i32
    %mul3A_3 = arith.constant 625 : i32
    %mul3A_4 = arith.muli %arg1, %mul3A_3 : i32
    "tpu.region"() ({
      %run_scoped3A_133 = tpu.sem_alloc : memref<!tpu.dma_semaphore, #tpu.memory_space<semaphore_mem>>
      %dma_start3A_134 = arith.constant 0 : i32
      %dma_start3A_135 = tpu.memref_slice %arg17[%mul3A_4, %dma_start3A_134] : memref<10000x64xf32, #tpu.memory_space<vmem_shared>> -> memref<625x64xf32, #tpu.memory_space<vmem_shared>>
      %dma_start3A_136 = arith.constant 0 : i32
      %dma_start3A_137 = tpu.memref_slice %arg7[%mul3A_2, %dma_start3A_136] : memref<10000x64xf32, #tpu.memory_space<hbm>> -> memref<625x64xf32, #tpu.memory_space<hbm>>
      tpu.enqueue_dma source(%dma_start3A_137 : memref<625x64xf32, #tpu.memory_space<hbm>>) target(%dma_start3A_135 : memref<625x64xf32, #tpu.memory_space<vmem_shared>>) target_semaphore(%run_scoped3A_133 : memref<!tpu.dma_semaphore, #tpu.memory_space<semaphore_mem>>)
      %dma_wait3A_138 = arith.constant 0 : i32
      %dma_wait3A_139 = tpu.memref_slice %arg17[%mul3A_4, %dma_wait3A_138] : memref<10000x64xf32, #tpu.memory_space<vmem_shared>> -> memref<625x64xf32, #tpu.memory_space<vmem_shared>>
      %dma_wait3A_140 = arith.constant 0 : i32
      %dma_wait3A_141 = tpu.memref_slice %arg7[%mul3A_2, %dma_wait3A_140] : memref<10000x64xf32, #tpu.memory_space<hbm>> -> memref<625x64xf32, #tpu.memory_space<hbm>>
      tpu.wait_dma2 semaphore(%run_scoped3A_133 : memref<!tpu.dma_semaphore, #tpu.memory_space<semaphore_mem>>) src(%dma_wait3A_141 : memref<625x64xf32, #tpu.memory_space<hbm>>) dst(%dma_wait3A_139 : memref<625x64xf32, #tpu.memory_space<vmem_shared>>)
      tpu.yield
    }) : () -> ()
    %mul3A_5 = arith.constant 625 : i32
    %mul3A_6 = arith.muli %arg1, %mul3A_5 : i32
    %mul3A_7 = arith.constant 625 : i32
    %mul3A_8 = arith.muli %arg1, %mul3A_7 : i32
    "tpu.region"() ({
      %run_scoped3A_133 = tpu.sem_alloc : memref<!tpu.dma_semaphore, #tpu.memory_space<semaphore_mem>>
      %dma_start3A_134 = arith.constant 0 : i32
      %dma_start3A_135 = tpu.memref_slice %arg18[%mul3A_8, %dma_start3A_134] : memref<10000x8xf32, #tpu.memory_space<vmem_shared>> -> memref<625x8xf32, #tpu.memory_space<vmem_shared>>
      %dma_start3A_136 = arith.constant 0 : i32
      %dma_start3A_137 = tpu.memref_slice %arg8[%mul3A_6, %dma_start3A_136] : memref<10000x8xf32, #tpu.memory_space<hbm>> -> memref<625x8xf32, #tpu.memory_space<hbm>>
      tpu.enqueue_dma source(%dma_start3A_137 : memref<625x8xf32, #tpu.memory_space<hbm>>) target(%dma_start3A_135 : memref<625x8xf32, #tpu.memory_space<vmem_shared>>) target_semaphore(%run_scoped3A_133 : memref<!tpu.dma_semaphore, #tpu.memory_space<semaphore_mem>>)
      %dma_wait3A_138 = arith.constant 0 : i32
      %dma_wait3A_139 = tpu.memref_slice %arg18[%mul3A_8, %dma_wait3A_138] : memref<10000x8xf32, #tpu.memory_space<vmem_shared>> -> memref<625x8xf32, #tpu.memory_space<vmem_shared>>
      %dma_wait3A_140 = arith.constant 0 : i32
      %dma_wait3A_141 = tpu.memref_slice %arg8[%mul3A_6, %dma_wait3A_140] : memref<10000x8xf32, #tpu.memory_space<hbm>> -> memref<625x8xf32, #tpu.memory_space<hbm>>
      tpu.wait_dma2 semaphore(%run_scoped3A_133 : memref<!tpu.dma_semaphore, #tpu.memory_space<semaphore_mem>>) src(%dma_wait3A_141 : memref<625x8xf32, #tpu.memory_space<hbm>>) dst(%dma_wait3A_139 : memref<625x8xf32, #tpu.memory_space<vmem_shared>>)
      tpu.yield
    }) : () -> ()
    %mul3A_9 = arith.constant 25 : i32
    %mul3A_10 = arith.muli %add3A, %mul3A_9 : i32
    "tpu.region"() ({
      %run_scoped3A_133 = tpu.sem_alloc : memref<!tpu.dma_semaphore, #tpu.memory_space<semaphore_mem>>
      %dma_start3A_134 = arith.constant 0 : i32
      %dma_start3A_135 = tpu.memref_slice %arg3[%mul3A_10, %dma_start3A_134] : memref<800x125xi32, #tpu.memory_space<hbm>> -> memref<25x125xi32, #tpu.memory_space<hbm>>
      %dma_start3A_136 = arith.constant 0 : i32
      %dma_start3A_137 = tpu.memref_slice %arg3[%mul3A_10, %dma_start3A_136] : memref<800x125xi32, #tpu.memory_space<hbm>> -> memref<25x125xi32, #tpu.memory_space<hbm>>
      tpu.enqueue_dma source(%dma_start3A_137 : memref<25x125xi32, #tpu.memory_space<hbm>>) target(%arg13 : memref<25x125xi32, #tpu.memory_space<vmem>>) target_semaphore(%run_scoped3A_133 : memref<!tpu.dma_semaphore, #tpu.memory_space<semaphore_mem>>)
      %dma_wait3A_138 = arith.constant 0 : i32
      %dma_wait3A_139 = tpu.memref_slice %arg3[%mul3A_10, %dma_wait3A_138] : memref<800x125xi32, #tpu.memory_space<hbm>> -> memref<25x125xi32, #tpu.memory_space<hbm>>
      %dma_wait3A_140 = arith.constant 0 : i32
      %dma_wait3A_141 = tpu.memref_slice %arg3[%mul3A_10, %dma_wait3A_140] : memref<800x125xi32, #tpu.memory_space<hbm>> -> memref<25x125xi32, #tpu.memory_space<hbm>>
      tpu.wait_dma2 semaphore(%run_scoped3A_133 : memref<!tpu.dma_semaphore, #tpu.memory_space<semaphore_mem>>) src(%dma_wait3A_141 : memref<25x125xi32, #tpu.memory_space<hbm>>) dst(%arg13 : memref<25x125xi32, #tpu.memory_space<vmem>>)
      tpu.yield
    }) : () -> ()
    "tpu.region"() ({
      %run_scoped3A_133 = tpu.sem_alloc : memref<!tpu.dma_semaphore, #tpu.memory_space<semaphore_mem>>
      tpu.enqueue_dma source(%arg6 : memref<125x8xf32, #tpu.memory_space<hbm>>) target(%arg14 : memref<125x8xf32, #tpu.memory_space<vmem>>) target_semaphore(%run_scoped3A_133 : memref<!tpu.dma_semaphore, #tpu.memory_space<semaphore_mem>>)
      tpu.wait_dma2 semaphore(%run_scoped3A_133 : memref<!tpu.dma_semaphore, #tpu.memory_space<semaphore_mem>>) src(%arg6 : memref<125x8xf32, #tpu.memory_space<hbm>>) dst(%arg14 : memref<125x8xf32, #tpu.memory_space<vmem>>)
      tpu.yield
    }) : () -> ()
    %mul3A_11 = arith.constant 32 : i32
    %mul3A_12 = arith.muli %add3A, %mul3A_11 : i32
    "tpu.region"() ({
      %run_scoped3A_133 = tpu.sem_alloc : memref<!tpu.dma_semaphore, #tpu.memory_space<semaphore_mem>>
      %dma_start3A_134 = tpu.memref_slice %arg5[%mul3A_12] : memref<1024xi32, #tpu.memory_space<hbm>> -> memref<32xi32, #tpu.memory_space<hbm>>
      %dma_start3A_135 = tpu.memref_slice %arg5[%mul3A_12] : memref<1024xi32, #tpu.memory_space<hbm>> -> memref<32xi32, #tpu.memory_space<hbm>>
      tpu.enqueue_dma source(%dma_start3A_135 : memref<32xi32, #tpu.memory_space<hbm>>) target(%arg15 : memref<32xi32, #tpu.memory_space<vmem>>) target_semaphore(%run_scoped3A_133 : memref<!tpu.dma_semaphore, #tpu.memory_space<semaphore_mem>>)
      %dma_wait3A_136 = tpu.memref_slice %arg5[%mul3A_12] : memref<1024xi32, #tpu.memory_space<hbm>> -> memref<32xi32, #tpu.memory_space<hbm>>
      %dma_wait3A_137 = tpu.memref_slice %arg5[%mul3A_12] : memref<1024xi32, #tpu.memory_space<hbm>> -> memref<32xi32, #tpu.memory_space<hbm>>
      tpu.wait_dma2 semaphore(%run_scoped3A_133 : memref<!tpu.dma_semaphore, #tpu.memory_space<semaphore_mem>>) src(%dma_wait3A_137 : memref<32xi32, #tpu.memory_space<hbm>>) dst(%arg15 : memref<32xi32, #tpu.memory_space<vmem>>)
      tpu.yield
    }) : () -> ()
    %dma_start3A = arith.constant 0 : i32
    %dma_start3A_13 = tpu.memref_slice %arg4[%dma_start3A] : memref<100000xi32, #tpu.memory_space<hbm>> -> memref<100000xi32, #tpu.memory_space<hbm>>
    tpu.enqueue_indirect_dma source(%dma_start3A_13 : memref<100000xi32, #tpu.memory_space<hbm>>) target(%arg16 : memref<32xi32, #tpu.memory_space<vmem>>) offsets(%arg15 : memref<32xi32, #tpu.memory_space<vmem>>) semaphore(%arg19 : memref<!tpu.dma_semaphore, #tpu.memory_space<semaphore_mem>>)
    %dma_wait3A = arith.constant 0 : i32
    %dma_wait3A_14 = tpu.memref_slice %arg4[%dma_wait3A] : memref<100000xi32, #tpu.memory_space<hbm>> -> memref<100000xi32, #tpu.memory_space<hbm>>
    tpu.wait_indirect_dma semaphore(%arg19 : memref<!tpu.dma_semaphore, #tpu.memory_space<semaphore_mem>>) src(%dma_wait3A_14 : memref<100000xi32, #tpu.memory_space<hbm>>) dst(%arg16 : memref<32xi32, #tpu.memory_space<vmem>>)
    %mul3A_15 = arith.constant 32 : i32
    %mul3A_16 = arith.muli %add3A, %mul3A_15 : i32
    "tpu.region"() ({
      %run_scoped3A_133 = tpu.sem_alloc : memref<!tpu.dma_semaphore, #tpu.memory_space<semaphore_mem>>
      %dma_start3A_134 = tpu.memref_slice %arg11[%mul3A_16] : memref<1024xi32, #tpu.memory_space<hbm>> -> memref<32xi32, #tpu.memory_space<hbm>>
      %dma_start3A_135 = tpu.memref_slice %arg11[%mul3A_16] : memref<1024xi32, #tpu.memory_space<hbm>> -> memref<32xi32, #tpu.memory_space<hbm>>
      tpu.enqueue_dma source(%arg16 : memref<32xi32, #tpu.memory_space<vmem>>) target(%dma_start3A_135 : memref<32xi32, #tpu.memory_space<hbm>>) target_semaphore(%run_scoped3A_133 : memref<!tpu.dma_semaphore, #tpu.memory_space<semaphore_mem>>)
      %dma_wait3A_136 = tpu.memref_slice %arg11[%mul3A_16] : memref<1024xi32, #tpu.memory_space<hbm>> -> memref<32xi32, #tpu.memory_space<hbm>>
      %dma_wait3A_137 = tpu.memref_slice %arg11[%mul3A_16] : memref<1024xi32, #tpu.memory_space<hbm>> -> memref<32xi32, #tpu.memory_space<hbm>>
      tpu.wait_dma2 semaphore(%run_scoped3A_133 : memref<!tpu.dma_semaphore, #tpu.memory_space<semaphore_mem>>) src(%arg16 : memref<32xi32, #tpu.memory_space<vmem>>) dst(%dma_wait3A_137 : memref<32xi32, #tpu.memory_space<hbm>>)
      tpu.yield
    }) : () -> ()
    %barrier3A = arith.constant 0 : index
    tpu.barrier barrier_id(%barrier3A)
    %mul3A_17 = arith.constant 3125 : i32
    %mul3A_18 = arith.muli %add3A, %mul3A_17 : i32
    %add3A_19 = arith.constant 0 : i32
    %add3A_20 = arith.addi %mul3A_18, %add3A_19 : i32
    "tpu.region"() ({
      %run_scoped3A_133 = tpu.sem_alloc : memref<!tpu.dma_semaphore, #tpu.memory_space<semaphore_mem>>
      %dma_start3A_134 = arith.constant 0 : i32
      %dma_start3A_135 = tpu.memref_slice %arg2[%add3A_20, %dma_start3A_134] : memref<100000x64xf32, #tpu.memory_space<hbm>> -> memref<125x64xf32, #tpu.memory_space<hbm>>
      %dma_start3A_136 = arith.constant 0 : i32
      %dma_start3A_137 = tpu.memref_slice %arg2[%add3A_20, %dma_start3A_136] : memref<100000x64xf32, #tpu.memory_space<hbm>> -> memref<125x64xf32, #tpu.memory_space<hbm>>
      tpu.enqueue_dma source(%dma_start3A_137 : memref<125x64xf32, #tpu.memory_space<hbm>>) target(%arg12 : memref<125x64xf32, #tpu.memory_space<vmem>>) target_semaphore(%run_scoped3A_133 : memref<!tpu.dma_semaphore, #tpu.memory_space<semaphore_mem>>)
      %dma_wait3A_138 = arith.constant 0 : i32
      %dma_wait3A_139 = tpu.memref_slice %arg2[%add3A_20, %dma_wait3A_138] : memref<100000x64xf32, #tpu.memory_space<hbm>> -> memref<125x64xf32, #tpu.memory_space<hbm>>
      %dma_wait3A_140 = arith.constant 0 : i32
      %dma_wait3A_141 = tpu.memref_slice %arg2[%add3A_20, %dma_wait3A_140] : memref<100000x64xf32, #tpu.memory_space<hbm>> -> memref<125x64xf32, #tpu.memory_space<hbm>>
      tpu.wait_dma2 semaphore(%run_scoped3A_133 : memref<!tpu.dma_semaphore, #tpu.memory_space<semaphore_mem>>) src(%dma_wait3A_141 : memref<125x64xf32, #tpu.memory_space<hbm>>) dst(%arg12 : memref<125x64xf32, #tpu.memory_space<vmem>>)
      tpu.yield
    }) : () -> ()
    %run_scoped3A = arith.constant 0 : i32
    "tpu.region"() ({
      %run_scoped3A_133 = tpu.sem_alloc : memref<!tpu.dma_semaphore, #tpu.memory_space<semaphore_mem>>
      %dma_start3A_134 = arith.constant 0 : i32
      %dma_start3A_135 = tpu.memref_slice %arg13[%run_scoped3A, %dma_start3A_134] : memref<25x125xi32, #tpu.memory_space<vmem>> -> memref<1x125xi32, #tpu.memory_space<vmem>>
      %dma_start3A_136 = tpu.memref_squeeze %dma_start3A_135 : memref<1x125xi32, #tpu.memory_space<vmem>> -> memref<125xi32, #tpu.memory_space<vmem>>
      %dma_start3A_137 = arith.constant 0 : i32
      %dma_start3A_138 = arith.constant 0 : i32
      %dma_start3A_139 = tpu.memref_slice %arg17[%dma_start3A_137, %dma_start3A_138] : memref<10000x64xf32, #tpu.memory_space<vmem_shared>> -> memref<10000x64xf32, #tpu.memory_space<vmem_shared>>
      tpu.enqueue_indirect_dma source(%arg12 : memref<125x64xf32, #tpu.memory_space<vmem>>) target(%dma_start3A_139 : memref<10000x64xf32, #tpu.memory_space<vmem_shared>>) offsets(%dma_start3A_136 : memref<125xi32, #tpu.memory_space<vmem>>) semaphore(%run_scoped3A_133 : memref<!tpu.dma_semaphore, #tpu.memory_space<semaphore_mem>>) {add = true}
      %dma_wait3A_140 = arith.constant 0 : i32
      %dma_wait3A_141 = tpu.memref_slice %arg13[%run_scoped3A, %dma_wait3A_140] : memref<25x125xi32, #tpu.memory_space<vmem>> -> memref<1x125xi32, #tpu.memory_space<vmem>>
      %dma_wait3A_142 = tpu.memref_squeeze %dma_wait3A_141 : memref<1x125xi32, #tpu.memory_space<vmem>> -> memref<125xi32, #tpu.memory_space<vmem>>
      %dma_wait3A_143 = arith.constant 0 : i32
      %dma_wait3A_144 = arith.constant 0 : i32
      %dma_wait3A_145 = tpu.memref_slice %arg17[%dma_wait3A_143, %dma_wait3A_144] : memref<10000x64xf32, #tpu.memory_space<vmem_shared>> -> memref<10000x64xf32, #tpu.memory_space<vmem_shared>>
      tpu.wait_indirect_dma semaphore(%run_scoped3A_133 : memref<!tpu.dma_semaphore, #tpu.memory_space<semaphore_mem>>) src(%arg12 : memref<125x64xf32, #tpu.memory_space<vmem>>) dst(%dma_wait3A_145 : memref<10000x64xf32, #tpu.memory_space<vmem_shared>>)
      tpu.yield
    }) : () -> ()
    %run_scoped3A_21 = arith.constant 0 : i32
    "tpu.region"() ({
      %run_scoped3A_133 = tpu.sem_alloc : memref<!tpu.dma_semaphore, #tpu.memory_space<semaphore_mem>>
      %dma_start3A_134 = arith.constant 0 : i32
      %dma_start3A_135 = tpu.memref_slice %arg13[%run_scoped3A_21, %dma_start3A_134] : memref<25x125xi32, #tpu.memory_space<vmem>> -> memref<1x125xi32, #tpu.memory_space<vmem>>
      %dma_start3A_136 = tpu.memref_squeeze %dma_start3A_135 : memref<1x125xi32, #tpu.memory_space<vmem>> -> memref<125xi32, #tpu.memory_space<vmem>>
      %dma_start3A_137 = arith.constant 0 : i32
      %dma_start3A_138 = arith.constant 0 : i32
      %dma_start3A_139 = tpu.memref_slice %arg18[%dma_start3A_137, %dma_start3A_138] : memref<10000x8xf32, #tpu.memory_space<vmem_shared>> -> memref<10000x8xf32, #tpu.memory_space<vmem_shared>>
      tpu.enqueue_indirect_dma source(%arg14 : memref<125x8xf32, #tpu.memory_space<vmem>>) target(%dma_start3A_139 : memref<10000x8xf32, #tpu.memory_space<vmem_shared>>) offsets(%dma_start3A_136 : memref<125xi32, #tpu.memory_space<vmem>>) semaphore(%run_scoped3A_133 : memref<!tpu.dma_semaphore, #tpu.memory_space<semaphore_mem>>) {add = true}
      %dma_wait3A_140 = arith.constant 0 : i32
      %dma_wait3A_141 = tpu.memref_slice %arg13[%run_scoped3A_21, %dma_wait3A_140] : memref<25x125xi32, #tpu.memory_space<vmem>> -> memref<1x125xi32, #tpu.memory_space<vmem>>
      %dma_wait3A_142 = tpu.memref_squeeze %dma_wait3A_141 : memref<1x125xi32, #tpu.memory_space<vmem>> -> memref<125xi32, #tpu.memory_space<vmem>>
      %dma_wait3A_143 = arith.constant 0 : i32
      %dma_wait3A_144 = arith.constant 0 : i32
      %dma_wait3A_145 = tpu.memref_slice %arg18[%dma_wait3A_143, %dma_wait3A_144] : memref<10000x8xf32, #tpu.memory_space<vmem_shared>> -> memref<10000x8xf32, #tpu.memory_space<vmem_shared>>
      tpu.wait_indirect_dma semaphore(%run_scoped3A_133 : memref<!tpu.dma_semaphore, #tpu.memory_space<semaphore_mem>>) src(%arg14 : memref<125x8xf32, #tpu.memory_space<vmem>>) dst(%dma_wait3A_145 : memref<10000x8xf32, #tpu.memory_space<vmem_shared>>)
      tpu.yield
    }) : () -> ()
    %add3A_22 = arith.constant 125 : i32
    %add3A_23 = arith.addi %mul3A_18, %add3A_22 : i32
    "tpu.region"() ({
      %run_scoped3A_133 = tpu.sem_alloc : memref<!tpu.dma_semaphore, #tpu.memory_space<semaphore_mem>>
      %dma_start3A_134 = arith.constant 0 : i32
      %dma_start3A_135 = tpu.memref_slice %arg2[%add3A_23, %dma_start3A_134] : memref<100000x64xf32, #tpu.memory_space<hbm>> -> memref<125x64xf32, #tpu.memory_space<hbm>>
      %dma_start3A_136 = arith.constant 0 : i32
      %dma_start3A_137 = tpu.memref_slice %arg2[%add3A_23, %dma_start3A_136] : memref<100000x64xf32, #tpu.memory_space<hbm>> -> memref<125x64xf32, #tpu.memory_space<hbm>>
      tpu.enqueue_dma source(%dma_start3A_137 : memref<125x64xf32, #tpu.memory_space<hbm>>) target(%arg12 : memref<125x64xf32, #tpu.memory_space<vmem>>) target_semaphore(%run_scoped3A_133 : memref<!tpu.dma_semaphore, #tpu.memory_space<semaphore_mem>>)
      %dma_wait3A_138 = arith.constant 0 : i32
      %dma_wait3A_139 = tpu.memref_slice %arg2[%add3A_23, %dma_wait3A_138] : memref<100000x64xf32, #tpu.memory_space<hbm>> -> memref<125x64xf32, #tpu.memory_space<hbm>>
      %dma_wait3A_140 = arith.constant 0 : i32
      %dma_wait3A_141 = tpu.memref_slice %arg2[%add3A_23, %dma_wait3A_140] : memref<100000x64xf32, #tpu.memory_space<hbm>> -> memref<125x64xf32, #tpu.memory_space<hbm>>
      tpu.wait_dma2 semaphore(%run_scoped3A_133 : memref<!tpu.dma_semaphore, #tpu.memory_space<semaphore_mem>>) src(%dma_wait3A_141 : memref<125x64xf32, #tpu.memory_space<hbm>>) dst(%arg12 : memref<125x64xf32, #tpu.memory_space<vmem>>)
      tpu.yield
    }) : () -> ()
    %run_scoped3A_24 = arith.constant 1 : i32
    "tpu.region"() ({
      %run_scoped3A_133 = tpu.sem_alloc : memref<!tpu.dma_semaphore, #tpu.memory_space<semaphore_mem>>
      %dma_start3A_134 = arith.constant 0 : i32
      %dma_start3A_135 = tpu.memref_slice %arg13[%run_scoped3A_24, %dma_start3A_134] : memref<25x125xi32, #tpu.memory_space<vmem>> -> memref<1x125xi32, #tpu.memory_space<vmem>>
      %dma_start3A_136 = tpu.memref_squeeze %dma_start3A_135 : memref<1x125xi32, #tpu.memory_space<vmem>> -> memref<125xi32, #tpu.memory_space<vmem>>
      %dma_start3A_137 = arith.constant 0 : i32
      %dma_start3A_138 = arith.constant 0 : i32
      %dma_start3A_139 = tpu.memref_slice %arg17[%dma_start3A_137, %dma_start3A_138] : memref<10000x64xf32, #tpu.memory_space<vmem_shared>> -> memref<10000x64xf32, #tpu.memory_space<vmem_shared>>
      tpu.enqueue_indirect_dma source(%arg12 : memref<125x64xf32, #tpu.memory_space<vmem>>) target(%dma_start3A_139 : memref<10000x64xf32, #tpu.memory_space<vmem_shared>>) offsets(%dma_start3A_136 : memref<125xi32, #tpu.memory_space<vmem>>) semaphore(%run_scoped3A_133 : memref<!tpu.dma_semaphore, #tpu.memory_space<semaphore_mem>>) {add = true}
      %dma_wait3A_140 = arith.constant 0 : i32
      %dma_wait3A_141 = tpu.memref_slice %arg13[%run_scoped3A_24, %dma_wait3A_140] : memref<25x125xi32, #tpu.memory_space<vmem>> -> memref<1x125xi32, #tpu.memory_space<vmem>>
      %dma_wait3A_142 = tpu.memref_squeeze %dma_wait3A_141 : memref<1x125xi32, #tpu.memory_space<vmem>> -> memref<125xi32, #tpu.memory_space<vmem>>
      %dma_wait3A_143 = arith.constant 0 : i32
      %dma_wait3A_144 = arith.constant 0 : i32
      %dma_wait3A_145 = tpu.memref_slice %arg17[%dma_wait3A_143, %dma_wait3A_144] : memref<10000x64xf32, #tpu.memory_space<vmem_shared>> -> memref<10000x64xf32, #tpu.memory_space<vmem_shared>>
      tpu.wait_indirect_dma semaphore(%run_scoped3A_133 : memref<!tpu.dma_semaphore, #tpu.memory_space<semaphore_mem>>) src(%arg12 : memref<125x64xf32, #tpu.memory_space<vmem>>) dst(%dma_wait3A_145 : memref<10000x64xf32, #tpu.memory_space<vmem_shared>>)
      tpu.yield
    }) : () -> ()
    %run_scoped3A_25 = arith.constant 1 : i32
    "tpu.region"() ({
      %run_scoped3A_133 = tpu.sem_alloc : memref<!tpu.dma_semaphore, #tpu.memory_space<semaphore_mem>>
      %dma_start3A_134 = arith.constant 0 : i32
      %dma_start3A_135 = tpu.memref_slice %arg13[%run_scoped3A_25, %dma_start3A_134] : memref<25x125xi32, #tpu.memory_space<vmem>> -> memref<1x125xi32, #tpu.memory_space<vmem>>
      %dma_start3A_136 = tpu.memref_squeeze %dma_start3A_135 : memref<1x125xi32, #tpu.memory_space<vmem>> -> memref<125xi32, #tpu.memory_space<vmem>>
      %dma_start3A_137 = arith.constant 0 : i32
      %dma_start3A_138 = arith.constant 0 : i32
      %dma_start3A_139 = tpu.memref_slice %arg18[%dma_start3A_137, %dma_start3A_138] : memref<10000x8xf32, #tpu.memory_space<vmem_shared>> -> memref<10000x8xf32, #tpu.memory_space<vmem_shared>>
      tpu.enqueue_indirect_dma source(%arg14 : memref<125x8xf32, #tpu.memory_space<vmem>>) target(%dma_start3A_139 : memref<10000x8xf32, #tpu.memory_space<vmem_shared>>) offsets(%dma_start3A_136 : memref<125xi32, #tpu.memory_space<vmem>>) semaphore(%run_scoped3A_133 : memref<!tpu.dma_semaphore, #tpu.memory_space<semaphore_mem>>) {add = true}
      %dma_wait3A_140 = arith.constant 0 : i32
      %dma_wait3A_141 = tpu.memref_slice %arg13[%run_scoped3A_25, %dma_wait3A_140] : memref<25x125xi32, #tpu.memory_space<vmem>> -> memref<1x125xi32, #tpu.memory_space<vmem>>
      %dma_wait3A_142 = tpu.memref_squeeze %dma_wait3A_141 : memref<1x125xi32, #tpu.memory_space<vmem>> -> memref<125xi32, #tpu.memory_space<vmem>>
      %dma_wait3A_143 = arith.constant 0 : i32
      %dma_wait3A_144 = arith.constant 0 : i32
      %dma_wait3A_145 = tpu.memref_slice %arg18[%dma_wait3A_143, %dma_wait3A_144] : memref<10000x8xf32, #tpu.memory_space<vmem_shared>> -> memref<10000x8xf32, #tpu.memory_space<vmem_shared>>
      tpu.wait_indirect_dma semaphore(%run_scoped3A_133 : memref<!tpu.dma_semaphore, #tpu.memory_space<semaphore_mem>>) src(%arg14 : memref<125x8xf32, #tpu.memory_space<vmem>>) dst(%dma_wait3A_145 : memref<10000x8xf32, #tpu.memory_space<vmem_shared>>)
      tpu.yield
    }) : () -> ()
    %add3A_26 = arith.constant 250 : i32
    %add3A_27 = arith.addi %mul3A_18, %add3A_26 : i32
    "tpu.region"() ({
      %run_scoped3A_133 = tpu.sem_alloc : memref<!tpu.dma_semaphore, #tpu.memory_space<semaphore_mem>>
      %dma_start3A_134 = arith.constant 0 : i32
      %dma_start3A_135 = tpu.memref_slice %arg2[%add3A_27, %dma_start3A_134] : memref<100000x64xf32, #tpu.memory_space<hbm>> -> memref<125x64xf32, #tpu.memory_space<hbm>>
      %dma_start3A_136 = arith.constant 0 : i32
      %dma_start3A_137 = tpu.memref_slice %arg2[%add3A_27, %dma_start3A_136] : memref<100000x64xf32, #tpu.memory_space<hbm>> -> memref<125x64xf32, #tpu.memory_space<hbm>>
      tpu.enqueue_dma source(%dma_start3A_137 : memref<125x64xf32, #tpu.memory_space<hbm>>) target(%arg12 : memref<125x64xf32, #tpu.memory_space<vmem>>) target_semaphore(%run_scoped3A_133 : memref<!tpu.dma_semaphore, #tpu.memory_space<semaphore_mem>>)
      %dma_wait3A_138 = arith.constant 0 : i32
      %dma_wait3A_139 = tpu.memref_slice %arg2[%add3A_27, %dma_wait3A_138] : memref<100000x64xf32, #tpu.memory_space<hbm>> -> memref<125x64xf32, #tpu.memory_space<hbm>>
      %dma_wait3A_140 = arith.constant 0 : i32
      %dma_wait3A_141 = tpu.memref_slice %arg2[%add3A_27, %dma_wait3A_140] : memref<100000x64xf32, #tpu.memory_space<hbm>> -> memref<125x64xf32, #tpu.memory_space<hbm>>
      tpu.wait_dma2 semaphore(%run_scoped3A_133 : memref<!tpu.dma_semaphore, #tpu.memory_space<semaphore_mem>>) src(%dma_wait3A_141 : memref<125x64xf32, #tpu.memory_space<hbm>>) dst(%arg12 : memref<125x64xf32, #tpu.memory_space<vmem>>)
      tpu.yield
    }) : () -> ()
    %run_scoped3A_28 = arith.constant 2 : i32
    "tpu.region"() ({
      %run_scoped3A_133 = tpu.sem_alloc : memref<!tpu.dma_semaphore, #tpu.memory_space<semaphore_mem>>
      %dma_start3A_134 = arith.constant 0 : i32
      %dma_start3A_135 = tpu.memref_slice %arg13[%run_scoped3A_28, %dma_start3A_134] : memref<25x125xi32, #tpu.memory_space<vmem>> -> memref<1x125xi32, #tpu.memory_space<vmem>>
      %dma_start3A_136 = tpu.memref_squeeze %dma_start3A_135 : memref<1x125xi32, #tpu.memory_space<vmem>> -> memref<125xi32, #tpu.memory_space<vmem>>
      %dma_start3A_137 = arith.constant 0 : i32
      %dma_start3A_138 = arith.constant 0 : i32
      %dma_start3A_139 = tpu.memref_slice %arg17[%dma_start3A_137, %dma_start3A_138] : memref<10000x64xf32, #tpu.memory_space<vmem_shared>> -> memref<10000x64xf32, #tpu.memory_space<vmem_shared>>
      tpu.enqueue_indirect_dma source(%arg12 : memref<125x64xf32, #tpu.memory_space<vmem>>) target(%dma_start3A_139 : memref<10000x64xf32, #tpu.memory_space<vmem_shared>>) offsets(%dma_start3A_136 : memref<125xi32, #tpu.memory_space<vmem>>) semaphore(%run_scoped3A_133 : memref<!tpu.dma_semaphore, #tpu.memory_space<semaphore_mem>>) {add = true}
      %dma_wait3A_140 = arith.constant 0 : i32
      %dma_wait3A_141 = tpu.memref_slice %arg13[%run_scoped3A_28, %dma_wait3A_140] : memref<25x125xi32, #tpu.memory_space<vmem>> -> memref<1x125xi32, #tpu.memory_space<vmem>>
      %dma_wait3A_142 = tpu.memref_squeeze %dma_wait3A_141 : memref<1x125xi32, #tpu.memory_space<vmem>> -> memref<125xi32, #tpu.memory_space<vmem>>
      %dma_wait3A_143 = arith.constant 0 : i32
      %dma_wait3A_144 = arith.constant 0 : i32
      %dma_wait3A_145 = tpu.memref_slice %arg17[%dma_wait3A_143, %dma_wait3A_144] : memref<10000x64xf32, #tpu.memory_space<vmem_shared>> -> memref<10000x64xf32, #tpu.memory_space<vmem_shared>>
      tpu.wait_indirect_dma semaphore(%run_scoped3A_133 : memref<!tpu.dma_semaphore, #tpu.memory_space<semaphore_mem>>) src(%arg12 : memref<125x64xf32, #tpu.memory_space<vmem>>) dst(%dma_wait3A_145 : memref<10000x64xf32, #tpu.memory_space<vmem_shared>>)
      tpu.yield
    }) : () -> ()
    %run_scoped3A_29 = arith.constant 2 : i32
    "tpu.region"() ({
      %run_scoped3A_133 = tpu.sem_alloc : memref<!tpu.dma_semaphore, #tpu.memory_space<semaphore_mem>>
      %dma_start3A_134 = arith.constant 0 : i32
      %dma_start3A_135 = tpu.memref_slice %arg13[%run_scoped3A_29, %dma_start3A_134] : memref<25x125xi32, #tpu.memory_space<vmem>> -> memref<1x125xi32, #tpu.memory_space<vmem>>
      %dma_start3A_136 = tpu.memref_squeeze %dma_start3A_135 : memref<1x125xi32, #tpu.memory_space<vmem>> -> memref<125xi32, #tpu.memory_space<vmem>>
      %dma_start3A_137 = arith.constant 0 : i32
      %dma_start3A_138 = arith.constant 0 : i32
      %dma_start3A_139 = tpu.memref_slice %arg18[%dma_start3A_137, %dma_start3A_138] : memref<10000x8xf32, #tpu.memory_space<vmem_shared>> -> memref<10000x8xf32, #tpu.memory_space<vmem_shared>>
      tpu.enqueue_indirect_dma source(%arg14 : memref<125x8xf32, #tpu.memory_space<vmem>>) target(%dma_start3A_139 : memref<10000x8xf32, #tpu.memory_space<vmem_shared>>) offsets(%dma_start3A_136 : memref<125xi32, #tpu.memory_space<vmem>>) semaphore(%run_scoped3A_133 : memref<!tpu.dma_semaphore, #tpu.memory_space<semaphore_mem>>) {add = true}
      %dma_wait3A_140 = arith.constant 0 : i32
      %dma_wait3A_141 = tpu.memref_slice %arg13[%run_scoped3A_29, %dma_wait3A_140] : memref<25x125xi32, #tpu.memory_space<vmem>> -> memref<1x125xi32, #tpu.memory_space<vmem>>
      %dma_wait3A_142 = tpu.memref_squeeze %dma_wait3A_141 : memref<1x125xi32, #tpu.memory_space<vmem>> -> memref<125xi32, #tpu.memory_space<vmem>>
      %dma_wait3A_143 = arith.constant 0 : i32
      %dma_wait3A_144 = arith.constant 0 : i32
      %dma_wait3A_145 = tpu.memref_slice %arg18[%dma_wait3A_143, %dma_wait3A_144] : memref<10000x8xf32, #tpu.memory_space<vmem_shared>> -> memref<10000x8xf32, #tpu.memory_space<vmem_shared>>
      tpu.wait_indirect_dma semaphore(%run_scoped3A_133 : memref<!tpu.dma_semaphore, #tpu.memory_space<semaphore_mem>>) src(%arg14 : memref<125x8xf32, #tpu.memory_space<vmem>>) dst(%dma_wait3A_145 : memref<10000x8xf32, #tpu.memory_space<vmem_shared>>)
      tpu.yield
    }) : () -> ()
    %add3A_30 = arith.constant 375 : i32
    %add3A_31 = arith.addi %mul3A_18, %add3A_30 : i32
    "tpu.region"() ({
      %run_scoped3A_133 = tpu.sem_alloc : memref<!tpu.dma_semaphore, #tpu.memory_space<semaphore_mem>>
      %dma_start3A_134 = arith.constant 0 : i32
      %dma_start3A_135 = tpu.memref_slice %arg2[%add3A_31, %dma_start3A_134] : memref<100000x64xf32, #tpu.memory_space<hbm>> -> memref<125x64xf32, #tpu.memory_space<hbm>>
      %dma_start3A_136 = arith.constant 0 : i32
      %dma_start3A_137 = tpu.memref_slice %arg2[%add3A_31, %dma_start3A_136] : memref<100000x64xf32, #tpu.memory_space<hbm>> -> memref<125x64xf32, #tpu.memory_space<hbm>>
      tpu.enqueue_dma source(%dma_start3A_137 : memref<125x64xf32, #tpu.memory_space<hbm>>) target(%arg12 : memref<125x64xf32, #tpu.memory_space<vmem>>) target_semaphore(%run_scoped3A_133 : memref<!tpu.dma_semaphore, #tpu.memory_space<semaphore_mem>>)
      %dma_wait3A_138 = arith.constant 0 : i32
      %dma_wait3A_139 = tpu.memref_slice %arg2[%add3A_31, %dma_wait3A_138] : memref<100000x64xf32, #tpu.memory_space<hbm>> -> memref<125x64xf32, #tpu.memory_space<hbm>>
      %dma_wait3A_140 = arith.constant 0 : i32
      %dma_wait3A_141 = tpu.memref_slice %arg2[%add3A_31, %dma_wait3A_140] : memref<100000x64xf32, #tpu.memory_space<hbm>> -> memref<125x64xf32, #tpu.memory_space<hbm>>
      tpu.wait_dma2 semaphore(%run_scoped3A_133 : memref<!tpu.dma_semaphore, #tpu.memory_space<semaphore_mem>>) src(%dma_wait3A_141 : memref<125x64xf32, #tpu.memory_space<hbm>>) dst(%arg12 : memref<125x64xf32, #tpu.memory_space<vmem>>)
      tpu.yield
    }) : () -> ()
    %run_scoped3A_32 = arith.constant 3 : i32
    "tpu.region"() ({
      %run_scoped3A_133 = tpu.sem_alloc : memref<!tpu.dma_semaphore, #tpu.memory_space<semaphore_mem>>
      %dma_start3A_134 = arith.constant 0 : i32
      %dma_start3A_135 = tpu.memref_slice %arg13[%run_scoped3A_32, %dma_start3A_134] : memref<25x125xi32, #tpu.memory_space<vmem>> -> memref<1x125xi32, #tpu.memory_space<vmem>>
      %dma_start3A_136 = tpu.memref_squeeze %dma_start3A_135 : memref<1x125xi32, #tpu.memory_space<vmem>> -> memref<125xi32, #tpu.memory_space<vmem>>
      %dma_start3A_137 = arith.constant 0 : i32
      %dma_start3A_138 = arith.constant 0 : i32
      %dma_start3A_139 = tpu.memref_slice %arg17[%dma_start3A_137, %dma_start3A_138] : memref<10000x64xf32, #tpu.memory_space<vmem_shared>> -> memref<10000x64xf32, #tpu.memory_space<vmem_shared>>
      tpu.enqueue_indirect_dma source(%arg12 : memref<125x64xf32, #tpu.memory_space<vmem>>) target(%dma_start3A_139 : memref<10000x64xf32, #tpu.memory_space<vmem_shared>>) offsets(%dma_start3A_136 : memref<125xi32, #tpu.memory_space<vmem>>) semaphore(%run_scoped3A_133 : memref<!tpu.dma_semaphore, #tpu.memory_space<semaphore_mem>>) {add = true}
      %dma_wait3A_140 = arith.constant 0 : i32
      %dma_wait3A_141 = tpu.memref_slice %arg13[%run_scoped3A_32, %dma_wait3A_140] : memref<25x125xi32, #tpu.memory_space<vmem>> -> memref<1x125xi32, #tpu.memory_space<vmem>>
      %dma_wait3A_142 = tpu.memref_squeeze %dma_wait3A_141 : memref<1x125xi32, #tpu.memory_space<vmem>> -> memref<125xi32, #tpu.memory_space<vmem>>
      %dma_wait3A_143 = arith.constant 0 : i32
      %dma_wait3A_144 = arith.constant 0 : i32
      %dma_wait3A_145 = tpu.memref_slice %arg17[%dma_wait3A_143, %dma_wait3A_144] : memref<10000x64xf32, #tpu.memory_space<vmem_shared>> -> memref<10000x64xf32, #tpu.memory_space<vmem_shared>>
      tpu.wait_indirect_dma semaphore(%run_scoped3A_133 : memref<!tpu.dma_semaphore, #tpu.memory_space<semaphore_mem>>) src(%arg12 : memref<125x64xf32, #tpu.memory_space<vmem>>) dst(%dma_wait3A_145 : memref<10000x64xf32, #tpu.memory_space<vmem_shared>>)
      tpu.yield
    }) : () -> ()
    %run_scoped3A_33 = arith.constant 3 : i32
    "tpu.region"() ({
      %run_scoped3A_133 = tpu.sem_alloc : memref<!tpu.dma_semaphore, #tpu.memory_space<semaphore_mem>>
      %dma_start3A_134 = arith.constant 0 : i32
      %dma_start3A_135 = tpu.memref_slice %arg13[%run_scoped3A_33, %dma_start3A_134] : memref<25x125xi32, #tpu.memory_space<vmem>> -> memref<1x125xi32, #tpu.memory_space<vmem>>
      %dma_start3A_136 = tpu.memref_squeeze %dma_start3A_135 : memref<1x125xi32, #tpu.memory_space<vmem>> -> memref<125xi32, #tpu.memory_space<vmem>>
      %dma_start3A_137 = arith.constant 0 : i32
      %dma_start3A_138 = arith.constant 0 : i32
      %dma_start3A_139 = tpu.memref_slice %arg18[%dma_start3A_137, %dma_start3A_138] : memref<10000x8xf32, #tpu.memory_space<vmem_shared>> -> memref<10000x8xf32, #tpu.memory_space<vmem_shared>>
      tpu.enqueue_indirect_dma source(%arg14 : memref<125x8xf32, #tpu.memory_space<vmem>>) target(%dma_start3A_139 : memref<10000x8xf32, #tpu.memory_space<vmem_shared>>) offsets(%dma_start3A_136 : memref<125xi32, #tpu.memory_space<vmem>>) semaphore(%run_scoped3A_133 : memref<!tpu.dma_semaphore, #tpu.memory_space<semaphore_mem>>) {add = true}
      %dma_wait3A_140 = arith.constant 0 : i32
      %dma_wait3A_141 = tpu.memref_slice %arg13[%run_scoped3A_33, %dma_wait3A_140] : memref<25x125xi32, #tpu.memory_space<vmem>> -> memref<1x125xi32, #tpu.memory_space<vmem>>
      %dma_wait3A_142 = tpu.memref_squeeze %dma_wait3A_141 : memref<1x125xi32, #tpu.memory_space<vmem>> -> memref<125xi32, #tpu.memory_space<vmem>>
      %dma_wait3A_143 = arith.constant 0 : i32
      %dma_wait3A_144 = arith.constant 0 : i32
      %dma_wait3A_145 = tpu.memref_slice %arg18[%dma_wait3A_143, %dma_wait3A_144] : memref<10000x8xf32, #tpu.memory_space<vmem_shared>> -> memref<10000x8xf32, #tpu.memory_space<vmem_shared>>
      tpu.wait_indirect_dma semaphore(%run_scoped3A_133 : memref<!tpu.dma_semaphore, #tpu.memory_space<semaphore_mem>>) src(%arg14 : memref<125x8xf32, #tpu.memory_space<vmem>>) dst(%dma_wait3A_145 : memref<10000x8xf32, #tpu.memory_space<vmem_shared>>)
      tpu.yield
    }) : () -> ()
    %add3A_34 = arith.constant 500 : i32
    %add3A_35 = arith.addi %mul3A_18, %add3A_34 : i32
    "tpu.region"() ({
      %run_scoped3A_133 = tpu.sem_alloc : memref<!tpu.dma_semaphore, #tpu.memory_space<semaphore_mem>>
      %dma_start3A_134 = arith.constant 0 : i32
      %dma_start3A_135 = tpu.memref_slice %arg2[%add3A_35, %dma_start3A_134] : memref<100000x64xf32, #tpu.memory_space<hbm>> -> memref<125x64xf32, #tpu.memory_space<hbm>>
      %dma_start3A_136 = arith.constant 0 : i32
      %dma_start3A_137 = tpu.memref_slice %arg2[%add3A_35, %dma_start3A_136] : memref<100000x64xf32, #tpu.memory_space<hbm>> -> memref<125x64xf32, #tpu.memory_space<hbm>>
      tpu.enqueue_dma source(%dma_start3A_137 : memref<125x64xf32, #tpu.memory_space<hbm>>) target(%arg12 : memref<125x64xf32, #tpu.memory_space<vmem>>) target_semaphore(%run_scoped3A_133 : memref<!tpu.dma_semaphore, #tpu.memory_space<semaphore_mem>>)
      %dma_wait3A_138 = arith.constant 0 : i32
      %dma_wait3A_139 = tpu.memref_slice %arg2[%add3A_35, %dma_wait3A_138] : memref<100000x64xf32, #tpu.memory_space<hbm>> -> memref<125x64xf32, #tpu.memory_space<hbm>>
      %dma_wait3A_140 = arith.constant 0 : i32
      %dma_wait3A_141 = tpu.memref_slice %arg2[%add3A_35, %dma_wait3A_140] : memref<100000x64xf32, #tpu.memory_space<hbm>> -> memref<125x64xf32, #tpu.memory_space<hbm>>
      tpu.wait_dma2 semaphore(%run_scoped3A_133 : memref<!tpu.dma_semaphore, #tpu.memory_space<semaphore_mem>>) src(%dma_wait3A_141 : memref<125x64xf32, #tpu.memory_space<hbm>>) dst(%arg12 : memref<125x64xf32, #tpu.memory_space<vmem>>)
      tpu.yield
    }) : () -> ()
    %run_scoped3A_36 = arith.constant 4 : i32
    "tpu.region"() ({
      %run_scoped3A_133 = tpu.sem_alloc : memref<!tpu.dma_semaphore, #tpu.memory_space<semaphore_mem>>
      %dma_start3A_134 = arith.constant 0 : i32
      %dma_start3A_135 = tpu.memref_slice %arg13[%run_scoped3A_36, %dma_start3A_134] : memref<25x125xi32, #tpu.memory_space<vmem>> -> memref<1x125xi32, #tpu.memory_space<vmem>>
      %dma_start3A_136 = tpu.memref_squeeze %dma_start3A_135 : memref<1x125xi32, #tpu.memory_space<vmem>> -> memref<125xi32, #tpu.memory_space<vmem>>
      %dma_start3A_137 = arith.constant 0 : i32
      %dma_start3A_138 = arith.constant 0 : i32
      %dma_start3A_139 = tpu.memref_slice %arg17[%dma_start3A_137, %dma_start3A_138] : memref<10000x64xf32, #tpu.memory_space<vmem_shared>> -> memref<10000x64xf32, #tpu.memory_space<vmem_shared>>
      tpu.enqueue_indirect_dma source(%arg12 : memref<125x64xf32, #tpu.memory_space<vmem>>) target(%dma_start3A_139 : memref<10000x64xf32, #tpu.memory_space<vmem_shared>>) offsets(%dma_start3A_136 : memref<125xi32, #tpu.memory_space<vmem>>) semaphore(%run_scoped3A_133 : memref<!tpu.dma_semaphore, #tpu.memory_space<semaphore_mem>>) {add = true}
      %dma_wait3A_140 = arith.constant 0 : i32
      %dma_wait3A_141 = tpu.memref_slice %arg13[%run_scoped3A_36, %dma_wait3A_140] : memref<25x125xi32, #tpu.memory_space<vmem>> -> memref<1x125xi32, #tpu.memory_space<vmem>>
      %dma_wait3A_142 = tpu.memref_squeeze %dma_wait3A_141 : memref<1x125xi32, #tpu.memory_space<vmem>> -> memref<125xi32, #tpu.memory_space<vmem>>
      %dma_wait3A_143 = arith.constant 0 : i32
      %dma_wait3A_144 = arith.constant 0 : i32
      %dma_wait3A_145 = tpu.memref_slice %arg17[%dma_wait3A_143, %dma_wait3A_144] : memref<10000x64xf32, #tpu.memory_space<vmem_shared>> -> memref<10000x64xf32, #tpu.memory_space<vmem_shared>>
      tpu.wait_indirect_dma semaphore(%run_scoped3A_133 : memref<!tpu.dma_semaphore, #tpu.memory_space<semaphore_mem>>) src(%arg12 : memref<125x64xf32, #tpu.memory_space<vmem>>) dst(%dma_wait3A_145 : memref<10000x64xf32, #tpu.memory_space<vmem_shared>>)
      tpu.yield
    }) : () -> ()
    %run_scoped3A_37 = arith.constant 4 : i32
    "tpu.region"() ({
      %run_scoped3A_133 = tpu.sem_alloc : memref<!tpu.dma_semaphore, #tpu.memory_space<semaphore_mem>>
      %dma_start3A_134 = arith.constant 0 : i32
      %dma_start3A_135 = tpu.memref_slice %arg13[%run_scoped3A_37, %dma_start3A_134] : memref<25x125xi32, #tpu.memory_space<vmem>> -> memref<1x125xi32, #tpu.memory_space<vmem>>
      %dma_start3A_136 = tpu.memref_squeeze %dma_start3A_135 : memref<1x125xi32, #tpu.memory_space<vmem>> -> memref<125xi32, #tpu.memory_space<vmem>>
      %dma_start3A_137 = arith.constant 0 : i32
      %dma_start3A_138 = arith.constant 0 : i32
      %dma_start3A_139 = tpu.memref_slice %arg18[%dma_start3A_137, %dma_start3A_138] : memref<10000x8xf32, #tpu.memory_space<vmem_shared>> -> memref<10000x8xf32, #tpu.memory_space<vmem_shared>>
      tpu.enqueue_indirect_dma source(%arg14 : memref<125x8xf32, #tpu.memory_space<vmem>>) target(%dma_start3A_139 : memref<10000x8xf32, #tpu.memory_space<vmem_shared>>) offsets(%dma_start3A_136 : memref<125xi32, #tpu.memory_space<vmem>>) semaphore(%run_scoped3A_133 : memref<!tpu.dma_semaphore, #tpu.memory_space<semaphore_mem>>) {add = true}
      %dma_wait3A_140 = arith.constant 0 : i32
      %dma_wait3A_141 = tpu.memref_slice %arg13[%run_scoped3A_37, %dma_wait3A_140] : memref<25x125xi32, #tpu.memory_space<vmem>> -> memref<1x125xi32, #tpu.memory_space<vmem>>
      %dma_wait3A_142 = tpu.memref_squeeze %dma_wait3A_141 : memref<1x125xi32, #tpu.memory_space<vmem>> -> memref<125xi32, #tpu.memory_space<vmem>>
      %dma_wait3A_143 = arith.constant 0 : i32
      %dma_wait3A_144 = arith.constant 0 : i32
      %dma_wait3A_145 = tpu.memref_slice %arg18[%dma_wait3A_143, %dma_wait3A_144] : memref<10000x8xf32, #tpu.memory_space<vmem_shared>> -> memref<10000x8xf32, #tpu.memory_space<vmem_shared>>
      tpu.wait_indirect_dma semaphore(%run_scoped3A_133 : memref<!tpu.dma_semaphore, #tpu.memory_space<semaphore_mem>>) src(%arg14 : memref<125x8xf32, #tpu.memory_space<vmem>>) dst(%dma_wait3A_145 : memref<10000x8xf32, #tpu.memory_space<vmem_shared>>)
      tpu.yield
    }) : () -> ()
    %add3A_38 = arith.constant 625 : i32
    %add3A_39 = arith.addi %mul3A_18, %add3A_38 : i32
    "tpu.region"() ({
      %run_scoped3A_133 = tpu.sem_alloc : memref<!tpu.dma_semaphore, #tpu.memory_space<semaphore_mem>>
      %dma_start3A_134 = arith.constant 0 : i32
      %dma_start3A_135 = tpu.memref_slice %arg2[%add3A_39, %dma_start3A_134] : memref<100000x64xf32, #tpu.memory_space<hbm>> -> memref<125x64xf32, #tpu.memory_space<hbm>>
      %dma_start3A_136 = arith.constant 0 : i32
      %dma_start3A_137 = tpu.memref_slice %arg2[%add3A_39, %dma_start3A_136] : memref<100000x64xf32, #tpu.memory_space<hbm>> -> memref<125x64xf32, #tpu.memory_space<hbm>>
      tpu.enqueue_dma source(%dma_start3A_137 : memref<125x64xf32, #tpu.memory_space<hbm>>) target(%arg12 : memref<125x64xf32, #tpu.memory_space<vmem>>) target_semaphore(%run_scoped3A_133 : memref<!tpu.dma_semaphore, #tpu.memory_space<semaphore_mem>>)
      %dma_wait3A_138 = arith.constant 0 : i32
      %dma_wait3A_139 = tpu.memref_slice %arg2[%add3A_39, %dma_wait3A_138] : memref<100000x64xf32, #tpu.memory_space<hbm>> -> memref<125x64xf32, #tpu.memory_space<hbm>>
      %dma_wait3A_140 = arith.constant 0 : i32
      %dma_wait3A_141 = tpu.memref_slice %arg2[%add3A_39, %dma_wait3A_140] : memref<100000x64xf32, #tpu.memory_space<hbm>> -> memref<125x64xf32, #tpu.memory_space<hbm>>
      tpu.wait_dma2 semaphore(%run_scoped3A_133 : memref<!tpu.dma_semaphore, #tpu.memory_space<semaphore_mem>>) src(%dma_wait3A_141 : memref<125x64xf32, #tpu.memory_space<hbm>>) dst(%arg12 : memref<125x64xf32, #tpu.memory_space<vmem>>)
      tpu.yield
    }) : () -> ()
    %run_scoped3A_40 = arith.constant 5 : i32
    "tpu.region"() ({
      %run_scoped3A_133 = tpu.sem_alloc : memref<!tpu.dma_semaphore, #tpu.memory_space<semaphore_mem>>
      %dma_start3A_134 = arith.constant 0 : i32
      %dma_start3A_135 = tpu.memref_slice %arg13[%run_scoped3A_40, %dma_start3A_134] : memref<25x125xi32, #tpu.memory_space<vmem>> -> memref<1x125xi32, #tpu.memory_space<vmem>>
      %dma_start3A_136 = tpu.memref_squeeze %dma_start3A_135 : memref<1x125xi32, #tpu.memory_space<vmem>> -> memref<125xi32, #tpu.memory_space<vmem>>
      %dma_start3A_137 = arith.constant 0 : i32
      %dma_start3A_138 = arith.constant 0 : i32
      %dma_start3A_139 = tpu.memref_slice %arg17[%dma_start3A_137, %dma_start3A_138] : memref<10000x64xf32, #tpu.memory_space<vmem_shared>> -> memref<10000x64xf32, #tpu.memory_space<vmem_shared>>
      tpu.enqueue_indirect_dma source(%arg12 : memref<125x64xf32, #tpu.memory_space<vmem>>) target(%dma_start3A_139 : memref<10000x64xf32, #tpu.memory_space<vmem_shared>>) offsets(%dma_start3A_136 : memref<125xi32, #tpu.memory_space<vmem>>) semaphore(%run_scoped3A_133 : memref<!tpu.dma_semaphore, #tpu.memory_space<semaphore_mem>>) {add = true}
      %dma_wait3A_140 = arith.constant 0 : i32
      %dma_wait3A_141 = tpu.memref_slice %arg13[%run_scoped3A_40, %dma_wait3A_140] : memref<25x125xi32, #tpu.memory_space<vmem>> -> memref<1x125xi32, #tpu.memory_space<vmem>>
      %dma_wait3A_142 = tpu.memref_squeeze %dma_wait3A_141 : memref<1x125xi32, #tpu.memory_space<vmem>> -> memref<125xi32, #tpu.memory_space<vmem>>
      %dma_wait3A_143 = arith.constant 0 : i32
      %dma_wait3A_144 = arith.constant 0 : i32
      %dma_wait3A_145 = tpu.memref_slice %arg17[%dma_wait3A_143, %dma_wait3A_144] : memref<10000x64xf32, #tpu.memory_space<vmem_shared>> -> memref<10000x64xf32, #tpu.memory_space<vmem_shared>>
      tpu.wait_indirect_dma semaphore(%run_scoped3A_133 : memref<!tpu.dma_semaphore, #tpu.memory_space<semaphore_mem>>) src(%arg12 : memref<125x64xf32, #tpu.memory_space<vmem>>) dst(%dma_wait3A_145 : memref<10000x64xf32, #tpu.memory_space<vmem_shared>>)
      tpu.yield
    }) : () -> ()
    %run_scoped3A_41 = arith.constant 5 : i32
    "tpu.region"() ({
      %run_scoped3A_133 = tpu.sem_alloc : memref<!tpu.dma_semaphore, #tpu.memory_space<semaphore_mem>>
      %dma_start3A_134 = arith.constant 0 : i32
      %dma_start3A_135 = tpu.memref_slice %arg13[%run_scoped3A_41, %dma_start3A_134] : memref<25x125xi32, #tpu.memory_space<vmem>> -> memref<1x125xi32, #tpu.memory_space<vmem>>
      %dma_start3A_136 = tpu.memref_squeeze %dma_start3A_135 : memref<1x125xi32, #tpu.memory_space<vmem>> -> memref<125xi32, #tpu.memory_space<vmem>>
      %dma_start3A_137 = arith.constant 0 : i32
      %dma_start3A_138 = arith.constant 0 : i32
      %dma_start3A_139 = tpu.memref_slice %arg18[%dma_start3A_137, %dma_start3A_138] : memref<10000x8xf32, #tpu.memory_space<vmem_shared>> -> memref<10000x8xf32, #tpu.memory_space<vmem_shared>>
      tpu.enqueue_indirect_dma source(%arg14 : memref<125x8xf32, #tpu.memory_space<vmem>>) target(%dma_start3A_139 : memref<10000x8xf32, #tpu.memory_space<vmem_shared>>) offsets(%dma_start3A_136 : memref<125xi32, #tpu.memory_space<vmem>>) semaphore(%run_scoped3A_133 : memref<!tpu.dma_semaphore, #tpu.memory_space<semaphore_mem>>) {add = true}
      %dma_wait3A_140 = arith.constant 0 : i32
      %dma_wait3A_141 = tpu.memref_slice %arg13[%run_scoped3A_41, %dma_wait3A_140] : memref<25x125xi32, #tpu.memory_space<vmem>> -> memref<1x125xi32, #tpu.memory_space<vmem>>
      %dma_wait3A_142 = tpu.memref_squeeze %dma_wait3A_141 : memref<1x125xi32, #tpu.memory_space<vmem>> -> memref<125xi32, #tpu.memory_space<vmem>>
      %dma_wait3A_143 = arith.constant 0 : i32
      %dma_wait3A_144 = arith.constant 0 : i32
      %dma_wait3A_145 = tpu.memref_slice %arg18[%dma_wait3A_143, %dma_wait3A_144] : memref<10000x8xf32, #tpu.memory_space<vmem_shared>> -> memref<10000x8xf32, #tpu.memory_space<vmem_shared>>
      tpu.wait_indirect_dma semaphore(%run_scoped3A_133 : memref<!tpu.dma_semaphore, #tpu.memory_space<semaphore_mem>>) src(%arg14 : memref<125x8xf32, #tpu.memory_space<vmem>>) dst(%dma_wait3A_145 : memref<10000x8xf32, #tpu.memory_space<vmem_shared>>)
      tpu.yield
    }) : () -> ()
    %add3A_42 = arith.constant 750 : i32
    %add3A_43 = arith.addi %mul3A_18, %add3A_42 : i32
    "tpu.region"() ({
      %run_scoped3A_133 = tpu.sem_alloc : memref<!tpu.dma_semaphore, #tpu.memory_space<semaphore_mem>>
      %dma_start3A_134 = arith.constant 0 : i32
      %dma_start3A_135 = tpu.memref_slice %arg2[%add3A_43, %dma_start3A_134] : memref<100000x64xf32, #tpu.memory_space<hbm>> -> memref<125x64xf32, #tpu.memory_space<hbm>>
      %dma_start3A_136 = arith.constant 0 : i32
      %dma_start3A_137 = tpu.memref_slice %arg2[%add3A_43, %dma_start3A_136] : memref<100000x64xf32, #tpu.memory_space<hbm>> -> memref<125x64xf32, #tpu.memory_space<hbm>>
      tpu.enqueue_dma source(%dma_start3A_137 : memref<125x64xf32, #tpu.memory_space<hbm>>) target(%arg12 : memref<125x64xf32, #tpu.memory_space<vmem>>) target_semaphore(%run_scoped3A_133 : memref<!tpu.dma_semaphore, #tpu.memory_space<semaphore_mem>>)
      %dma_wait3A_138 = arith.constant 0 : i32
      %dma_wait3A_139 = tpu.memref_slice %arg2[%add3A_43, %dma_wait3A_138] : memref<100000x64xf32, #tpu.memory_space<hbm>> -> memref<125x64xf32, #tpu.memory_space<hbm>>
      %dma_wait3A_140 = arith.constant 0 : i32
      %dma_wait3A_141 = tpu.memref_slice %arg2[%add3A_43, %dma_wait3A_140] : memref<100000x64xf32, #tpu.memory_space<hbm>> -> memref<125x64xf32, #tpu.memory_space<hbm>>
      tpu.wait_dma2 semaphore(%run_scoped3A_133 : memref<!tpu.dma_semaphore, #tpu.memory_space<semaphore_mem>>) src(%dma_wait3A_141 : memref<125x64xf32, #tpu.memory_space<hbm>>) dst(%arg12 : memref<125x64xf32, #tpu.memory_space<vmem>>)
      tpu.yield
    }) : () -> ()
    %run_scoped3A_44 = arith.constant 6 : i32
    "tpu.region"() ({
      %run_scoped3A_133 = tpu.sem_alloc : memref<!tpu.dma_semaphore, #tpu.memory_space<semaphore_mem>>
      %dma_start3A_134 = arith.constant 0 : i32
      %dma_start3A_135 = tpu.memref_slice %arg13[%run_scoped3A_44, %dma_start3A_134] : memref<25x125xi32, #tpu.memory_space<vmem>> -> memref<1x125xi32, #tpu.memory_space<vmem>>
      %dma_start3A_136 = tpu.memref_squeeze %dma_start3A_135 : memref<1x125xi32, #tpu.memory_space<vmem>> -> memref<125xi32, #tpu.memory_space<vmem>>
      %dma_start3A_137 = arith.constant 0 : i32
      %dma_start3A_138 = arith.constant 0 : i32
      %dma_start3A_139 = tpu.memref_slice %arg17[%dma_start3A_137, %dma_start3A_138] : memref<10000x64xf32, #tpu.memory_space<vmem_shared>> -> memref<10000x64xf32, #tpu.memory_space<vmem_shared>>
      tpu.enqueue_indirect_dma source(%arg12 : memref<125x64xf32, #tpu.memory_space<vmem>>) target(%dma_start3A_139 : memref<10000x64xf32, #tpu.memory_space<vmem_shared>>) offsets(%dma_start3A_136 : memref<125xi32, #tpu.memory_space<vmem>>) semaphore(%run_scoped3A_133 : memref<!tpu.dma_semaphore, #tpu.memory_space<semaphore_mem>>) {add = true}
      %dma_wait3A_140 = arith.constant 0 : i32
      %dma_wait3A_141 = tpu.memref_slice %arg13[%run_scoped3A_44, %dma_wait3A_140] : memref<25x125xi32, #tpu.memory_space<vmem>> -> memref<1x125xi32, #tpu.memory_space<vmem>>
      %dma_wait3A_142 = tpu.memref_squeeze %dma_wait3A_141 : memref<1x125xi32, #tpu.memory_space<vmem>> -> memref<125xi32, #tpu.memory_space<vmem>>
      %dma_wait3A_143 = arith.constant 0 : i32
      %dma_wait3A_144 = arith.constant 0 : i32
      %dma_wait3A_145 = tpu.memref_slice %arg17[%dma_wait3A_143, %dma_wait3A_144] : memref<10000x64xf32, #tpu.memory_space<vmem_shared>> -> memref<10000x64xf32, #tpu.memory_space<vmem_shared>>
      tpu.wait_indirect_dma semaphore(%run_scoped3A_133 : memref<!tpu.dma_semaphore, #tpu.memory_space<semaphore_mem>>) src(%arg12 : memref<125x64xf32, #tpu.memory_space<vmem>>) dst(%dma_wait3A_145 : memref<10000x64xf32, #tpu.memory_space<vmem_shared>>)
      tpu.yield
    }) : () -> ()
    %run_scoped3A_45 = arith.constant 6 : i32
    "tpu.region"() ({
      %run_scoped3A_133 = tpu.sem_alloc : memref<!tpu.dma_semaphore, #tpu.memory_space<semaphore_mem>>
      %dma_start3A_134 = arith.constant 0 : i32
      %dma_start3A_135 = tpu.memref_slice %arg13[%run_scoped3A_45, %dma_start3A_134] : memref<25x125xi32, #tpu.memory_space<vmem>> -> memref<1x125xi32, #tpu.memory_space<vmem>>
      %dma_start3A_136 = tpu.memref_squeeze %dma_start3A_135 : memref<1x125xi32, #tpu.memory_space<vmem>> -> memref<125xi32, #tpu.memory_space<vmem>>
      %dma_start3A_137 = arith.constant 0 : i32
      %dma_start3A_138 = arith.constant 0 : i32
      %dma_start3A_139 = tpu.memref_slice %arg18[%dma_start3A_137, %dma_start3A_138] : memref<10000x8xf32, #tpu.memory_space<vmem_shared>> -> memref<10000x8xf32, #tpu.memory_space<vmem_shared>>
      tpu.enqueue_indirect_dma source(%arg14 : memref<125x8xf32, #tpu.memory_space<vmem>>) target(%dma_start3A_139 : memref<10000x8xf32, #tpu.memory_space<vmem_shared>>) offsets(%dma_start3A_136 : memref<125xi32, #tpu.memory_space<vmem>>) semaphore(%run_scoped3A_133 : memref<!tpu.dma_semaphore, #tpu.memory_space<semaphore_mem>>) {add = true}
      %dma_wait3A_140 = arith.constant 0 : i32
      %dma_wait3A_141 = tpu.memref_slice %arg13[%run_scoped3A_45, %dma_wait3A_140] : memref<25x125xi32, #tpu.memory_space<vmem>> -> memref<1x125xi32, #tpu.memory_space<vmem>>
      %dma_wait3A_142 = tpu.memref_squeeze %dma_wait3A_141 : memref<1x125xi32, #tpu.memory_space<vmem>> -> memref<125xi32, #tpu.memory_space<vmem>>
      %dma_wait3A_143 = arith.constant 0 : i32
      %dma_wait3A_144 = arith.constant 0 : i32
      %dma_wait3A_145 = tpu.memref_slice %arg18[%dma_wait3A_143, %dma_wait3A_144] : memref<10000x8xf32, #tpu.memory_space<vmem_shared>> -> memref<10000x8xf32, #tpu.memory_space<vmem_shared>>
      tpu.wait_indirect_dma semaphore(%run_scoped3A_133 : memref<!tpu.dma_semaphore, #tpu.memory_space<semaphore_mem>>) src(%arg14 : memref<125x8xf32, #tpu.memory_space<vmem>>) dst(%dma_wait3A_145 : memref<10000x8xf32, #tpu.memory_space<vmem_shared>>)
      tpu.yield
    }) : () -> ()
    %add3A_46 = arith.constant 875 : i32
    %add3A_47 = arith.addi %mul3A_18, %add3A_46 : i32
    "tpu.region"() ({
      %run_scoped3A_133 = tpu.sem_alloc : memref<!tpu.dma_semaphore, #tpu.memory_space<semaphore_mem>>
      %dma_start3A_134 = arith.constant 0 : i32
      %dma_start3A_135 = tpu.memref_slice %arg2[%add3A_47, %dma_start3A_134] : memref<100000x64xf32, #tpu.memory_space<hbm>> -> memref<125x64xf32, #tpu.memory_space<hbm>>
      %dma_start3A_136 = arith.constant 0 : i32
      %dma_start3A_137 = tpu.memref_slice %arg2[%add3A_47, %dma_start3A_136] : memref<100000x64xf32, #tpu.memory_space<hbm>> -> memref<125x64xf32, #tpu.memory_space<hbm>>
      tpu.enqueue_dma source(%dma_start3A_137 : memref<125x64xf32, #tpu.memory_space<hbm>>) target(%arg12 : memref<125x64xf32, #tpu.memory_space<vmem>>) target_semaphore(%run_scoped3A_133 : memref<!tpu.dma_semaphore, #tpu.memory_space<semaphore_mem>>)
      %dma_wait3A_138 = arith.constant 0 : i32
      %dma_wait3A_139 = tpu.memref_slice %arg2[%add3A_47, %dma_wait3A_138] : memref<100000x64xf32, #tpu.memory_space<hbm>> -> memref<125x64xf32, #tpu.memory_space<hbm>>
      %dma_wait3A_140 = arith.constant 0 : i32
      %dma_wait3A_141 = tpu.memref_slice %arg2[%add3A_47, %dma_wait3A_140] : memref<100000x64xf32, #tpu.memory_space<hbm>> -> memref<125x64xf32, #tpu.memory_space<hbm>>
      tpu.wait_dma2 semaphore(%run_scoped3A_133 : memref<!tpu.dma_semaphore, #tpu.memory_space<semaphore_mem>>) src(%dma_wait3A_141 : memref<125x64xf32, #tpu.memory_space<hbm>>) dst(%arg12 : memref<125x64xf32, #tpu.memory_space<vmem>>)
      tpu.yield
    }) : () -> ()
    %run_scoped3A_48 = arith.constant 7 : i32
    "tpu.region"() ({
      %run_scoped3A_133 = tpu.sem_alloc : memref<!tpu.dma_semaphore, #tpu.memory_space<semaphore_mem>>
      %dma_start3A_134 = arith.constant 0 : i32
      %dma_start3A_135 = tpu.memref_slice %arg13[%run_scoped3A_48, %dma_start3A_134] : memref<25x125xi32, #tpu.memory_space<vmem>> -> memref<1x125xi32, #tpu.memory_space<vmem>>
      %dma_start3A_136 = tpu.memref_squeeze %dma_start3A_135 : memref<1x125xi32, #tpu.memory_space<vmem>> -> memref<125xi32, #tpu.memory_space<vmem>>
      %dma_start3A_137 = arith.constant 0 : i32
      %dma_start3A_138 = arith.constant 0 : i32
      %dma_start3A_139 = tpu.memref_slice %arg17[%dma_start3A_137, %dma_start3A_138] : memref<10000x64xf32, #tpu.memory_space<vmem_shared>> -> memref<10000x64xf32, #tpu.memory_space<vmem_shared>>
      tpu.enqueue_indirect_dma source(%arg12 : memref<125x64xf32, #tpu.memory_space<vmem>>) target(%dma_start3A_139 : memref<10000x64xf32, #tpu.memory_space<vmem_shared>>) offsets(%dma_start3A_136 : memref<125xi32, #tpu.memory_space<vmem>>) semaphore(%run_scoped3A_133 : memref<!tpu.dma_semaphore, #tpu.memory_space<semaphore_mem>>) {add = true}
      %dma_wait3A_140 = arith.constant 0 : i32
      %dma_wait3A_141 = tpu.memref_slice %arg13[%run_scoped3A_48, %dma_wait3A_140] : memref<25x125xi32, #tpu.memory_space<vmem>> -> memref<1x125xi32, #tpu.memory_space<vmem>>
      %dma_wait3A_142 = tpu.memref_squeeze %dma_wait3A_141 : memref<1x125xi32, #tpu.memory_space<vmem>> -> memref<125xi32, #tpu.memory_space<vmem>>
      %dma_wait3A_143 = arith.constant 0 : i32
      %dma_wait3A_144 = arith.constant 0 : i32
      %dma_wait3A_145 = tpu.memref_slice %arg17[%dma_wait3A_143, %dma_wait3A_144] : memref<10000x64xf32, #tpu.memory_space<vmem_shared>> -> memref<10000x64xf32, #tpu.memory_space<vmem_shared>>
      tpu.wait_indirect_dma semaphore(%run_scoped3A_133 : memref<!tpu.dma_semaphore, #tpu.memory_space<semaphore_mem>>) src(%arg12 : memref<125x64xf32, #tpu.memory_space<vmem>>) dst(%dma_wait3A_145 : memref<10000x64xf32, #tpu.memory_space<vmem_shared>>)
      tpu.yield
    }) : () -> ()
    %run_scoped3A_49 = arith.constant 7 : i32
    "tpu.region"() ({
      %run_scoped3A_133 = tpu.sem_alloc : memref<!tpu.dma_semaphore, #tpu.memory_space<semaphore_mem>>
      %dma_start3A_134 = arith.constant 0 : i32
      %dma_start3A_135 = tpu.memref_slice %arg13[%run_scoped3A_49, %dma_start3A_134] : memref<25x125xi32, #tpu.memory_space<vmem>> -> memref<1x125xi32, #tpu.memory_space<vmem>>
      %dma_start3A_136 = tpu.memref_squeeze %dma_start3A_135 : memref<1x125xi32, #tpu.memory_space<vmem>> -> memref<125xi32, #tpu.memory_space<vmem>>
      %dma_start3A_137 = arith.constant 0 : i32
      %dma_start3A_138 = arith.constant 0 : i32
      %dma_start3A_139 = tpu.memref_slice %arg18[%dma_start3A_137, %dma_start3A_138] : memref<10000x8xf32, #tpu.memory_space<vmem_shared>> -> memref<10000x8xf32, #tpu.memory_space<vmem_shared>>
      tpu.enqueue_indirect_dma source(%arg14 : memref<125x8xf32, #tpu.memory_space<vmem>>) target(%dma_start3A_139 : memref<10000x8xf32, #tpu.memory_space<vmem_shared>>) offsets(%dma_start3A_136 : memref<125xi32, #tpu.memory_space<vmem>>) semaphore(%run_scoped3A_133 : memref<!tpu.dma_semaphore, #tpu.memory_space<semaphore_mem>>) {add = true}
      %dma_wait3A_140 = arith.constant 0 : i32
      %dma_wait3A_141 = tpu.memref_slice %arg13[%run_scoped3A_49, %dma_wait3A_140] : memref<25x125xi32, #tpu.memory_space<vmem>> -> memref<1x125xi32, #tpu.memory_space<vmem>>
      %dma_wait3A_142 = tpu.memref_squeeze %dma_wait3A_141 : memref<1x125xi32, #tpu.memory_space<vmem>> -> memref<125xi32, #tpu.memory_space<vmem>>
      %dma_wait3A_143 = arith.constant 0 : i32
      %dma_wait3A_144 = arith.constant 0 : i32
      %dma_wait3A_145 = tpu.memref_slice %arg18[%dma_wait3A_143, %dma_wait3A_144] : memref<10000x8xf32, #tpu.memory_space<vmem_shared>> -> memref<10000x8xf32, #tpu.memory_space<vmem_shared>>
      tpu.wait_indirect_dma semaphore(%run_scoped3A_133 : memref<!tpu.dma_semaphore, #tpu.memory_space<semaphore_mem>>) src(%arg14 : memref<125x8xf32, #tpu.memory_space<vmem>>) dst(%dma_wait3A_145 : memref<10000x8xf32, #tpu.memory_space<vmem_shared>>)
      tpu.yield
    }) : () -> ()
    %add3A_50 = arith.constant 1000 : i32
    %add3A_51 = arith.addi %mul3A_18, %add3A_50 : i32
    "tpu.region"() ({
      %run_scoped3A_133 = tpu.sem_alloc : memref<!tpu.dma_semaphore, #tpu.memory_space<semaphore_mem>>
      %dma_start3A_134 = arith.constant 0 : i32
      %dma_start3A_135 = tpu.memref_slice %arg2[%add3A_51, %dma_start3A_134] : memref<100000x64xf32, #tpu.memory_space<hbm>> -> memref<125x64xf32, #tpu.memory_space<hbm>>
      %dma_start3A_136 = arith.constant 0 : i32
      %dma_start3A_137 = tpu.memref_slice %arg2[%add3A_51, %dma_start3A_136] : memref<100000x64xf32, #tpu.memory_space<hbm>> -> memref<125x64xf32, #tpu.memory_space<hbm>>
      tpu.enqueue_dma source(%dma_start3A_137 : memref<125x64xf32, #tpu.memory_space<hbm>>) target(%arg12 : memref<125x64xf32, #tpu.memory_space<vmem>>) target_semaphore(%run_scoped3A_133 : memref<!tpu.dma_semaphore, #tpu.memory_space<semaphore_mem>>)
      %dma_wait3A_138 = arith.constant 0 : i32
      %dma_wait3A_139 = tpu.memref_slice %arg2[%add3A_51, %dma_wait3A_138] : memref<100000x64xf32, #tpu.memory_space<hbm>> -> memref<125x64xf32, #tpu.memory_space<hbm>>
      %dma_wait3A_140 = arith.constant 0 : i32
      %dma_wait3A_141 = tpu.memref_slice %arg2[%add3A_51, %dma_wait3A_140] : memref<100000x64xf32, #tpu.memory_space<hbm>> -> memref<125x64xf32, #tpu.memory_space<hbm>>
      tpu.wait_dma2 semaphore(%run_scoped3A_133 : memref<!tpu.dma_semaphore, #tpu.memory_space<semaphore_mem>>) src(%dma_wait3A_141 : memref<125x64xf32, #tpu.memory_space<hbm>>) dst(%arg12 : memref<125x64xf32, #tpu.memory_space<vmem>>)
      tpu.yield
    }) : () -> ()
    %run_scoped3A_52 = arith.constant 8 : i32
    "tpu.region"() ({
      %run_scoped3A_133 = tpu.sem_alloc : memref<!tpu.dma_semaphore, #tpu.memory_space<semaphore_mem>>
      %dma_start3A_134 = arith.constant 0 : i32
      %dma_start3A_135 = tpu.memref_slice %arg13[%run_scoped3A_52, %dma_start3A_134] : memref<25x125xi32, #tpu.memory_space<vmem>> -> memref<1x125xi32, #tpu.memory_space<vmem>>
      %dma_start3A_136 = tpu.memref_squeeze %dma_start3A_135 : memref<1x125xi32, #tpu.memory_space<vmem>> -> memref<125xi32, #tpu.memory_space<vmem>>
      %dma_start3A_137 = arith.constant 0 : i32
      %dma_start3A_138 = arith.constant 0 : i32
      %dma_start3A_139 = tpu.memref_slice %arg17[%dma_start3A_137, %dma_start3A_138] : memref<10000x64xf32, #tpu.memory_space<vmem_shared>> -> memref<10000x64xf32, #tpu.memory_space<vmem_shared>>
      tpu.enqueue_indirect_dma source(%arg12 : memref<125x64xf32, #tpu.memory_space<vmem>>) target(%dma_start3A_139 : memref<10000x64xf32, #tpu.memory_space<vmem_shared>>) offsets(%dma_start3A_136 : memref<125xi32, #tpu.memory_space<vmem>>) semaphore(%run_scoped3A_133 : memref<!tpu.dma_semaphore, #tpu.memory_space<semaphore_mem>>) {add = true}
      %dma_wait3A_140 = arith.constant 0 : i32
      %dma_wait3A_141 = tpu.memref_slice %arg13[%run_scoped3A_52, %dma_wait3A_140] : memref<25x125xi32, #tpu.memory_space<vmem>> -> memref<1x125xi32, #tpu.memory_space<vmem>>
      %dma_wait3A_142 = tpu.memref_squeeze %dma_wait3A_141 : memref<1x125xi32, #tpu.memory_space<vmem>> -> memref<125xi32, #tpu.memory_space<vmem>>
      %dma_wait3A_143 = arith.constant 0 : i32
      %dma_wait3A_144 = arith.constant 0 : i32
      %dma_wait3A_145 = tpu.memref_slice %arg17[%dma_wait3A_143, %dma_wait3A_144] : memref<10000x64xf32, #tpu.memory_space<vmem_shared>> -> memref<10000x64xf32, #tpu.memory_space<vmem_shared>>
      tpu.wait_indirect_dma semaphore(%run_scoped3A_133 : memref<!tpu.dma_semaphore, #tpu.memory_space<semaphore_mem>>) src(%arg12 : memref<125x64xf32, #tpu.memory_space<vmem>>) dst(%dma_wait3A_145 : memref<10000x64xf32, #tpu.memory_space<vmem_shared>>)
      tpu.yield
    }) : () -> ()
    %run_scoped3A_53 = arith.constant 8 : i32
    "tpu.region"() ({
      %run_scoped3A_133 = tpu.sem_alloc : memref<!tpu.dma_semaphore, #tpu.memory_space<semaphore_mem>>
      %dma_start3A_134 = arith.constant 0 : i32
      %dma_start3A_135 = tpu.memref_slice %arg13[%run_scoped3A_53, %dma_start3A_134] : memref<25x125xi32, #tpu.memory_space<vmem>> -> memref<1x125xi32, #tpu.memory_space<vmem>>
      %dma_start3A_136 = tpu.memref_squeeze %dma_start3A_135 : memref<1x125xi32, #tpu.memory_space<vmem>> -> memref<125xi32, #tpu.memory_space<vmem>>
      %dma_start3A_137 = arith.constant 0 : i32
      %dma_start3A_138 = arith.constant 0 : i32
      %dma_start3A_139 = tpu.memref_slice %arg18[%dma_start3A_137, %dma_start3A_138] : memref<10000x8xf32, #tpu.memory_space<vmem_shared>> -> memref<10000x8xf32, #tpu.memory_space<vmem_shared>>
      tpu.enqueue_indirect_dma source(%arg14 : memref<125x8xf32, #tpu.memory_space<vmem>>) target(%dma_start3A_139 : memref<10000x8xf32, #tpu.memory_space<vmem_shared>>) offsets(%dma_start3A_136 : memref<125xi32, #tpu.memory_space<vmem>>) semaphore(%run_scoped3A_133 : memref<!tpu.dma_semaphore, #tpu.memory_space<semaphore_mem>>) {add = true}
      %dma_wait3A_140 = arith.constant 0 : i32
      %dma_wait3A_141 = tpu.memref_slice %arg13[%run_scoped3A_53, %dma_wait3A_140] : memref<25x125xi32, #tpu.memory_space<vmem>> -> memref<1x125xi32, #tpu.memory_space<vmem>>
      %dma_wait3A_142 = tpu.memref_squeeze %dma_wait3A_141 : memref<1x125xi32, #tpu.memory_space<vmem>> -> memref<125xi32, #tpu.memory_space<vmem>>
      %dma_wait3A_143 = arith.constant 0 : i32
      %dma_wait3A_144 = arith.constant 0 : i32
      %dma_wait3A_145 = tpu.memref_slice %arg18[%dma_wait3A_143, %dma_wait3A_144] : memref<10000x8xf32, #tpu.memory_space<vmem_shared>> -> memref<10000x8xf32, #tpu.memory_space<vmem_shared>>
      tpu.wait_indirect_dma semaphore(%run_scoped3A_133 : memref<!tpu.dma_semaphore, #tpu.memory_space<semaphore_mem>>) src(%arg14 : memref<125x8xf32, #tpu.memory_space<vmem>>) dst(%dma_wait3A_145 : memref<10000x8xf32, #tpu.memory_space<vmem_shared>>)
      tpu.yield
    }) : () -> ()
    %add3A_54 = arith.constant 1125 : i32
    %add3A_55 = arith.addi %mul3A_18, %add3A_54 : i32
    "tpu.region"() ({
      %run_scoped3A_133 = tpu.sem_alloc : memref<!tpu.dma_semaphore, #tpu.memory_space<semaphore_mem>>
      %dma_start3A_134 = arith.constant 0 : i32
      %dma_start3A_135 = tpu.memref_slice %arg2[%add3A_55, %dma_start3A_134] : memref<100000x64xf32, #tpu.memory_space<hbm>> -> memref<125x64xf32, #tpu.memory_space<hbm>>
      %dma_start3A_136 = arith.constant 0 : i32
      %dma_start3A_137 = tpu.memref_slice %arg2[%add3A_55, %dma_start3A_136] : memref<100000x64xf32, #tpu.memory_space<hbm>> -> memref<125x64xf32, #tpu.memory_space<hbm>>
      tpu.enqueue_dma source(%dma_start3A_137 : memref<125x64xf32, #tpu.memory_space<hbm>>) target(%arg12 : memref<125x64xf32, #tpu.memory_space<vmem>>) target_semaphore(%run_scoped3A_133 : memref<!tpu.dma_semaphore, #tpu.memory_space<semaphore_mem>>)
      %dma_wait3A_138 = arith.constant 0 : i32
      %dma_wait3A_139 = tpu.memref_slice %arg2[%add3A_55, %dma_wait3A_138] : memref<100000x64xf32, #tpu.memory_space<hbm>> -> memref<125x64xf32, #tpu.memory_space<hbm>>
      %dma_wait3A_140 = arith.constant 0 : i32
      %dma_wait3A_141 = tpu.memref_slice %arg2[%add3A_55, %dma_wait3A_140] : memref<100000x64xf32, #tpu.memory_space<hbm>> -> memref<125x64xf32, #tpu.memory_space<hbm>>
      tpu.wait_dma2 semaphore(%run_scoped3A_133 : memref<!tpu.dma_semaphore, #tpu.memory_space<semaphore_mem>>) src(%dma_wait3A_141 : memref<125x64xf32, #tpu.memory_space<hbm>>) dst(%arg12 : memref<125x64xf32, #tpu.memory_space<vmem>>)
      tpu.yield
    }) : () -> ()
    %run_scoped3A_56 = arith.constant 9 : i32
    "tpu.region"() ({
      %run_scoped3A_133 = tpu.sem_alloc : memref<!tpu.dma_semaphore, #tpu.memory_space<semaphore_mem>>
      %dma_start3A_134 = arith.constant 0 : i32
      %dma_start3A_135 = tpu.memref_slice %arg13[%run_scoped3A_56, %dma_start3A_134] : memref<25x125xi32, #tpu.memory_space<vmem>> -> memref<1x125xi32, #tpu.memory_space<vmem>>
      %dma_start3A_136 = tpu.memref_squeeze %dma_start3A_135 : memref<1x125xi32, #tpu.memory_space<vmem>> -> memref<125xi32, #tpu.memory_space<vmem>>
      %dma_start3A_137 = arith.constant 0 : i32
      %dma_start3A_138 = arith.constant 0 : i32
      %dma_start3A_139 = tpu.memref_slice %arg17[%dma_start3A_137, %dma_start3A_138] : memref<10000x64xf32, #tpu.memory_space<vmem_shared>> -> memref<10000x64xf32, #tpu.memory_space<vmem_shared>>
      tpu.enqueue_indirect_dma source(%arg12 : memref<125x64xf32, #tpu.memory_space<vmem>>) target(%dma_start3A_139 : memref<10000x64xf32, #tpu.memory_space<vmem_shared>>) offsets(%dma_start3A_136 : memref<125xi32, #tpu.memory_space<vmem>>) semaphore(%run_scoped3A_133 : memref<!tpu.dma_semaphore, #tpu.memory_space<semaphore_mem>>) {add = true}
      %dma_wait3A_140 = arith.constant 0 : i32
      %dma_wait3A_141 = tpu.memref_slice %arg13[%run_scoped3A_56, %dma_wait3A_140] : memref<25x125xi32, #tpu.memory_space<vmem>> -> memref<1x125xi32, #tpu.memory_space<vmem>>
      %dma_wait3A_142 = tpu.memref_squeeze %dma_wait3A_141 : memref<1x125xi32, #tpu.memory_space<vmem>> -> memref<125xi32, #tpu.memory_space<vmem>>
      %dma_wait3A_143 = arith.constant 0 : i32
      %dma_wait3A_144 = arith.constant 0 : i32
      %dma_wait3A_145 = tpu.memref_slice %arg17[%dma_wait3A_143, %dma_wait3A_144] : memref<10000x64xf32, #tpu.memory_space<vmem_shared>> -> memref<10000x64xf32, #tpu.memory_space<vmem_shared>>
      tpu.wait_indirect_dma semaphore(%run_scoped3A_133 : memref<!tpu.dma_semaphore, #tpu.memory_space<semaphore_mem>>) src(%arg12 : memref<125x64xf32, #tpu.memory_space<vmem>>) dst(%dma_wait3A_145 : memref<10000x64xf32, #tpu.memory_space<vmem_shared>>)
      tpu.yield
    }) : () -> ()
    %run_scoped3A_57 = arith.constant 9 : i32
    "tpu.region"() ({
      %run_scoped3A_133 = tpu.sem_alloc : memref<!tpu.dma_semaphore, #tpu.memory_space<semaphore_mem>>
      %dma_start3A_134 = arith.constant 0 : i32
      %dma_start3A_135 = tpu.memref_slice %arg13[%run_scoped3A_57, %dma_start3A_134] : memref<25x125xi32, #tpu.memory_space<vmem>> -> memref<1x125xi32, #tpu.memory_space<vmem>>
      %dma_start3A_136 = tpu.memref_squeeze %dma_start3A_135 : memref<1x125xi32, #tpu.memory_space<vmem>> -> memref<125xi32, #tpu.memory_space<vmem>>
      %dma_start3A_137 = arith.constant 0 : i32
      %dma_start3A_138 = arith.constant 0 : i32
      %dma_start3A_139 = tpu.memref_slice %arg18[%dma_start3A_137, %dma_start3A_138] : memref<10000x8xf32, #tpu.memory_space<vmem_shared>> -> memref<10000x8xf32, #tpu.memory_space<vmem_shared>>
      tpu.enqueue_indirect_dma source(%arg14 : memref<125x8xf32, #tpu.memory_space<vmem>>) target(%dma_start3A_139 : memref<10000x8xf32, #tpu.memory_space<vmem_shared>>) offsets(%dma_start3A_136 : memref<125xi32, #tpu.memory_space<vmem>>) semaphore(%run_scoped3A_133 : memref<!tpu.dma_semaphore, #tpu.memory_space<semaphore_mem>>) {add = true}
      %dma_wait3A_140 = arith.constant 0 : i32
      %dma_wait3A_141 = tpu.memref_slice %arg13[%run_scoped3A_57, %dma_wait3A_140] : memref<25x125xi32, #tpu.memory_space<vmem>> -> memref<1x125xi32, #tpu.memory_space<vmem>>
      %dma_wait3A_142 = tpu.memref_squeeze %dma_wait3A_141 : memref<1x125xi32, #tpu.memory_space<vmem>> -> memref<125xi32, #tpu.memory_space<vmem>>
      %dma_wait3A_143 = arith.constant 0 : i32
      %dma_wait3A_144 = arith.constant 0 : i32
      %dma_wait3A_145 = tpu.memref_slice %arg18[%dma_wait3A_143, %dma_wait3A_144] : memref<10000x8xf32, #tpu.memory_space<vmem_shared>> -> memref<10000x8xf32, #tpu.memory_space<vmem_shared>>
      tpu.wait_indirect_dma semaphore(%run_scoped3A_133 : memref<!tpu.dma_semaphore, #tpu.memory_space<semaphore_mem>>) src(%arg14 : memref<125x8xf32, #tpu.memory_space<vmem>>) dst(%dma_wait3A_145 : memref<10000x8xf32, #tpu.memory_space<vmem_shared>>)
      tpu.yield
    }) : () -> ()
    %add3A_58 = arith.constant 1250 : i32
    %add3A_59 = arith.addi %mul3A_18, %add3A_58 : i32
    "tpu.region"() ({
      %run_scoped3A_133 = tpu.sem_alloc : memref<!tpu.dma_semaphore, #tpu.memory_space<semaphore_mem>>
      %dma_start3A_134 = arith.constant 0 : i32
      %dma_start3A_135 = tpu.memref_slice %arg2[%add3A_59, %dma_start3A_134] : memref<100000x64xf32, #tpu.memory_space<hbm>> -> memref<125x64xf32, #tpu.memory_space<hbm>>
      %dma_start3A_136 = arith.constant 0 : i32
      %dma_start3A_137 = tpu.memref_slice %arg2[%add3A_59, %dma_start3A_136] : memref<100000x64xf32, #tpu.memory_space<hbm>> -> memref<125x64xf32, #tpu.memory_space<hbm>>
      tpu.enqueue_dma source(%dma_start3A_137 : memref<125x64xf32, #tpu.memory_space<hbm>>) target(%arg12 : memref<125x64xf32, #tpu.memory_space<vmem>>) target_semaphore(%run_scoped3A_133 : memref<!tpu.dma_semaphore, #tpu.memory_space<semaphore_mem>>)
      %dma_wait3A_138 = arith.constant 0 : i32
      %dma_wait3A_139 = tpu.memref_slice %arg2[%add3A_59, %dma_wait3A_138] : memref<100000x64xf32, #tpu.memory_space<hbm>> -> memref<125x64xf32, #tpu.memory_space<hbm>>
      %dma_wait3A_140 = arith.constant 0 : i32
      %dma_wait3A_141 = tpu.memref_slice %arg2[%add3A_59, %dma_wait3A_140] : memref<100000x64xf32, #tpu.memory_space<hbm>> -> memref<125x64xf32, #tpu.memory_space<hbm>>
      tpu.wait_dma2 semaphore(%run_scoped3A_133 : memref<!tpu.dma_semaphore, #tpu.memory_space<semaphore_mem>>) src(%dma_wait3A_141 : memref<125x64xf32, #tpu.memory_space<hbm>>) dst(%arg12 : memref<125x64xf32, #tpu.memory_space<vmem>>)
      tpu.yield
    }) : () -> ()
    %run_scoped3A_60 = arith.constant 10 : i32
    "tpu.region"() ({
      %run_scoped3A_133 = tpu.sem_alloc : memref<!tpu.dma_semaphore, #tpu.memory_space<semaphore_mem>>
      %dma_start3A_134 = arith.constant 0 : i32
      %dma_start3A_135 = tpu.memref_slice %arg13[%run_scoped3A_60, %dma_start3A_134] : memref<25x125xi32, #tpu.memory_space<vmem>> -> memref<1x125xi32, #tpu.memory_space<vmem>>
      %dma_start3A_136 = tpu.memref_squeeze %dma_start3A_135 : memref<1x125xi32, #tpu.memory_space<vmem>> -> memref<125xi32, #tpu.memory_space<vmem>>
      %dma_start3A_137 = arith.constant 0 : i32
      %dma_start3A_138 = arith.constant 0 : i32
      %dma_start3A_139 = tpu.memref_slice %arg17[%dma_start3A_137, %dma_start3A_138] : memref<10000x64xf32, #tpu.memory_space<vmem_shared>> -> memref<10000x64xf32, #tpu.memory_space<vmem_shared>>
      tpu.enqueue_indirect_dma source(%arg12 : memref<125x64xf32, #tpu.memory_space<vmem>>) target(%dma_start3A_139 : memref<10000x64xf32, #tpu.memory_space<vmem_shared>>) offsets(%dma_start3A_136 : memref<125xi32, #tpu.memory_space<vmem>>) semaphore(%run_scoped3A_133 : memref<!tpu.dma_semaphore, #tpu.memory_space<semaphore_mem>>) {add = true}
      %dma_wait3A_140 = arith.constant 0 : i32
      %dma_wait3A_141 = tpu.memref_slice %arg13[%run_scoped3A_60, %dma_wait3A_140] : memref<25x125xi32, #tpu.memory_space<vmem>> -> memref<1x125xi32, #tpu.memory_space<vmem>>
      %dma_wait3A_142 = tpu.memref_squeeze %dma_wait3A_141 : memref<1x125xi32, #tpu.memory_space<vmem>> -> memref<125xi32, #tpu.memory_space<vmem>>
      %dma_wait3A_143 = arith.constant 0 : i32
      %dma_wait3A_144 = arith.constant 0 : i32
      %dma_wait3A_145 = tpu.memref_slice %arg17[%dma_wait3A_143, %dma_wait3A_144] : memref<10000x64xf32, #tpu.memory_space<vmem_shared>> -> memref<10000x64xf32, #tpu.memory_space<vmem_shared>>
      tpu.wait_indirect_dma semaphore(%run_scoped3A_133 : memref<!tpu.dma_semaphore, #tpu.memory_space<semaphore_mem>>) src(%arg12 : memref<125x64xf32, #tpu.memory_space<vmem>>) dst(%dma_wait3A_145 : memref<10000x64xf32, #tpu.memory_space<vmem_shared>>)
      tpu.yield
    }) : () -> ()
    %run_scoped3A_61 = arith.constant 10 : i32
    "tpu.region"() ({
      %run_scoped3A_133 = tpu.sem_alloc : memref<!tpu.dma_semaphore, #tpu.memory_space<semaphore_mem>>
      %dma_start3A_134 = arith.constant 0 : i32
      %dma_start3A_135 = tpu.memref_slice %arg13[%run_scoped3A_61, %dma_start3A_134] : memref<25x125xi32, #tpu.memory_space<vmem>> -> memref<1x125xi32, #tpu.memory_space<vmem>>
      %dma_start3A_136 = tpu.memref_squeeze %dma_start3A_135 : memref<1x125xi32, #tpu.memory_space<vmem>> -> memref<125xi32, #tpu.memory_space<vmem>>
      %dma_start3A_137 = arith.constant 0 : i32
      %dma_start3A_138 = arith.constant 0 : i32
      %dma_start3A_139 = tpu.memref_slice %arg18[%dma_start3A_137, %dma_start3A_138] : memref<10000x8xf32, #tpu.memory_space<vmem_shared>> -> memref<10000x8xf32, #tpu.memory_space<vmem_shared>>
      tpu.enqueue_indirect_dma source(%arg14 : memref<125x8xf32, #tpu.memory_space<vmem>>) target(%dma_start3A_139 : memref<10000x8xf32, #tpu.memory_space<vmem_shared>>) offsets(%dma_start3A_136 : memref<125xi32, #tpu.memory_space<vmem>>) semaphore(%run_scoped3A_133 : memref<!tpu.dma_semaphore, #tpu.memory_space<semaphore_mem>>) {add = true}
      %dma_wait3A_140 = arith.constant 0 : i32
      %dma_wait3A_141 = tpu.memref_slice %arg13[%run_scoped3A_61, %dma_wait3A_140] : memref<25x125xi32, #tpu.memory_space<vmem>> -> memref<1x125xi32, #tpu.memory_space<vmem>>
      %dma_wait3A_142 = tpu.memref_squeeze %dma_wait3A_141 : memref<1x125xi32, #tpu.memory_space<vmem>> -> memref<125xi32, #tpu.memory_space<vmem>>
      %dma_wait3A_143 = arith.constant 0 : i32
      %dma_wait3A_144 = arith.constant 0 : i32
      %dma_wait3A_145 = tpu.memref_slice %arg18[%dma_wait3A_143, %dma_wait3A_144] : memref<10000x8xf32, #tpu.memory_space<vmem_shared>> -> memref<10000x8xf32, #tpu.memory_space<vmem_shared>>
      tpu.wait_indirect_dma semaphore(%run_scoped3A_133 : memref<!tpu.dma_semaphore, #tpu.memory_space<semaphore_mem>>) src(%arg14 : memref<125x8xf32, #tpu.memory_space<vmem>>) dst(%dma_wait3A_145 : memref<10000x8xf32, #tpu.memory_space<vmem_shared>>)
      tpu.yield
    }) : () -> ()
    %add3A_62 = arith.constant 1375 : i32
    %add3A_63 = arith.addi %mul3A_18, %add3A_62 : i32
    "tpu.region"() ({
      %run_scoped3A_133 = tpu.sem_alloc : memref<!tpu.dma_semaphore, #tpu.memory_space<semaphore_mem>>
      %dma_start3A_134 = arith.constant 0 : i32
      %dma_start3A_135 = tpu.memref_slice %arg2[%add3A_63, %dma_start3A_134] : memref<100000x64xf32, #tpu.memory_space<hbm>> -> memref<125x64xf32, #tpu.memory_space<hbm>>
      %dma_start3A_136 = arith.constant 0 : i32
      %dma_start3A_137 = tpu.memref_slice %arg2[%add3A_63, %dma_start3A_136] : memref<100000x64xf32, #tpu.memory_space<hbm>> -> memref<125x64xf32, #tpu.memory_space<hbm>>
      tpu.enqueue_dma source(%dma_start3A_137 : memref<125x64xf32, #tpu.memory_space<hbm>>) target(%arg12 : memref<125x64xf32, #tpu.memory_space<vmem>>) target_semaphore(%run_scoped3A_133 : memref<!tpu.dma_semaphore, #tpu.memory_space<semaphore_mem>>)
      %dma_wait3A_138 = arith.constant 0 : i32
      %dma_wait3A_139 = tpu.memref_slice %arg2[%add3A_63, %dma_wait3A_138] : memref<100000x64xf32, #tpu.memory_space<hbm>> -> memref<125x64xf32, #tpu.memory_space<hbm>>
      %dma_wait3A_140 = arith.constant 0 : i32
      %dma_wait3A_141 = tpu.memref_slice %arg2[%add3A_63, %dma_wait3A_140] : memref<100000x64xf32, #tpu.memory_space<hbm>> -> memref<125x64xf32, #tpu.memory_space<hbm>>
      tpu.wait_dma2 semaphore(%run_scoped3A_133 : memref<!tpu.dma_semaphore, #tpu.memory_space<semaphore_mem>>) src(%dma_wait3A_141 : memref<125x64xf32, #tpu.memory_space<hbm>>) dst(%arg12 : memref<125x64xf32, #tpu.memory_space<vmem>>)
      tpu.yield
    }) : () -> ()
    %run_scoped3A_64 = arith.constant 11 : i32
    "tpu.region"() ({
      %run_scoped3A_133 = tpu.sem_alloc : memref<!tpu.dma_semaphore, #tpu.memory_space<semaphore_mem>>
      %dma_start3A_134 = arith.constant 0 : i32
      %dma_start3A_135 = tpu.memref_slice %arg13[%run_scoped3A_64, %dma_start3A_134] : memref<25x125xi32, #tpu.memory_space<vmem>> -> memref<1x125xi32, #tpu.memory_space<vmem>>
      %dma_start3A_136 = tpu.memref_squeeze %dma_start3A_135 : memref<1x125xi32, #tpu.memory_space<vmem>> -> memref<125xi32, #tpu.memory_space<vmem>>
      %dma_start3A_137 = arith.constant 0 : i32
      %dma_start3A_138 = arith.constant 0 : i32
      %dma_start3A_139 = tpu.memref_slice %arg17[%dma_start3A_137, %dma_start3A_138] : memref<10000x64xf32, #tpu.memory_space<vmem_shared>> -> memref<10000x64xf32, #tpu.memory_space<vmem_shared>>
      tpu.enqueue_indirect_dma source(%arg12 : memref<125x64xf32, #tpu.memory_space<vmem>>) target(%dma_start3A_139 : memref<10000x64xf32, #tpu.memory_space<vmem_shared>>) offsets(%dma_start3A_136 : memref<125xi32, #tpu.memory_space<vmem>>) semaphore(%run_scoped3A_133 : memref<!tpu.dma_semaphore, #tpu.memory_space<semaphore_mem>>) {add = true}
      %dma_wait3A_140 = arith.constant 0 : i32
      %dma_wait3A_141 = tpu.memref_slice %arg13[%run_scoped3A_64, %dma_wait3A_140] : memref<25x125xi32, #tpu.memory_space<vmem>> -> memref<1x125xi32, #tpu.memory_space<vmem>>
      %dma_wait3A_142 = tpu.memref_squeeze %dma_wait3A_141 : memref<1x125xi32, #tpu.memory_space<vmem>> -> memref<125xi32, #tpu.memory_space<vmem>>
      %dma_wait3A_143 = arith.constant 0 : i32
      %dma_wait3A_144 = arith.constant 0 : i32
      %dma_wait3A_145 = tpu.memref_slice %arg17[%dma_wait3A_143, %dma_wait3A_144] : memref<10000x64xf32, #tpu.memory_space<vmem_shared>> -> memref<10000x64xf32, #tpu.memory_space<vmem_shared>>
      tpu.wait_indirect_dma semaphore(%run_scoped3A_133 : memref<!tpu.dma_semaphore, #tpu.memory_space<semaphore_mem>>) src(%arg12 : memref<125x64xf32, #tpu.memory_space<vmem>>) dst(%dma_wait3A_145 : memref<10000x64xf32, #tpu.memory_space<vmem_shared>>)
      tpu.yield
    }) : () -> ()
    %run_scoped3A_65 = arith.constant 11 : i32
    "tpu.region"() ({
      %run_scoped3A_133 = tpu.sem_alloc : memref<!tpu.dma_semaphore, #tpu.memory_space<semaphore_mem>>
      %dma_start3A_134 = arith.constant 0 : i32
      %dma_start3A_135 = tpu.memref_slice %arg13[%run_scoped3A_65, %dma_start3A_134] : memref<25x125xi32, #tpu.memory_space<vmem>> -> memref<1x125xi32, #tpu.memory_space<vmem>>
      %dma_start3A_136 = tpu.memref_squeeze %dma_start3A_135 : memref<1x125xi32, #tpu.memory_space<vmem>> -> memref<125xi32, #tpu.memory_space<vmem>>
      %dma_start3A_137 = arith.constant 0 : i32
      %dma_start3A_138 = arith.constant 0 : i32
      %dma_start3A_139 = tpu.memref_slice %arg18[%dma_start3A_137, %dma_start3A_138] : memref<10000x8xf32, #tpu.memory_space<vmem_shared>> -> memref<10000x8xf32, #tpu.memory_space<vmem_shared>>
      tpu.enqueue_indirect_dma source(%arg14 : memref<125x8xf32, #tpu.memory_space<vmem>>) target(%dma_start3A_139 : memref<10000x8xf32, #tpu.memory_space<vmem_shared>>) offsets(%dma_start3A_136 : memref<125xi32, #tpu.memory_space<vmem>>) semaphore(%run_scoped3A_133 : memref<!tpu.dma_semaphore, #tpu.memory_space<semaphore_mem>>) {add = true}
      %dma_wait3A_140 = arith.constant 0 : i32
      %dma_wait3A_141 = tpu.memref_slice %arg13[%run_scoped3A_65, %dma_wait3A_140] : memref<25x125xi32, #tpu.memory_space<vmem>> -> memref<1x125xi32, #tpu.memory_space<vmem>>
      %dma_wait3A_142 = tpu.memref_squeeze %dma_wait3A_141 : memref<1x125xi32, #tpu.memory_space<vmem>> -> memref<125xi32, #tpu.memory_space<vmem>>
      %dma_wait3A_143 = arith.constant 0 : i32
      %dma_wait3A_144 = arith.constant 0 : i32
      %dma_wait3A_145 = tpu.memref_slice %arg18[%dma_wait3A_143, %dma_wait3A_144] : memref<10000x8xf32, #tpu.memory_space<vmem_shared>> -> memref<10000x8xf32, #tpu.memory_space<vmem_shared>>
      tpu.wait_indirect_dma semaphore(%run_scoped3A_133 : memref<!tpu.dma_semaphore, #tpu.memory_space<semaphore_mem>>) src(%arg14 : memref<125x8xf32, #tpu.memory_space<vmem>>) dst(%dma_wait3A_145 : memref<10000x8xf32, #tpu.memory_space<vmem_shared>>)
      tpu.yield
    }) : () -> ()
    %add3A_66 = arith.constant 1500 : i32
    %add3A_67 = arith.addi %mul3A_18, %add3A_66 : i32
    "tpu.region"() ({
      %run_scoped3A_133 = tpu.sem_alloc : memref<!tpu.dma_semaphore, #tpu.memory_space<semaphore_mem>>
      %dma_start3A_134 = arith.constant 0 : i32
      %dma_start3A_135 = tpu.memref_slice %arg2[%add3A_67, %dma_start3A_134] : memref<100000x64xf32, #tpu.memory_space<hbm>> -> memref<125x64xf32, #tpu.memory_space<hbm>>
      %dma_start3A_136 = arith.constant 0 : i32
      %dma_start3A_137 = tpu.memref_slice %arg2[%add3A_67, %dma_start3A_136] : memref<100000x64xf32, #tpu.memory_space<hbm>> -> memref<125x64xf32, #tpu.memory_space<hbm>>
      tpu.enqueue_dma source(%dma_start3A_137 : memref<125x64xf32, #tpu.memory_space<hbm>>) target(%arg12 : memref<125x64xf32, #tpu.memory_space<vmem>>) target_semaphore(%run_scoped3A_133 : memref<!tpu.dma_semaphore, #tpu.memory_space<semaphore_mem>>)
      %dma_wait3A_138 = arith.constant 0 : i32
      %dma_wait3A_139 = tpu.memref_slice %arg2[%add3A_67, %dma_wait3A_138] : memref<100000x64xf32, #tpu.memory_space<hbm>> -> memref<125x64xf32, #tpu.memory_space<hbm>>
      %dma_wait3A_140 = arith.constant 0 : i32
      %dma_wait3A_141 = tpu.memref_slice %arg2[%add3A_67, %dma_wait3A_140] : memref<100000x64xf32, #tpu.memory_space<hbm>> -> memref<125x64xf32, #tpu.memory_space<hbm>>
      tpu.wait_dma2 semaphore(%run_scoped3A_133 : memref<!tpu.dma_semaphore, #tpu.memory_space<semaphore_mem>>) src(%dma_wait3A_141 : memref<125x64xf32, #tpu.memory_space<hbm>>) dst(%arg12 : memref<125x64xf32, #tpu.memory_space<vmem>>)
      tpu.yield
    }) : () -> ()
    %run_scoped3A_68 = arith.constant 12 : i32
    "tpu.region"() ({
      %run_scoped3A_133 = tpu.sem_alloc : memref<!tpu.dma_semaphore, #tpu.memory_space<semaphore_mem>>
      %dma_start3A_134 = arith.constant 0 : i32
      %dma_start3A_135 = tpu.memref_slice %arg13[%run_scoped3A_68, %dma_start3A_134] : memref<25x125xi32, #tpu.memory_space<vmem>> -> memref<1x125xi32, #tpu.memory_space<vmem>>
      %dma_start3A_136 = tpu.memref_squeeze %dma_start3A_135 : memref<1x125xi32, #tpu.memory_space<vmem>> -> memref<125xi32, #tpu.memory_space<vmem>>
      %dma_start3A_137 = arith.constant 0 : i32
      %dma_start3A_138 = arith.constant 0 : i32
      %dma_start3A_139 = tpu.memref_slice %arg17[%dma_start3A_137, %dma_start3A_138] : memref<10000x64xf32, #tpu.memory_space<vmem_shared>> -> memref<10000x64xf32, #tpu.memory_space<vmem_shared>>
      tpu.enqueue_indirect_dma source(%arg12 : memref<125x64xf32, #tpu.memory_space<vmem>>) target(%dma_start3A_139 : memref<10000x64xf32, #tpu.memory_space<vmem_shared>>) offsets(%dma_start3A_136 : memref<125xi32, #tpu.memory_space<vmem>>) semaphore(%run_scoped3A_133 : memref<!tpu.dma_semaphore, #tpu.memory_space<semaphore_mem>>) {add = true}
      %dma_wait3A_140 = arith.constant 0 : i32
      %dma_wait3A_141 = tpu.memref_slice %arg13[%run_scoped3A_68, %dma_wait3A_140] : memref<25x125xi32, #tpu.memory_space<vmem>> -> memref<1x125xi32, #tpu.memory_space<vmem>>
      %dma_wait3A_142 = tpu.memref_squeeze %dma_wait3A_141 : memref<1x125xi32, #tpu.memory_space<vmem>> -> memref<125xi32, #tpu.memory_space<vmem>>
      %dma_wait3A_143 = arith.constant 0 : i32
      %dma_wait3A_144 = arith.constant 0 : i32
      %dma_wait3A_145 = tpu.memref_slice %arg17[%dma_wait3A_143, %dma_wait3A_144] : memref<10000x64xf32, #tpu.memory_space<vmem_shared>> -> memref<10000x64xf32, #tpu.memory_space<vmem_shared>>
      tpu.wait_indirect_dma semaphore(%run_scoped3A_133 : memref<!tpu.dma_semaphore, #tpu.memory_space<semaphore_mem>>) src(%arg12 : memref<125x64xf32, #tpu.memory_space<vmem>>) dst(%dma_wait3A_145 : memref<10000x64xf32, #tpu.memory_space<vmem_shared>>)
      tpu.yield
    }) : () -> ()
    %run_scoped3A_69 = arith.constant 12 : i32
    "tpu.region"() ({
      %run_scoped3A_133 = tpu.sem_alloc : memref<!tpu.dma_semaphore, #tpu.memory_space<semaphore_mem>>
      %dma_start3A_134 = arith.constant 0 : i32
      %dma_start3A_135 = tpu.memref_slice %arg13[%run_scoped3A_69, %dma_start3A_134] : memref<25x125xi32, #tpu.memory_space<vmem>> -> memref<1x125xi32, #tpu.memory_space<vmem>>
      %dma_start3A_136 = tpu.memref_squeeze %dma_start3A_135 : memref<1x125xi32, #tpu.memory_space<vmem>> -> memref<125xi32, #tpu.memory_space<vmem>>
      %dma_start3A_137 = arith.constant 0 : i32
      %dma_start3A_138 = arith.constant 0 : i32
      %dma_start3A_139 = tpu.memref_slice %arg18[%dma_start3A_137, %dma_start3A_138] : memref<10000x8xf32, #tpu.memory_space<vmem_shared>> -> memref<10000x8xf32, #tpu.memory_space<vmem_shared>>
      tpu.enqueue_indirect_dma source(%arg14 : memref<125x8xf32, #tpu.memory_space<vmem>>) target(%dma_start3A_139 : memref<10000x8xf32, #tpu.memory_space<vmem_shared>>) offsets(%dma_start3A_136 : memref<125xi32, #tpu.memory_space<vmem>>) semaphore(%run_scoped3A_133 : memref<!tpu.dma_semaphore, #tpu.memory_space<semaphore_mem>>) {add = true}
      %dma_wait3A_140 = arith.constant 0 : i32
      %dma_wait3A_141 = tpu.memref_slice %arg13[%run_scoped3A_69, %dma_wait3A_140] : memref<25x125xi32, #tpu.memory_space<vmem>> -> memref<1x125xi32, #tpu.memory_space<vmem>>
      %dma_wait3A_142 = tpu.memref_squeeze %dma_wait3A_141 : memref<1x125xi32, #tpu.memory_space<vmem>> -> memref<125xi32, #tpu.memory_space<vmem>>
      %dma_wait3A_143 = arith.constant 0 : i32
      %dma_wait3A_144 = arith.constant 0 : i32
      %dma_wait3A_145 = tpu.memref_slice %arg18[%dma_wait3A_143, %dma_wait3A_144] : memref<10000x8xf32, #tpu.memory_space<vmem_shared>> -> memref<10000x8xf32, #tpu.memory_space<vmem_shared>>
      tpu.wait_indirect_dma semaphore(%run_scoped3A_133 : memref<!tpu.dma_semaphore, #tpu.memory_space<semaphore_mem>>) src(%arg14 : memref<125x8xf32, #tpu.memory_space<vmem>>) dst(%dma_wait3A_145 : memref<10000x8xf32, #tpu.memory_space<vmem_shared>>)
      tpu.yield
    }) : () -> ()
    %add3A_70 = arith.constant 1625 : i32
    %add3A_71 = arith.addi %mul3A_18, %add3A_70 : i32
    "tpu.region"() ({
      %run_scoped3A_133 = tpu.sem_alloc : memref<!tpu.dma_semaphore, #tpu.memory_space<semaphore_mem>>
      %dma_start3A_134 = arith.constant 0 : i32
      %dma_start3A_135 = tpu.memref_slice %arg2[%add3A_71, %dma_start3A_134] : memref<100000x64xf32, #tpu.memory_space<hbm>> -> memref<125x64xf32, #tpu.memory_space<hbm>>
      %dma_start3A_136 = arith.constant 0 : i32
      %dma_start3A_137 = tpu.memref_slice %arg2[%add3A_71, %dma_start3A_136] : memref<100000x64xf32, #tpu.memory_space<hbm>> -> memref<125x64xf32, #tpu.memory_space<hbm>>
      tpu.enqueue_dma source(%dma_start3A_137 : memref<125x64xf32, #tpu.memory_space<hbm>>) target(%arg12 : memref<125x64xf32, #tpu.memory_space<vmem>>) target_semaphore(%run_scoped3A_133 : memref<!tpu.dma_semaphore, #tpu.memory_space<semaphore_mem>>)
      %dma_wait3A_138 = arith.constant 0 : i32
      %dma_wait3A_139 = tpu.memref_slice %arg2[%add3A_71, %dma_wait3A_138] : memref<100000x64xf32, #tpu.memory_space<hbm>> -> memref<125x64xf32, #tpu.memory_space<hbm>>
      %dma_wait3A_140 = arith.constant 0 : i32
      %dma_wait3A_141 = tpu.memref_slice %arg2[%add3A_71, %dma_wait3A_140] : memref<100000x64xf32, #tpu.memory_space<hbm>> -> memref<125x64xf32, #tpu.memory_space<hbm>>
      tpu.wait_dma2 semaphore(%run_scoped3A_133 : memref<!tpu.dma_semaphore, #tpu.memory_space<semaphore_mem>>) src(%dma_wait3A_141 : memref<125x64xf32, #tpu.memory_space<hbm>>) dst(%arg12 : memref<125x64xf32, #tpu.memory_space<vmem>>)
      tpu.yield
    }) : () -> ()
    %run_scoped3A_72 = arith.constant 13 : i32
    "tpu.region"() ({
      %run_scoped3A_133 = tpu.sem_alloc : memref<!tpu.dma_semaphore, #tpu.memory_space<semaphore_mem>>
      %dma_start3A_134 = arith.constant 0 : i32
      %dma_start3A_135 = tpu.memref_slice %arg13[%run_scoped3A_72, %dma_start3A_134] : memref<25x125xi32, #tpu.memory_space<vmem>> -> memref<1x125xi32, #tpu.memory_space<vmem>>
      %dma_start3A_136 = tpu.memref_squeeze %dma_start3A_135 : memref<1x125xi32, #tpu.memory_space<vmem>> -> memref<125xi32, #tpu.memory_space<vmem>>
      %dma_start3A_137 = arith.constant 0 : i32
      %dma_start3A_138 = arith.constant 0 : i32
      %dma_start3A_139 = tpu.memref_slice %arg17[%dma_start3A_137, %dma_start3A_138] : memref<10000x64xf32, #tpu.memory_space<vmem_shared>> -> memref<10000x64xf32, #tpu.memory_space<vmem_shared>>
      tpu.enqueue_indirect_dma source(%arg12 : memref<125x64xf32, #tpu.memory_space<vmem>>) target(%dma_start3A_139 : memref<10000x64xf32, #tpu.memory_space<vmem_shared>>) offsets(%dma_start3A_136 : memref<125xi32, #tpu.memory_space<vmem>>) semaphore(%run_scoped3A_133 : memref<!tpu.dma_semaphore, #tpu.memory_space<semaphore_mem>>) {add = true}
      %dma_wait3A_140 = arith.constant 0 : i32
      %dma_wait3A_141 = tpu.memref_slice %arg13[%run_scoped3A_72, %dma_wait3A_140] : memref<25x125xi32, #tpu.memory_space<vmem>> -> memref<1x125xi32, #tpu.memory_space<vmem>>
      %dma_wait3A_142 = tpu.memref_squeeze %dma_wait3A_141 : memref<1x125xi32, #tpu.memory_space<vmem>> -> memref<125xi32, #tpu.memory_space<vmem>>
      %dma_wait3A_143 = arith.constant 0 : i32
      %dma_wait3A_144 = arith.constant 0 : i32
      %dma_wait3A_145 = tpu.memref_slice %arg17[%dma_wait3A_143, %dma_wait3A_144] : memref<10000x64xf32, #tpu.memory_space<vmem_shared>> -> memref<10000x64xf32, #tpu.memory_space<vmem_shared>>
      tpu.wait_indirect_dma semaphore(%run_scoped3A_133 : memref<!tpu.dma_semaphore, #tpu.memory_space<semaphore_mem>>) src(%arg12 : memref<125x64xf32, #tpu.memory_space<vmem>>) dst(%dma_wait3A_145 : memref<10000x64xf32, #tpu.memory_space<vmem_shared>>)
      tpu.yield
    }) : () -> ()
    %run_scoped3A_73 = arith.constant 13 : i32
    "tpu.region"() ({
      %run_scoped3A_133 = tpu.sem_alloc : memref<!tpu.dma_semaphore, #tpu.memory_space<semaphore_mem>>
      %dma_start3A_134 = arith.constant 0 : i32
      %dma_start3A_135 = tpu.memref_slice %arg13[%run_scoped3A_73, %dma_start3A_134] : memref<25x125xi32, #tpu.memory_space<vmem>> -> memref<1x125xi32, #tpu.memory_space<vmem>>
      %dma_start3A_136 = tpu.memref_squeeze %dma_start3A_135 : memref<1x125xi32, #tpu.memory_space<vmem>> -> memref<125xi32, #tpu.memory_space<vmem>>
      %dma_start3A_137 = arith.constant 0 : i32
      %dma_start3A_138 = arith.constant 0 : i32
      %dma_start3A_139 = tpu.memref_slice %arg18[%dma_start3A_137, %dma_start3A_138] : memref<10000x8xf32, #tpu.memory_space<vmem_shared>> -> memref<10000x8xf32, #tpu.memory_space<vmem_shared>>
      tpu.enqueue_indirect_dma source(%arg14 : memref<125x8xf32, #tpu.memory_space<vmem>>) target(%dma_start3A_139 : memref<10000x8xf32, #tpu.memory_space<vmem_shared>>) offsets(%dma_start3A_136 : memref<125xi32, #tpu.memory_space<vmem>>) semaphore(%run_scoped3A_133 : memref<!tpu.dma_semaphore, #tpu.memory_space<semaphore_mem>>) {add = true}
      %dma_wait3A_140 = arith.constant 0 : i32
      %dma_wait3A_141 = tpu.memref_slice %arg13[%run_scoped3A_73, %dma_wait3A_140] : memref<25x125xi32, #tpu.memory_space<vmem>> -> memref<1x125xi32, #tpu.memory_space<vmem>>
      %dma_wait3A_142 = tpu.memref_squeeze %dma_wait3A_141 : memref<1x125xi32, #tpu.memory_space<vmem>> -> memref<125xi32, #tpu.memory_space<vmem>>
      %dma_wait3A_143 = arith.constant 0 : i32
      %dma_wait3A_144 = arith.constant 0 : i32
      %dma_wait3A_145 = tpu.memref_slice %arg18[%dma_wait3A_143, %dma_wait3A_144] : memref<10000x8xf32, #tpu.memory_space<vmem_shared>> -> memref<10000x8xf32, #tpu.memory_space<vmem_shared>>
      tpu.wait_indirect_dma semaphore(%run_scoped3A_133 : memref<!tpu.dma_semaphore, #tpu.memory_space<semaphore_mem>>) src(%arg14 : memref<125x8xf32, #tpu.memory_space<vmem>>) dst(%dma_wait3A_145 : memref<10000x8xf32, #tpu.memory_space<vmem_shared>>)
      tpu.yield
    }) : () -> ()
    %add3A_74 = arith.constant 1750 : i32
    %add3A_75 = arith.addi %mul3A_18, %add3A_74 : i32
    "tpu.region"() ({
      %run_scoped3A_133 = tpu.sem_alloc : memref<!tpu.dma_semaphore, #tpu.memory_space<semaphore_mem>>
      %dma_start3A_134 = arith.constant 0 : i32
      %dma_start3A_135 = tpu.memref_slice %arg2[%add3A_75, %dma_start3A_134] : memref<100000x64xf32, #tpu.memory_space<hbm>> -> memref<125x64xf32, #tpu.memory_space<hbm>>
      %dma_start3A_136 = arith.constant 0 : i32
      %dma_start3A_137 = tpu.memref_slice %arg2[%add3A_75, %dma_start3A_136] : memref<100000x64xf32, #tpu.memory_space<hbm>> -> memref<125x64xf32, #tpu.memory_space<hbm>>
      tpu.enqueue_dma source(%dma_start3A_137 : memref<125x64xf32, #tpu.memory_space<hbm>>) target(%arg12 : memref<125x64xf32, #tpu.memory_space<vmem>>) target_semaphore(%run_scoped3A_133 : memref<!tpu.dma_semaphore, #tpu.memory_space<semaphore_mem>>)
      %dma_wait3A_138 = arith.constant 0 : i32
      %dma_wait3A_139 = tpu.memref_slice %arg2[%add3A_75, %dma_wait3A_138] : memref<100000x64xf32, #tpu.memory_space<hbm>> -> memref<125x64xf32, #tpu.memory_space<hbm>>
      %dma_wait3A_140 = arith.constant 0 : i32
      %dma_wait3A_141 = tpu.memref_slice %arg2[%add3A_75, %dma_wait3A_140] : memref<100000x64xf32, #tpu.memory_space<hbm>> -> memref<125x64xf32, #tpu.memory_space<hbm>>
      tpu.wait_dma2 semaphore(%run_scoped3A_133 : memref<!tpu.dma_semaphore, #tpu.memory_space<semaphore_mem>>) src(%dma_wait3A_141 : memref<125x64xf32, #tpu.memory_space<hbm>>) dst(%arg12 : memref<125x64xf32, #tpu.memory_space<vmem>>)
      tpu.yield
    }) : () -> ()
    %run_scoped3A_76 = arith.constant 14 : i32
    "tpu.region"() ({
      %run_scoped3A_133 = tpu.sem_alloc : memref<!tpu.dma_semaphore, #tpu.memory_space<semaphore_mem>>
      %dma_start3A_134 = arith.constant 0 : i32
      %dma_start3A_135 = tpu.memref_slice %arg13[%run_scoped3A_76, %dma_start3A_134] : memref<25x125xi32, #tpu.memory_space<vmem>> -> memref<1x125xi32, #tpu.memory_space<vmem>>
      %dma_start3A_136 = tpu.memref_squeeze %dma_start3A_135 : memref<1x125xi32, #tpu.memory_space<vmem>> -> memref<125xi32, #tpu.memory_space<vmem>>
      %dma_start3A_137 = arith.constant 0 : i32
      %dma_start3A_138 = arith.constant 0 : i32
      %dma_start3A_139 = tpu.memref_slice %arg17[%dma_start3A_137, %dma_start3A_138] : memref<10000x64xf32, #tpu.memory_space<vmem_shared>> -> memref<10000x64xf32, #tpu.memory_space<vmem_shared>>
      tpu.enqueue_indirect_dma source(%arg12 : memref<125x64xf32, #tpu.memory_space<vmem>>) target(%dma_start3A_139 : memref<10000x64xf32, #tpu.memory_space<vmem_shared>>) offsets(%dma_start3A_136 : memref<125xi32, #tpu.memory_space<vmem>>) semaphore(%run_scoped3A_133 : memref<!tpu.dma_semaphore, #tpu.memory_space<semaphore_mem>>) {add = true}
      %dma_wait3A_140 = arith.constant 0 : i32
      %dma_wait3A_141 = tpu.memref_slice %arg13[%run_scoped3A_76, %dma_wait3A_140] : memref<25x125xi32, #tpu.memory_space<vmem>> -> memref<1x125xi32, #tpu.memory_space<vmem>>
      %dma_wait3A_142 = tpu.memref_squeeze %dma_wait3A_141 : memref<1x125xi32, #tpu.memory_space<vmem>> -> memref<125xi32, #tpu.memory_space<vmem>>
      %dma_wait3A_143 = arith.constant 0 : i32
      %dma_wait3A_144 = arith.constant 0 : i32
      %dma_wait3A_145 = tpu.memref_slice %arg17[%dma_wait3A_143, %dma_wait3A_144] : memref<10000x64xf32, #tpu.memory_space<vmem_shared>> -> memref<10000x64xf32, #tpu.memory_space<vmem_shared>>
      tpu.wait_indirect_dma semaphore(%run_scoped3A_133 : memref<!tpu.dma_semaphore, #tpu.memory_space<semaphore_mem>>) src(%arg12 : memref<125x64xf32, #tpu.memory_space<vmem>>) dst(%dma_wait3A_145 : memref<10000x64xf32, #tpu.memory_space<vmem_shared>>)
      tpu.yield
    }) : () -> ()
    %run_scoped3A_77 = arith.constant 14 : i32
    "tpu.region"() ({
      %run_scoped3A_133 = tpu.sem_alloc : memref<!tpu.dma_semaphore, #tpu.memory_space<semaphore_mem>>
      %dma_start3A_134 = arith.constant 0 : i32
      %dma_start3A_135 = tpu.memref_slice %arg13[%run_scoped3A_77, %dma_start3A_134] : memref<25x125xi32, #tpu.memory_space<vmem>> -> memref<1x125xi32, #tpu.memory_space<vmem>>
      %dma_start3A_136 = tpu.memref_squeeze %dma_start3A_135 : memref<1x125xi32, #tpu.memory_space<vmem>> -> memref<125xi32, #tpu.memory_space<vmem>>
      %dma_start3A_137 = arith.constant 0 : i32
      %dma_start3A_138 = arith.constant 0 : i32
      %dma_start3A_139 = tpu.memref_slice %arg18[%dma_start3A_137, %dma_start3A_138] : memref<10000x8xf32, #tpu.memory_space<vmem_shared>> -> memref<10000x8xf32, #tpu.memory_space<vmem_shared>>
      tpu.enqueue_indirect_dma source(%arg14 : memref<125x8xf32, #tpu.memory_space<vmem>>) target(%dma_start3A_139 : memref<10000x8xf32, #tpu.memory_space<vmem_shared>>) offsets(%dma_start3A_136 : memref<125xi32, #tpu.memory_space<vmem>>) semaphore(%run_scoped3A_133 : memref<!tpu.dma_semaphore, #tpu.memory_space<semaphore_mem>>) {add = true}
      %dma_wait3A_140 = arith.constant 0 : i32
      %dma_wait3A_141 = tpu.memref_slice %arg13[%run_scoped3A_77, %dma_wait3A_140] : memref<25x125xi32, #tpu.memory_space<vmem>> -> memref<1x125xi32, #tpu.memory_space<vmem>>
      %dma_wait3A_142 = tpu.memref_squeeze %dma_wait3A_141 : memref<1x125xi32, #tpu.memory_space<vmem>> -> memref<125xi32, #tpu.memory_space<vmem>>
      %dma_wait3A_143 = arith.constant 0 : i32
      %dma_wait3A_144 = arith.constant 0 : i32
      %dma_wait3A_145 = tpu.memref_slice %arg18[%dma_wait3A_143, %dma_wait3A_144] : memref<10000x8xf32, #tpu.memory_space<vmem_shared>> -> memref<10000x8xf32, #tpu.memory_space<vmem_shared>>
      tpu.wait_indirect_dma semaphore(%run_scoped3A_133 : memref<!tpu.dma_semaphore, #tpu.memory_space<semaphore_mem>>) src(%arg14 : memref<125x8xf32, #tpu.memory_space<vmem>>) dst(%dma_wait3A_145 : memref<10000x8xf32, #tpu.memory_space<vmem_shared>>)
      tpu.yield
    }) : () -> ()
    %add3A_78 = arith.constant 1875 : i32
    %add3A_79 = arith.addi %mul3A_18, %add3A_78 : i32
    "tpu.region"() ({
      %run_scoped3A_133 = tpu.sem_alloc : memref<!tpu.dma_semaphore, #tpu.memory_space<semaphore_mem>>
      %dma_start3A_134 = arith.constant 0 : i32
      %dma_start3A_135 = tpu.memref_slice %arg2[%add3A_79, %dma_start3A_134] : memref<100000x64xf32, #tpu.memory_space<hbm>> -> memref<125x64xf32, #tpu.memory_space<hbm>>
      %dma_start3A_136 = arith.constant 0 : i32
      %dma_start3A_137 = tpu.memref_slice %arg2[%add3A_79, %dma_start3A_136] : memref<100000x64xf32, #tpu.memory_space<hbm>> -> memref<125x64xf32, #tpu.memory_space<hbm>>
      tpu.enqueue_dma source(%dma_start3A_137 : memref<125x64xf32, #tpu.memory_space<hbm>>) target(%arg12 : memref<125x64xf32, #tpu.memory_space<vmem>>) target_semaphore(%run_scoped3A_133 : memref<!tpu.dma_semaphore, #tpu.memory_space<semaphore_mem>>)
      %dma_wait3A_138 = arith.constant 0 : i32
      %dma_wait3A_139 = tpu.memref_slice %arg2[%add3A_79, %dma_wait3A_138] : memref<100000x64xf32, #tpu.memory_space<hbm>> -> memref<125x64xf32, #tpu.memory_space<hbm>>
      %dma_wait3A_140 = arith.constant 0 : i32
      %dma_wait3A_141 = tpu.memref_slice %arg2[%add3A_79, %dma_wait3A_140] : memref<100000x64xf32, #tpu.memory_space<hbm>> -> memref<125x64xf32, #tpu.memory_space<hbm>>
      tpu.wait_dma2 semaphore(%run_scoped3A_133 : memref<!tpu.dma_semaphore, #tpu.memory_space<semaphore_mem>>) src(%dma_wait3A_141 : memref<125x64xf32, #tpu.memory_space<hbm>>) dst(%arg12 : memref<125x64xf32, #tpu.memory_space<vmem>>)
      tpu.yield
    }) : () -> ()
    %run_scoped3A_80 = arith.constant 15 : i32
    "tpu.region"() ({
      %run_scoped3A_133 = tpu.sem_alloc : memref<!tpu.dma_semaphore, #tpu.memory_space<semaphore_mem>>
      %dma_start3A_134 = arith.constant 0 : i32
      %dma_start3A_135 = tpu.memref_slice %arg13[%run_scoped3A_80, %dma_start3A_134] : memref<25x125xi32, #tpu.memory_space<vmem>> -> memref<1x125xi32, #tpu.memory_space<vmem>>
      %dma_start3A_136 = tpu.memref_squeeze %dma_start3A_135 : memref<1x125xi32, #tpu.memory_space<vmem>> -> memref<125xi32, #tpu.memory_space<vmem>>
      %dma_start3A_137 = arith.constant 0 : i32
      %dma_start3A_138 = arith.constant 0 : i32
      %dma_start3A_139 = tpu.memref_slice %arg17[%dma_start3A_137, %dma_start3A_138] : memref<10000x64xf32, #tpu.memory_space<vmem_shared>> -> memref<10000x64xf32, #tpu.memory_space<vmem_shared>>
      tpu.enqueue_indirect_dma source(%arg12 : memref<125x64xf32, #tpu.memory_space<vmem>>) target(%dma_start3A_139 : memref<10000x64xf32, #tpu.memory_space<vmem_shared>>) offsets(%dma_start3A_136 : memref<125xi32, #tpu.memory_space<vmem>>) semaphore(%run_scoped3A_133 : memref<!tpu.dma_semaphore, #tpu.memory_space<semaphore_mem>>) {add = true}
      %dma_wait3A_140 = arith.constant 0 : i32
      %dma_wait3A_141 = tpu.memref_slice %arg13[%run_scoped3A_80, %dma_wait3A_140] : memref<25x125xi32, #tpu.memory_space<vmem>> -> memref<1x125xi32, #tpu.memory_space<vmem>>
      %dma_wait3A_142 = tpu.memref_squeeze %dma_wait3A_141 : memref<1x125xi32, #tpu.memory_space<vmem>> -> memref<125xi32, #tpu.memory_space<vmem>>
      %dma_wait3A_143 = arith.constant 0 : i32
      %dma_wait3A_144 = arith.constant 0 : i32
      %dma_wait3A_145 = tpu.memref_slice %arg17[%dma_wait3A_143, %dma_wait3A_144] : memref<10000x64xf32, #tpu.memory_space<vmem_shared>> -> memref<10000x64xf32, #tpu.memory_space<vmem_shared>>
      tpu.wait_indirect_dma semaphore(%run_scoped3A_133 : memref<!tpu.dma_semaphore, #tpu.memory_space<semaphore_mem>>) src(%arg12 : memref<125x64xf32, #tpu.memory_space<vmem>>) dst(%dma_wait3A_145 : memref<10000x64xf32, #tpu.memory_space<vmem_shared>>)
      tpu.yield
    }) : () -> ()
    %run_scoped3A_81 = arith.constant 15 : i32
    "tpu.region"() ({
      %run_scoped3A_133 = tpu.sem_alloc : memref<!tpu.dma_semaphore, #tpu.memory_space<semaphore_mem>>
      %dma_start3A_134 = arith.constant 0 : i32
      %dma_start3A_135 = tpu.memref_slice %arg13[%run_scoped3A_81, %dma_start3A_134] : memref<25x125xi32, #tpu.memory_space<vmem>> -> memref<1x125xi32, #tpu.memory_space<vmem>>
      %dma_start3A_136 = tpu.memref_squeeze %dma_start3A_135 : memref<1x125xi32, #tpu.memory_space<vmem>> -> memref<125xi32, #tpu.memory_space<vmem>>
      %dma_start3A_137 = arith.constant 0 : i32
      %dma_start3A_138 = arith.constant 0 : i32
      %dma_start3A_139 = tpu.memref_slice %arg18[%dma_start3A_137, %dma_start3A_138] : memref<10000x8xf32, #tpu.memory_space<vmem_shared>> -> memref<10000x8xf32, #tpu.memory_space<vmem_shared>>
      tpu.enqueue_indirect_dma source(%arg14 : memref<125x8xf32, #tpu.memory_space<vmem>>) target(%dma_start3A_139 : memref<10000x8xf32, #tpu.memory_space<vmem_shared>>) offsets(%dma_start3A_136 : memref<125xi32, #tpu.memory_space<vmem>>) semaphore(%run_scoped3A_133 : memref<!tpu.dma_semaphore, #tpu.memory_space<semaphore_mem>>) {add = true}
      %dma_wait3A_140 = arith.constant 0 : i32
      %dma_wait3A_141 = tpu.memref_slice %arg13[%run_scoped3A_81, %dma_wait3A_140] : memref<25x125xi32, #tpu.memory_space<vmem>> -> memref<1x125xi32, #tpu.memory_space<vmem>>
      %dma_wait3A_142 = tpu.memref_squeeze %dma_wait3A_141 : memref<1x125xi32, #tpu.memory_space<vmem>> -> memref<125xi32, #tpu.memory_space<vmem>>
      %dma_wait3A_143 = arith.constant 0 : i32
      %dma_wait3A_144 = arith.constant 0 : i32
      %dma_wait3A_145 = tpu.memref_slice %arg18[%dma_wait3A_143, %dma_wait3A_144] : memref<10000x8xf32, #tpu.memory_space<vmem_shared>> -> memref<10000x8xf32, #tpu.memory_space<vmem_shared>>
      tpu.wait_indirect_dma semaphore(%run_scoped3A_133 : memref<!tpu.dma_semaphore, #tpu.memory_space<semaphore_mem>>) src(%arg14 : memref<125x8xf32, #tpu.memory_space<vmem>>) dst(%dma_wait3A_145 : memref<10000x8xf32, #tpu.memory_space<vmem_shared>>)
      tpu.yield
    }) : () -> ()
    %add3A_82 = arith.constant 2000 : i32
    %add3A_83 = arith.addi %mul3A_18, %add3A_82 : i32
    "tpu.region"() ({
      %run_scoped3A_133 = tpu.sem_alloc : memref<!tpu.dma_semaphore, #tpu.memory_space<semaphore_mem>>
      %dma_start3A_134 = arith.constant 0 : i32
      %dma_start3A_135 = tpu.memref_slice %arg2[%add3A_83, %dma_start3A_134] : memref<100000x64xf32, #tpu.memory_space<hbm>> -> memref<125x64xf32, #tpu.memory_space<hbm>>
      %dma_start3A_136 = arith.constant 0 : i32
      %dma_start3A_137 = tpu.memref_slice %arg2[%add3A_83, %dma_start3A_136] : memref<100000x64xf32, #tpu.memory_space<hbm>> -> memref<125x64xf32, #tpu.memory_space<hbm>>
      tpu.enqueue_dma source(%dma_start3A_137 : memref<125x64xf32, #tpu.memory_space<hbm>>) target(%arg12 : memref<125x64xf32, #tpu.memory_space<vmem>>) target_semaphore(%run_scoped3A_133 : memref<!tpu.dma_semaphore, #tpu.memory_space<semaphore_mem>>)
      %dma_wait3A_138 = arith.constant 0 : i32
      %dma_wait3A_139 = tpu.memref_slice %arg2[%add3A_83, %dma_wait3A_138] : memref<100000x64xf32, #tpu.memory_space<hbm>> -> memref<125x64xf32, #tpu.memory_space<hbm>>
      %dma_wait3A_140 = arith.constant 0 : i32
      %dma_wait3A_141 = tpu.memref_slice %arg2[%add3A_83, %dma_wait3A_140] : memref<100000x64xf32, #tpu.memory_space<hbm>> -> memref<125x64xf32, #tpu.memory_space<hbm>>
      tpu.wait_dma2 semaphore(%run_scoped3A_133 : memref<!tpu.dma_semaphore, #tpu.memory_space<semaphore_mem>>) src(%dma_wait3A_141 : memref<125x64xf32, #tpu.memory_space<hbm>>) dst(%arg12 : memref<125x64xf32, #tpu.memory_space<vmem>>)
      tpu.yield
    }) : () -> ()
    %run_scoped3A_84 = arith.constant 16 : i32
    "tpu.region"() ({
      %run_scoped3A_133 = tpu.sem_alloc : memref<!tpu.dma_semaphore, #tpu.memory_space<semaphore_mem>>
      %dma_start3A_134 = arith.constant 0 : i32
      %dma_start3A_135 = tpu.memref_slice %arg13[%run_scoped3A_84, %dma_start3A_134] : memref<25x125xi32, #tpu.memory_space<vmem>> -> memref<1x125xi32, #tpu.memory_space<vmem>>
      %dma_start3A_136 = tpu.memref_squeeze %dma_start3A_135 : memref<1x125xi32, #tpu.memory_space<vmem>> -> memref<125xi32, #tpu.memory_space<vmem>>
      %dma_start3A_137 = arith.constant 0 : i32
      %dma_start3A_138 = arith.constant 0 : i32
      %dma_start3A_139 = tpu.memref_slice %arg17[%dma_start3A_137, %dma_start3A_138] : memref<10000x64xf32, #tpu.memory_space<vmem_shared>> -> memref<10000x64xf32, #tpu.memory_space<vmem_shared>>
      tpu.enqueue_indirect_dma source(%arg12 : memref<125x64xf32, #tpu.memory_space<vmem>>) target(%dma_start3A_139 : memref<10000x64xf32, #tpu.memory_space<vmem_shared>>) offsets(%dma_start3A_136 : memref<125xi32, #tpu.memory_space<vmem>>) semaphore(%run_scoped3A_133 : memref<!tpu.dma_semaphore, #tpu.memory_space<semaphore_mem>>) {add = true}
      %dma_wait3A_140 = arith.constant 0 : i32
      %dma_wait3A_141 = tpu.memref_slice %arg13[%run_scoped3A_84, %dma_wait3A_140] : memref<25x125xi32, #tpu.memory_space<vmem>> -> memref<1x125xi32, #tpu.memory_space<vmem>>
      %dma_wait3A_142 = tpu.memref_squeeze %dma_wait3A_141 : memref<1x125xi32, #tpu.memory_space<vmem>> -> memref<125xi32, #tpu.memory_space<vmem>>
      %dma_wait3A_143 = arith.constant 0 : i32
      %dma_wait3A_144 = arith.constant 0 : i32
      %dma_wait3A_145 = tpu.memref_slice %arg17[%dma_wait3A_143, %dma_wait3A_144] : memref<10000x64xf32, #tpu.memory_space<vmem_shared>> -> memref<10000x64xf32, #tpu.memory_space<vmem_shared>>
      tpu.wait_indirect_dma semaphore(%run_scoped3A_133 : memref<!tpu.dma_semaphore, #tpu.memory_space<semaphore_mem>>) src(%arg12 : memref<125x64xf32, #tpu.memory_space<vmem>>) dst(%dma_wait3A_145 : memref<10000x64xf32, #tpu.memory_space<vmem_shared>>)
      tpu.yield
    }) : () -> ()
    %run_scoped3A_85 = arith.constant 16 : i32
    "tpu.region"() ({
      %run_scoped3A_133 = tpu.sem_alloc : memref<!tpu.dma_semaphore, #tpu.memory_space<semaphore_mem>>
      %dma_start3A_134 = arith.constant 0 : i32
      %dma_start3A_135 = tpu.memref_slice %arg13[%run_scoped3A_85, %dma_start3A_134] : memref<25x125xi32, #tpu.memory_space<vmem>> -> memref<1x125xi32, #tpu.memory_space<vmem>>
      %dma_start3A_136 = tpu.memref_squeeze %dma_start3A_135 : memref<1x125xi32, #tpu.memory_space<vmem>> -> memref<125xi32, #tpu.memory_space<vmem>>
      %dma_start3A_137 = arith.constant 0 : i32
      %dma_start3A_138 = arith.constant 0 : i32
      %dma_start3A_139 = tpu.memref_slice %arg18[%dma_start3A_137, %dma_start3A_138] : memref<10000x8xf32, #tpu.memory_space<vmem_shared>> -> memref<10000x8xf32, #tpu.memory_space<vmem_shared>>
      tpu.enqueue_indirect_dma source(%arg14 : memref<125x8xf32, #tpu.memory_space<vmem>>) target(%dma_start3A_139 : memref<10000x8xf32, #tpu.memory_space<vmem_shared>>) offsets(%dma_start3A_136 : memref<125xi32, #tpu.memory_space<vmem>>) semaphore(%run_scoped3A_133 : memref<!tpu.dma_semaphore, #tpu.memory_space<semaphore_mem>>) {add = true}
      %dma_wait3A_140 = arith.constant 0 : i32
      %dma_wait3A_141 = tpu.memref_slice %arg13[%run_scoped3A_85, %dma_wait3A_140] : memref<25x125xi32, #tpu.memory_space<vmem>> -> memref<1x125xi32, #tpu.memory_space<vmem>>
      %dma_wait3A_142 = tpu.memref_squeeze %dma_wait3A_141 : memref<1x125xi32, #tpu.memory_space<vmem>> -> memref<125xi32, #tpu.memory_space<vmem>>
      %dma_wait3A_143 = arith.constant 0 : i32
      %dma_wait3A_144 = arith.constant 0 : i32
      %dma_wait3A_145 = tpu.memref_slice %arg18[%dma_wait3A_143, %dma_wait3A_144] : memref<10000x8xf32, #tpu.memory_space<vmem_shared>> -> memref<10000x8xf32, #tpu.memory_space<vmem_shared>>
      tpu.wait_indirect_dma semaphore(%run_scoped3A_133 : memref<!tpu.dma_semaphore, #tpu.memory_space<semaphore_mem>>) src(%arg14 : memref<125x8xf32, #tpu.memory_space<vmem>>) dst(%dma_wait3A_145 : memref<10000x8xf32, #tpu.memory_space<vmem_shared>>)
      tpu.yield
    }) : () -> ()
    %add3A_86 = arith.constant 2125 : i32
    %add3A_87 = arith.addi %mul3A_18, %add3A_86 : i32
    "tpu.region"() ({
      %run_scoped3A_133 = tpu.sem_alloc : memref<!tpu.dma_semaphore, #tpu.memory_space<semaphore_mem>>
      %dma_start3A_134 = arith.constant 0 : i32
      %dma_start3A_135 = tpu.memref_slice %arg2[%add3A_87, %dma_start3A_134] : memref<100000x64xf32, #tpu.memory_space<hbm>> -> memref<125x64xf32, #tpu.memory_space<hbm>>
      %dma_start3A_136 = arith.constant 0 : i32
      %dma_start3A_137 = tpu.memref_slice %arg2[%add3A_87, %dma_start3A_136] : memref<100000x64xf32, #tpu.memory_space<hbm>> -> memref<125x64xf32, #tpu.memory_space<hbm>>
      tpu.enqueue_dma source(%dma_start3A_137 : memref<125x64xf32, #tpu.memory_space<hbm>>) target(%arg12 : memref<125x64xf32, #tpu.memory_space<vmem>>) target_semaphore(%run_scoped3A_133 : memref<!tpu.dma_semaphore, #tpu.memory_space<semaphore_mem>>)
      %dma_wait3A_138 = arith.constant 0 : i32
      %dma_wait3A_139 = tpu.memref_slice %arg2[%add3A_87, %dma_wait3A_138] : memref<100000x64xf32, #tpu.memory_space<hbm>> -> memref<125x64xf32, #tpu.memory_space<hbm>>
      %dma_wait3A_140 = arith.constant 0 : i32
      %dma_wait3A_141 = tpu.memref_slice %arg2[%add3A_87, %dma_wait3A_140] : memref<100000x64xf32, #tpu.memory_space<hbm>> -> memref<125x64xf32, #tpu.memory_space<hbm>>
      tpu.wait_dma2 semaphore(%run_scoped3A_133 : memref<!tpu.dma_semaphore, #tpu.memory_space<semaphore_mem>>) src(%dma_wait3A_141 : memref<125x64xf32, #tpu.memory_space<hbm>>) dst(%arg12 : memref<125x64xf32, #tpu.memory_space<vmem>>)
      tpu.yield
    }) : () -> ()
    %run_scoped3A_88 = arith.constant 17 : i32
    "tpu.region"() ({
      %run_scoped3A_133 = tpu.sem_alloc : memref<!tpu.dma_semaphore, #tpu.memory_space<semaphore_mem>>
      %dma_start3A_134 = arith.constant 0 : i32
      %dma_start3A_135 = tpu.memref_slice %arg13[%run_scoped3A_88, %dma_start3A_134] : memref<25x125xi32, #tpu.memory_space<vmem>> -> memref<1x125xi32, #tpu.memory_space<vmem>>
      %dma_start3A_136 = tpu.memref_squeeze %dma_start3A_135 : memref<1x125xi32, #tpu.memory_space<vmem>> -> memref<125xi32, #tpu.memory_space<vmem>>
      %dma_start3A_137 = arith.constant 0 : i32
      %dma_start3A_138 = arith.constant 0 : i32
      %dma_start3A_139 = tpu.memref_slice %arg17[%dma_start3A_137, %dma_start3A_138] : memref<10000x64xf32, #tpu.memory_space<vmem_shared>> -> memref<10000x64xf32, #tpu.memory_space<vmem_shared>>
      tpu.enqueue_indirect_dma source(%arg12 : memref<125x64xf32, #tpu.memory_space<vmem>>) target(%dma_start3A_139 : memref<10000x64xf32, #tpu.memory_space<vmem_shared>>) offsets(%dma_start3A_136 : memref<125xi32, #tpu.memory_space<vmem>>) semaphore(%run_scoped3A_133 : memref<!tpu.dma_semaphore, #tpu.memory_space<semaphore_mem>>) {add = true}
      %dma_wait3A_140 = arith.constant 0 : i32
      %dma_wait3A_141 = tpu.memref_slice %arg13[%run_scoped3A_88, %dma_wait3A_140] : memref<25x125xi32, #tpu.memory_space<vmem>> -> memref<1x125xi32, #tpu.memory_space<vmem>>
      %dma_wait3A_142 = tpu.memref_squeeze %dma_wait3A_141 : memref<1x125xi32, #tpu.memory_space<vmem>> -> memref<125xi32, #tpu.memory_space<vmem>>
      %dma_wait3A_143 = arith.constant 0 : i32
      %dma_wait3A_144 = arith.constant 0 : i32
      %dma_wait3A_145 = tpu.memref_slice %arg17[%dma_wait3A_143, %dma_wait3A_144] : memref<10000x64xf32, #tpu.memory_space<vmem_shared>> -> memref<10000x64xf32, #tpu.memory_space<vmem_shared>>
      tpu.wait_indirect_dma semaphore(%run_scoped3A_133 : memref<!tpu.dma_semaphore, #tpu.memory_space<semaphore_mem>>) src(%arg12 : memref<125x64xf32, #tpu.memory_space<vmem>>) dst(%dma_wait3A_145 : memref<10000x64xf32, #tpu.memory_space<vmem_shared>>)
      tpu.yield
    }) : () -> ()
    %run_scoped3A_89 = arith.constant 17 : i32
    "tpu.region"() ({
      %run_scoped3A_133 = tpu.sem_alloc : memref<!tpu.dma_semaphore, #tpu.memory_space<semaphore_mem>>
      %dma_start3A_134 = arith.constant 0 : i32
      %dma_start3A_135 = tpu.memref_slice %arg13[%run_scoped3A_89, %dma_start3A_134] : memref<25x125xi32, #tpu.memory_space<vmem>> -> memref<1x125xi32, #tpu.memory_space<vmem>>
      %dma_start3A_136 = tpu.memref_squeeze %dma_start3A_135 : memref<1x125xi32, #tpu.memory_space<vmem>> -> memref<125xi32, #tpu.memory_space<vmem>>
      %dma_start3A_137 = arith.constant 0 : i32
      %dma_start3A_138 = arith.constant 0 : i32
      %dma_start3A_139 = tpu.memref_slice %arg18[%dma_start3A_137, %dma_start3A_138] : memref<10000x8xf32, #tpu.memory_space<vmem_shared>> -> memref<10000x8xf32, #tpu.memory_space<vmem_shared>>
      tpu.enqueue_indirect_dma source(%arg14 : memref<125x8xf32, #tpu.memory_space<vmem>>) target(%dma_start3A_139 : memref<10000x8xf32, #tpu.memory_space<vmem_shared>>) offsets(%dma_start3A_136 : memref<125xi32, #tpu.memory_space<vmem>>) semaphore(%run_scoped3A_133 : memref<!tpu.dma_semaphore, #tpu.memory_space<semaphore_mem>>) {add = true}
      %dma_wait3A_140 = arith.constant 0 : i32
      %dma_wait3A_141 = tpu.memref_slice %arg13[%run_scoped3A_89, %dma_wait3A_140] : memref<25x125xi32, #tpu.memory_space<vmem>> -> memref<1x125xi32, #tpu.memory_space<vmem>>
      %dma_wait3A_142 = tpu.memref_squeeze %dma_wait3A_141 : memref<1x125xi32, #tpu.memory_space<vmem>> -> memref<125xi32, #tpu.memory_space<vmem>>
      %dma_wait3A_143 = arith.constant 0 : i32
      %dma_wait3A_144 = arith.constant 0 : i32
      %dma_wait3A_145 = tpu.memref_slice %arg18[%dma_wait3A_143, %dma_wait3A_144] : memref<10000x8xf32, #tpu.memory_space<vmem_shared>> -> memref<10000x8xf32, #tpu.memory_space<vmem_shared>>
      tpu.wait_indirect_dma semaphore(%run_scoped3A_133 : memref<!tpu.dma_semaphore, #tpu.memory_space<semaphore_mem>>) src(%arg14 : memref<125x8xf32, #tpu.memory_space<vmem>>) dst(%dma_wait3A_145 : memref<10000x8xf32, #tpu.memory_space<vmem_shared>>)
      tpu.yield
    }) : () -> ()
    %add3A_90 = arith.constant 2250 : i32
    %add3A_91 = arith.addi %mul3A_18, %add3A_90 : i32
    "tpu.region"() ({
      %run_scoped3A_133 = tpu.sem_alloc : memref<!tpu.dma_semaphore, #tpu.memory_space<semaphore_mem>>
      %dma_start3A_134 = arith.constant 0 : i32
      %dma_start3A_135 = tpu.memref_slice %arg2[%add3A_91, %dma_start3A_134] : memref<100000x64xf32, #tpu.memory_space<hbm>> -> memref<125x64xf32, #tpu.memory_space<hbm>>
      %dma_start3A_136 = arith.constant 0 : i32
      %dma_start3A_137 = tpu.memref_slice %arg2[%add3A_91, %dma_start3A_136] : memref<100000x64xf32, #tpu.memory_space<hbm>> -> memref<125x64xf32, #tpu.memory_space<hbm>>
      tpu.enqueue_dma source(%dma_start3A_137 : memref<125x64xf32, #tpu.memory_space<hbm>>) target(%arg12 : memref<125x64xf32, #tpu.memory_space<vmem>>) target_semaphore(%run_scoped3A_133 : memref<!tpu.dma_semaphore, #tpu.memory_space<semaphore_mem>>)
      %dma_wait3A_138 = arith.constant 0 : i32
      %dma_wait3A_139 = tpu.memref_slice %arg2[%add3A_91, %dma_wait3A_138] : memref<100000x64xf32, #tpu.memory_space<hbm>> -> memref<125x64xf32, #tpu.memory_space<hbm>>
      %dma_wait3A_140 = arith.constant 0 : i32
      %dma_wait3A_141 = tpu.memref_slice %arg2[%add3A_91, %dma_wait3A_140] : memref<100000x64xf32, #tpu.memory_space<hbm>> -> memref<125x64xf32, #tpu.memory_space<hbm>>
      tpu.wait_dma2 semaphore(%run_scoped3A_133 : memref<!tpu.dma_semaphore, #tpu.memory_space<semaphore_mem>>) src(%dma_wait3A_141 : memref<125x64xf32, #tpu.memory_space<hbm>>) dst(%arg12 : memref<125x64xf32, #tpu.memory_space<vmem>>)
      tpu.yield
    }) : () -> ()
    %run_scoped3A_92 = arith.constant 18 : i32
    "tpu.region"() ({
      %run_scoped3A_133 = tpu.sem_alloc : memref<!tpu.dma_semaphore, #tpu.memory_space<semaphore_mem>>
      %dma_start3A_134 = arith.constant 0 : i32
      %dma_start3A_135 = tpu.memref_slice %arg13[%run_scoped3A_92, %dma_start3A_134] : memref<25x125xi32, #tpu.memory_space<vmem>> -> memref<1x125xi32, #tpu.memory_space<vmem>>
      %dma_start3A_136 = tpu.memref_squeeze %dma_start3A_135 : memref<1x125xi32, #tpu.memory_space<vmem>> -> memref<125xi32, #tpu.memory_space<vmem>>
      %dma_start3A_137 = arith.constant 0 : i32
      %dma_start3A_138 = arith.constant 0 : i32
      %dma_start3A_139 = tpu.memref_slice %arg17[%dma_start3A_137, %dma_start3A_138] : memref<10000x64xf32, #tpu.memory_space<vmem_shared>> -> memref<10000x64xf32, #tpu.memory_space<vmem_shared>>
      tpu.enqueue_indirect_dma source(%arg12 : memref<125x64xf32, #tpu.memory_space<vmem>>) target(%dma_start3A_139 : memref<10000x64xf32, #tpu.memory_space<vmem_shared>>) offsets(%dma_start3A_136 : memref<125xi32, #tpu.memory_space<vmem>>) semaphore(%run_scoped3A_133 : memref<!tpu.dma_semaphore, #tpu.memory_space<semaphore_mem>>) {add = true}
      %dma_wait3A_140 = arith.constant 0 : i32
      %dma_wait3A_141 = tpu.memref_slice %arg13[%run_scoped3A_92, %dma_wait3A_140] : memref<25x125xi32, #tpu.memory_space<vmem>> -> memref<1x125xi32, #tpu.memory_space<vmem>>
      %dma_wait3A_142 = tpu.memref_squeeze %dma_wait3A_141 : memref<1x125xi32, #tpu.memory_space<vmem>> -> memref<125xi32, #tpu.memory_space<vmem>>
      %dma_wait3A_143 = arith.constant 0 : i32
      %dma_wait3A_144 = arith.constant 0 : i32
      %dma_wait3A_145 = tpu.memref_slice %arg17[%dma_wait3A_143, %dma_wait3A_144] : memref<10000x64xf32, #tpu.memory_space<vmem_shared>> -> memref<10000x64xf32, #tpu.memory_space<vmem_shared>>
      tpu.wait_indirect_dma semaphore(%run_scoped3A_133 : memref<!tpu.dma_semaphore, #tpu.memory_space<semaphore_mem>>) src(%arg12 : memref<125x64xf32, #tpu.memory_space<vmem>>) dst(%dma_wait3A_145 : memref<10000x64xf32, #tpu.memory_space<vmem_shared>>)
      tpu.yield
    }) : () -> ()
    %run_scoped3A_93 = arith.constant 18 : i32
    "tpu.region"() ({
      %run_scoped3A_133 = tpu.sem_alloc : memref<!tpu.dma_semaphore, #tpu.memory_space<semaphore_mem>>
      %dma_start3A_134 = arith.constant 0 : i32
      %dma_start3A_135 = tpu.memref_slice %arg13[%run_scoped3A_93, %dma_start3A_134] : memref<25x125xi32, #tpu.memory_space<vmem>> -> memref<1x125xi32, #tpu.memory_space<vmem>>
      %dma_start3A_136 = tpu.memref_squeeze %dma_start3A_135 : memref<1x125xi32, #tpu.memory_space<vmem>> -> memref<125xi32, #tpu.memory_space<vmem>>
      %dma_start3A_137 = arith.constant 0 : i32
      %dma_start3A_138 = arith.constant 0 : i32
      %dma_start3A_139 = tpu.memref_slice %arg18[%dma_start3A_137, %dma_start3A_138] : memref<10000x8xf32, #tpu.memory_space<vmem_shared>> -> memref<10000x8xf32, #tpu.memory_space<vmem_shared>>
      tpu.enqueue_indirect_dma source(%arg14 : memref<125x8xf32, #tpu.memory_space<vmem>>) target(%dma_start3A_139 : memref<10000x8xf32, #tpu.memory_space<vmem_shared>>) offsets(%dma_start3A_136 : memref<125xi32, #tpu.memory_space<vmem>>) semaphore(%run_scoped3A_133 : memref<!tpu.dma_semaphore, #tpu.memory_space<semaphore_mem>>) {add = true}
      %dma_wait3A_140 = arith.constant 0 : i32
      %dma_wait3A_141 = tpu.memref_slice %arg13[%run_scoped3A_93, %dma_wait3A_140] : memref<25x125xi32, #tpu.memory_space<vmem>> -> memref<1x125xi32, #tpu.memory_space<vmem>>
      %dma_wait3A_142 = tpu.memref_squeeze %dma_wait3A_141 : memref<1x125xi32, #tpu.memory_space<vmem>> -> memref<125xi32, #tpu.memory_space<vmem>>
      %dma_wait3A_143 = arith.constant 0 : i32
      %dma_wait3A_144 = arith.constant 0 : i32
      %dma_wait3A_145 = tpu.memref_slice %arg18[%dma_wait3A_143, %dma_wait3A_144] : memref<10000x8xf32, #tpu.memory_space<vmem_shared>> -> memref<10000x8xf32, #tpu.memory_space<vmem_shared>>
      tpu.wait_indirect_dma semaphore(%run_scoped3A_133 : memref<!tpu.dma_semaphore, #tpu.memory_space<semaphore_mem>>) src(%arg14 : memref<125x8xf32, #tpu.memory_space<vmem>>) dst(%dma_wait3A_145 : memref<10000x8xf32, #tpu.memory_space<vmem_shared>>)
      tpu.yield
    }) : () -> ()
    %add3A_94 = arith.constant 2375 : i32
    %add3A_95 = arith.addi %mul3A_18, %add3A_94 : i32
    "tpu.region"() ({
      %run_scoped3A_133 = tpu.sem_alloc : memref<!tpu.dma_semaphore, #tpu.memory_space<semaphore_mem>>
      %dma_start3A_134 = arith.constant 0 : i32
      %dma_start3A_135 = tpu.memref_slice %arg2[%add3A_95, %dma_start3A_134] : memref<100000x64xf32, #tpu.memory_space<hbm>> -> memref<125x64xf32, #tpu.memory_space<hbm>>
      %dma_start3A_136 = arith.constant 0 : i32
      %dma_start3A_137 = tpu.memref_slice %arg2[%add3A_95, %dma_start3A_136] : memref<100000x64xf32, #tpu.memory_space<hbm>> -> memref<125x64xf32, #tpu.memory_space<hbm>>
      tpu.enqueue_dma source(%dma_start3A_137 : memref<125x64xf32, #tpu.memory_space<hbm>>) target(%arg12 : memref<125x64xf32, #tpu.memory_space<vmem>>) target_semaphore(%run_scoped3A_133 : memref<!tpu.dma_semaphore, #tpu.memory_space<semaphore_mem>>)
      %dma_wait3A_138 = arith.constant 0 : i32
      %dma_wait3A_139 = tpu.memref_slice %arg2[%add3A_95, %dma_wait3A_138] : memref<100000x64xf32, #tpu.memory_space<hbm>> -> memref<125x64xf32, #tpu.memory_space<hbm>>
      %dma_wait3A_140 = arith.constant 0 : i32
      %dma_wait3A_141 = tpu.memref_slice %arg2[%add3A_95, %dma_wait3A_140] : memref<100000x64xf32, #tpu.memory_space<hbm>> -> memref<125x64xf32, #tpu.memory_space<hbm>>
      tpu.wait_dma2 semaphore(%run_scoped3A_133 : memref<!tpu.dma_semaphore, #tpu.memory_space<semaphore_mem>>) src(%dma_wait3A_141 : memref<125x64xf32, #tpu.memory_space<hbm>>) dst(%arg12 : memref<125x64xf32, #tpu.memory_space<vmem>>)
      tpu.yield
    }) : () -> ()
    %run_scoped3A_96 = arith.constant 19 : i32
    "tpu.region"() ({
      %run_scoped3A_133 = tpu.sem_alloc : memref<!tpu.dma_semaphore, #tpu.memory_space<semaphore_mem>>
      %dma_start3A_134 = arith.constant 0 : i32
      %dma_start3A_135 = tpu.memref_slice %arg13[%run_scoped3A_96, %dma_start3A_134] : memref<25x125xi32, #tpu.memory_space<vmem>> -> memref<1x125xi32, #tpu.memory_space<vmem>>
      %dma_start3A_136 = tpu.memref_squeeze %dma_start3A_135 : memref<1x125xi32, #tpu.memory_space<vmem>> -> memref<125xi32, #tpu.memory_space<vmem>>
      %dma_start3A_137 = arith.constant 0 : i32
      %dma_start3A_138 = arith.constant 0 : i32
      %dma_start3A_139 = tpu.memref_slice %arg17[%dma_start3A_137, %dma_start3A_138] : memref<10000x64xf32, #tpu.memory_space<vmem_shared>> -> memref<10000x64xf32, #tpu.memory_space<vmem_shared>>
      tpu.enqueue_indirect_dma source(%arg12 : memref<125x64xf32, #tpu.memory_space<vmem>>) target(%dma_start3A_139 : memref<10000x64xf32, #tpu.memory_space<vmem_shared>>) offsets(%dma_start3A_136 : memref<125xi32, #tpu.memory_space<vmem>>) semaphore(%run_scoped3A_133 : memref<!tpu.dma_semaphore, #tpu.memory_space<semaphore_mem>>) {add = true}
      %dma_wait3A_140 = arith.constant 0 : i32
      %dma_wait3A_141 = tpu.memref_slice %arg13[%run_scoped3A_96, %dma_wait3A_140] : memref<25x125xi32, #tpu.memory_space<vmem>> -> memref<1x125xi32, #tpu.memory_space<vmem>>
      %dma_wait3A_142 = tpu.memref_squeeze %dma_wait3A_141 : memref<1x125xi32, #tpu.memory_space<vmem>> -> memref<125xi32, #tpu.memory_space<vmem>>
      %dma_wait3A_143 = arith.constant 0 : i32
      %dma_wait3A_144 = arith.constant 0 : i32
      %dma_wait3A_145 = tpu.memref_slice %arg17[%dma_wait3A_143, %dma_wait3A_144] : memref<10000x64xf32, #tpu.memory_space<vmem_shared>> -> memref<10000x64xf32, #tpu.memory_space<vmem_shared>>
      tpu.wait_indirect_dma semaphore(%run_scoped3A_133 : memref<!tpu.dma_semaphore, #tpu.memory_space<semaphore_mem>>) src(%arg12 : memref<125x64xf32, #tpu.memory_space<vmem>>) dst(%dma_wait3A_145 : memref<10000x64xf32, #tpu.memory_space<vmem_shared>>)
      tpu.yield
    }) : () -> ()
    %run_scoped3A_97 = arith.constant 19 : i32
    "tpu.region"() ({
      %run_scoped3A_133 = tpu.sem_alloc : memref<!tpu.dma_semaphore, #tpu.memory_space<semaphore_mem>>
      %dma_start3A_134 = arith.constant 0 : i32
      %dma_start3A_135 = tpu.memref_slice %arg13[%run_scoped3A_97, %dma_start3A_134] : memref<25x125xi32, #tpu.memory_space<vmem>> -> memref<1x125xi32, #tpu.memory_space<vmem>>
      %dma_start3A_136 = tpu.memref_squeeze %dma_start3A_135 : memref<1x125xi32, #tpu.memory_space<vmem>> -> memref<125xi32, #tpu.memory_space<vmem>>
      %dma_start3A_137 = arith.constant 0 : i32
      %dma_start3A_138 = arith.constant 0 : i32
      %dma_start3A_139 = tpu.memref_slice %arg18[%dma_start3A_137, %dma_start3A_138] : memref<10000x8xf32, #tpu.memory_space<vmem_shared>> -> memref<10000x8xf32, #tpu.memory_space<vmem_shared>>
      tpu.enqueue_indirect_dma source(%arg14 : memref<125x8xf32, #tpu.memory_space<vmem>>) target(%dma_start3A_139 : memref<10000x8xf32, #tpu.memory_space<vmem_shared>>) offsets(%dma_start3A_136 : memref<125xi32, #tpu.memory_space<vmem>>) semaphore(%run_scoped3A_133 : memref<!tpu.dma_semaphore, #tpu.memory_space<semaphore_mem>>) {add = true}
      %dma_wait3A_140 = arith.constant 0 : i32
      %dma_wait3A_141 = tpu.memref_slice %arg13[%run_scoped3A_97, %dma_wait3A_140] : memref<25x125xi32, #tpu.memory_space<vmem>> -> memref<1x125xi32, #tpu.memory_space<vmem>>
      %dma_wait3A_142 = tpu.memref_squeeze %dma_wait3A_141 : memref<1x125xi32, #tpu.memory_space<vmem>> -> memref<125xi32, #tpu.memory_space<vmem>>
      %dma_wait3A_143 = arith.constant 0 : i32
      %dma_wait3A_144 = arith.constant 0 : i32
      %dma_wait3A_145 = tpu.memref_slice %arg18[%dma_wait3A_143, %dma_wait3A_144] : memref<10000x8xf32, #tpu.memory_space<vmem_shared>> -> memref<10000x8xf32, #tpu.memory_space<vmem_shared>>
      tpu.wait_indirect_dma semaphore(%run_scoped3A_133 : memref<!tpu.dma_semaphore, #tpu.memory_space<semaphore_mem>>) src(%arg14 : memref<125x8xf32, #tpu.memory_space<vmem>>) dst(%dma_wait3A_145 : memref<10000x8xf32, #tpu.memory_space<vmem_shared>>)
      tpu.yield
    }) : () -> ()
    %add3A_98 = arith.constant 2500 : i32
    %add3A_99 = arith.addi %mul3A_18, %add3A_98 : i32
    "tpu.region"() ({
      %run_scoped3A_133 = tpu.sem_alloc : memref<!tpu.dma_semaphore, #tpu.memory_space<semaphore_mem>>
      %dma_start3A_134 = arith.constant 0 : i32
      %dma_start3A_135 = tpu.memref_slice %arg2[%add3A_99, %dma_start3A_134] : memref<100000x64xf32, #tpu.memory_space<hbm>> -> memref<125x64xf32, #tpu.memory_space<hbm>>
      %dma_start3A_136 = arith.constant 0 : i32
      %dma_start3A_137 = tpu.memref_slice %arg2[%add3A_99, %dma_start3A_136] : memref<100000x64xf32, #tpu.memory_space<hbm>> -> memref<125x64xf32, #tpu.memory_space<hbm>>
      tpu.enqueue_dma source(%dma_start3A_137 : memref<125x64xf32, #tpu.memory_space<hbm>>) target(%arg12 : memref<125x64xf32, #tpu.memory_space<vmem>>) target_semaphore(%run_scoped3A_133 : memref<!tpu.dma_semaphore, #tpu.memory_space<semaphore_mem>>)
      %dma_wait3A_138 = arith.constant 0 : i32
      %dma_wait3A_139 = tpu.memref_slice %arg2[%add3A_99, %dma_wait3A_138] : memref<100000x64xf32, #tpu.memory_space<hbm>> -> memref<125x64xf32, #tpu.memory_space<hbm>>
      %dma_wait3A_140 = arith.constant 0 : i32
      %dma_wait3A_141 = tpu.memref_slice %arg2[%add3A_99, %dma_wait3A_140] : memref<100000x64xf32, #tpu.memory_space<hbm>> -> memref<125x64xf32, #tpu.memory_space<hbm>>
      tpu.wait_dma2 semaphore(%run_scoped3A_133 : memref<!tpu.dma_semaphore, #tpu.memory_space<semaphore_mem>>) src(%dma_wait3A_141 : memref<125x64xf32, #tpu.memory_space<hbm>>) dst(%arg12 : memref<125x64xf32, #tpu.memory_space<vmem>>)
      tpu.yield
    }) : () -> ()
    %run_scoped3A_100 = arith.constant 20 : i32
    "tpu.region"() ({
      %run_scoped3A_133 = tpu.sem_alloc : memref<!tpu.dma_semaphore, #tpu.memory_space<semaphore_mem>>
      %dma_start3A_134 = arith.constant 0 : i32
      %dma_start3A_135 = tpu.memref_slice %arg13[%run_scoped3A_100, %dma_start3A_134] : memref<25x125xi32, #tpu.memory_space<vmem>> -> memref<1x125xi32, #tpu.memory_space<vmem>>
      %dma_start3A_136 = tpu.memref_squeeze %dma_start3A_135 : memref<1x125xi32, #tpu.memory_space<vmem>> -> memref<125xi32, #tpu.memory_space<vmem>>
      %dma_start3A_137 = arith.constant 0 : i32
      %dma_start3A_138 = arith.constant 0 : i32
      %dma_start3A_139 = tpu.memref_slice %arg17[%dma_start3A_137, %dma_start3A_138] : memref<10000x64xf32, #tpu.memory_space<vmem_shared>> -> memref<10000x64xf32, #tpu.memory_space<vmem_shared>>
      tpu.enqueue_indirect_dma source(%arg12 : memref<125x64xf32, #tpu.memory_space<vmem>>) target(%dma_start3A_139 : memref<10000x64xf32, #tpu.memory_space<vmem_shared>>) offsets(%dma_start3A_136 : memref<125xi32, #tpu.memory_space<vmem>>) semaphore(%run_scoped3A_133 : memref<!tpu.dma_semaphore, #tpu.memory_space<semaphore_mem>>) {add = true}
      %dma_wait3A_140 = arith.constant 0 : i32
      %dma_wait3A_141 = tpu.memref_slice %arg13[%run_scoped3A_100, %dma_wait3A_140] : memref<25x125xi32, #tpu.memory_space<vmem>> -> memref<1x125xi32, #tpu.memory_space<vmem>>
      %dma_wait3A_142 = tpu.memref_squeeze %dma_wait3A_141 : memref<1x125xi32, #tpu.memory_space<vmem>> -> memref<125xi32, #tpu.memory_space<vmem>>
      %dma_wait3A_143 = arith.constant 0 : i32
      %dma_wait3A_144 = arith.constant 0 : i32
      %dma_wait3A_145 = tpu.memref_slice %arg17[%dma_wait3A_143, %dma_wait3A_144] : memref<10000x64xf32, #tpu.memory_space<vmem_shared>> -> memref<10000x64xf32, #tpu.memory_space<vmem_shared>>
      tpu.wait_indirect_dma semaphore(%run_scoped3A_133 : memref<!tpu.dma_semaphore, #tpu.memory_space<semaphore_mem>>) src(%arg12 : memref<125x64xf32, #tpu.memory_space<vmem>>) dst(%dma_wait3A_145 : memref<10000x64xf32, #tpu.memory_space<vmem_shared>>)
      tpu.yield
    }) : () -> ()
    %run_scoped3A_101 = arith.constant 20 : i32
    "tpu.region"() ({
      %run_scoped3A_133 = tpu.sem_alloc : memref<!tpu.dma_semaphore, #tpu.memory_space<semaphore_mem>>
      %dma_start3A_134 = arith.constant 0 : i32
      %dma_start3A_135 = tpu.memref_slice %arg13[%run_scoped3A_101, %dma_start3A_134] : memref<25x125xi32, #tpu.memory_space<vmem>> -> memref<1x125xi32, #tpu.memory_space<vmem>>
      %dma_start3A_136 = tpu.memref_squeeze %dma_start3A_135 : memref<1x125xi32, #tpu.memory_space<vmem>> -> memref<125xi32, #tpu.memory_space<vmem>>
      %dma_start3A_137 = arith.constant 0 : i32
      %dma_start3A_138 = arith.constant 0 : i32
      %dma_start3A_139 = tpu.memref_slice %arg18[%dma_start3A_137, %dma_start3A_138] : memref<10000x8xf32, #tpu.memory_space<vmem_shared>> -> memref<10000x8xf32, #tpu.memory_space<vmem_shared>>
      tpu.enqueue_indirect_dma source(%arg14 : memref<125x8xf32, #tpu.memory_space<vmem>>) target(%dma_start3A_139 : memref<10000x8xf32, #tpu.memory_space<vmem_shared>>) offsets(%dma_start3A_136 : memref<125xi32, #tpu.memory_space<vmem>>) semaphore(%run_scoped3A_133 : memref<!tpu.dma_semaphore, #tpu.memory_space<semaphore_mem>>) {add = true}
      %dma_wait3A_140 = arith.constant 0 : i32
      %dma_wait3A_141 = tpu.memref_slice %arg13[%run_scoped3A_101, %dma_wait3A_140] : memref<25x125xi32, #tpu.memory_space<vmem>> -> memref<1x125xi32, #tpu.memory_space<vmem>>
      %dma_wait3A_142 = tpu.memref_squeeze %dma_wait3A_141 : memref<1x125xi32, #tpu.memory_space<vmem>> -> memref<125xi32, #tpu.memory_space<vmem>>
      %dma_wait3A_143 = arith.constant 0 : i32
      %dma_wait3A_144 = arith.constant 0 : i32
      %dma_wait3A_145 = tpu.memref_slice %arg18[%dma_wait3A_143, %dma_wait3A_144] : memref<10000x8xf32, #tpu.memory_space<vmem_shared>> -> memref<10000x8xf32, #tpu.memory_space<vmem_shared>>
      tpu.wait_indirect_dma semaphore(%run_scoped3A_133 : memref<!tpu.dma_semaphore, #tpu.memory_space<semaphore_mem>>) src(%arg14 : memref<125x8xf32, #tpu.memory_space<vmem>>) dst(%dma_wait3A_145 : memref<10000x8xf32, #tpu.memory_space<vmem_shared>>)
      tpu.yield
    }) : () -> ()
    %add3A_102 = arith.constant 2625 : i32
    %add3A_103 = arith.addi %mul3A_18, %add3A_102 : i32
    "tpu.region"() ({
      %run_scoped3A_133 = tpu.sem_alloc : memref<!tpu.dma_semaphore, #tpu.memory_space<semaphore_mem>>
      %dma_start3A_134 = arith.constant 0 : i32
      %dma_start3A_135 = tpu.memref_slice %arg2[%add3A_103, %dma_start3A_134] : memref<100000x64xf32, #tpu.memory_space<hbm>> -> memref<125x64xf32, #tpu.memory_space<hbm>>
      %dma_start3A_136 = arith.constant 0 : i32
      %dma_start3A_137 = tpu.memref_slice %arg2[%add3A_103, %dma_start3A_136] : memref<100000x64xf32, #tpu.memory_space<hbm>> -> memref<125x64xf32, #tpu.memory_space<hbm>>
      tpu.enqueue_dma source(%dma_start3A_137 : memref<125x64xf32, #tpu.memory_space<hbm>>) target(%arg12 : memref<125x64xf32, #tpu.memory_space<vmem>>) target_semaphore(%run_scoped3A_133 : memref<!tpu.dma_semaphore, #tpu.memory_space<semaphore_mem>>)
      %dma_wait3A_138 = arith.constant 0 : i32
      %dma_wait3A_139 = tpu.memref_slice %arg2[%add3A_103, %dma_wait3A_138] : memref<100000x64xf32, #tpu.memory_space<hbm>> -> memref<125x64xf32, #tpu.memory_space<hbm>>
      %dma_wait3A_140 = arith.constant 0 : i32
      %dma_wait3A_141 = tpu.memref_slice %arg2[%add3A_103, %dma_wait3A_140] : memref<100000x64xf32, #tpu.memory_space<hbm>> -> memref<125x64xf32, #tpu.memory_space<hbm>>
      tpu.wait_dma2 semaphore(%run_scoped3A_133 : memref<!tpu.dma_semaphore, #tpu.memory_space<semaphore_mem>>) src(%dma_wait3A_141 : memref<125x64xf32, #tpu.memory_space<hbm>>) dst(%arg12 : memref<125x64xf32, #tpu.memory_space<vmem>>)
      tpu.yield
    }) : () -> ()
    %run_scoped3A_104 = arith.constant 21 : i32
    "tpu.region"() ({
      %run_scoped3A_133 = tpu.sem_alloc : memref<!tpu.dma_semaphore, #tpu.memory_space<semaphore_mem>>
      %dma_start3A_134 = arith.constant 0 : i32
      %dma_start3A_135 = tpu.memref_slice %arg13[%run_scoped3A_104, %dma_start3A_134] : memref<25x125xi32, #tpu.memory_space<vmem>> -> memref<1x125xi32, #tpu.memory_space<vmem>>
      %dma_start3A_136 = tpu.memref_squeeze %dma_start3A_135 : memref<1x125xi32, #tpu.memory_space<vmem>> -> memref<125xi32, #tpu.memory_space<vmem>>
      %dma_start3A_137 = arith.constant 0 : i32
      %dma_start3A_138 = arith.constant 0 : i32
      %dma_start3A_139 = tpu.memref_slice %arg17[%dma_start3A_137, %dma_start3A_138] : memref<10000x64xf32, #tpu.memory_space<vmem_shared>> -> memref<10000x64xf32, #tpu.memory_space<vmem_shared>>
      tpu.enqueue_indirect_dma source(%arg12 : memref<125x64xf32, #tpu.memory_space<vmem>>) target(%dma_start3A_139 : memref<10000x64xf32, #tpu.memory_space<vmem_shared>>) offsets(%dma_start3A_136 : memref<125xi32, #tpu.memory_space<vmem>>) semaphore(%run_scoped3A_133 : memref<!tpu.dma_semaphore, #tpu.memory_space<semaphore_mem>>) {add = true}
      %dma_wait3A_140 = arith.constant 0 : i32
      %dma_wait3A_141 = tpu.memref_slice %arg13[%run_scoped3A_104, %dma_wait3A_140] : memref<25x125xi32, #tpu.memory_space<vmem>> -> memref<1x125xi32, #tpu.memory_space<vmem>>
      %dma_wait3A_142 = tpu.memref_squeeze %dma_wait3A_141 : memref<1x125xi32, #tpu.memory_space<vmem>> -> memref<125xi32, #tpu.memory_space<vmem>>
      %dma_wait3A_143 = arith.constant 0 : i32
      %dma_wait3A_144 = arith.constant 0 : i32
      %dma_wait3A_145 = tpu.memref_slice %arg17[%dma_wait3A_143, %dma_wait3A_144] : memref<10000x64xf32, #tpu.memory_space<vmem_shared>> -> memref<10000x64xf32, #tpu.memory_space<vmem_shared>>
      tpu.wait_indirect_dma semaphore(%run_scoped3A_133 : memref<!tpu.dma_semaphore, #tpu.memory_space<semaphore_mem>>) src(%arg12 : memref<125x64xf32, #tpu.memory_space<vmem>>) dst(%dma_wait3A_145 : memref<10000x64xf32, #tpu.memory_space<vmem_shared>>)
      tpu.yield
    }) : () -> ()
    %run_scoped3A_105 = arith.constant 21 : i32
    "tpu.region"() ({
      %run_scoped3A_133 = tpu.sem_alloc : memref<!tpu.dma_semaphore, #tpu.memory_space<semaphore_mem>>
      %dma_start3A_134 = arith.constant 0 : i32
      %dma_start3A_135 = tpu.memref_slice %arg13[%run_scoped3A_105, %dma_start3A_134] : memref<25x125xi32, #tpu.memory_space<vmem>> -> memref<1x125xi32, #tpu.memory_space<vmem>>
      %dma_start3A_136 = tpu.memref_squeeze %dma_start3A_135 : memref<1x125xi32, #tpu.memory_space<vmem>> -> memref<125xi32, #tpu.memory_space<vmem>>
      %dma_start3A_137 = arith.constant 0 : i32
      %dma_start3A_138 = arith.constant 0 : i32
      %dma_start3A_139 = tpu.memref_slice %arg18[%dma_start3A_137, %dma_start3A_138] : memref<10000x8xf32, #tpu.memory_space<vmem_shared>> -> memref<10000x8xf32, #tpu.memory_space<vmem_shared>>
      tpu.enqueue_indirect_dma source(%arg14 : memref<125x8xf32, #tpu.memory_space<vmem>>) target(%dma_start3A_139 : memref<10000x8xf32, #tpu.memory_space<vmem_shared>>) offsets(%dma_start3A_136 : memref<125xi32, #tpu.memory_space<vmem>>) semaphore(%run_scoped3A_133 : memref<!tpu.dma_semaphore, #tpu.memory_space<semaphore_mem>>) {add = true}
      %dma_wait3A_140 = arith.constant 0 : i32
      %dma_wait3A_141 = tpu.memref_slice %arg13[%run_scoped3A_105, %dma_wait3A_140] : memref<25x125xi32, #tpu.memory_space<vmem>> -> memref<1x125xi32, #tpu.memory_space<vmem>>
      %dma_wait3A_142 = tpu.memref_squeeze %dma_wait3A_141 : memref<1x125xi32, #tpu.memory_space<vmem>> -> memref<125xi32, #tpu.memory_space<vmem>>
      %dma_wait3A_143 = arith.constant 0 : i32
      %dma_wait3A_144 = arith.constant 0 : i32
      %dma_wait3A_145 = tpu.memref_slice %arg18[%dma_wait3A_143, %dma_wait3A_144] : memref<10000x8xf32, #tpu.memory_space<vmem_shared>> -> memref<10000x8xf32, #tpu.memory_space<vmem_shared>>
      tpu.wait_indirect_dma semaphore(%run_scoped3A_133 : memref<!tpu.dma_semaphore, #tpu.memory_space<semaphore_mem>>) src(%arg14 : memref<125x8xf32, #tpu.memory_space<vmem>>) dst(%dma_wait3A_145 : memref<10000x8xf32, #tpu.memory_space<vmem_shared>>)
      tpu.yield
    }) : () -> ()
    %add3A_106 = arith.constant 2750 : i32
    %add3A_107 = arith.addi %mul3A_18, %add3A_106 : i32
    "tpu.region"() ({
      %run_scoped3A_133 = tpu.sem_alloc : memref<!tpu.dma_semaphore, #tpu.memory_space<semaphore_mem>>
      %dma_start3A_134 = arith.constant 0 : i32
      %dma_start3A_135 = tpu.memref_slice %arg2[%add3A_107, %dma_start3A_134] : memref<100000x64xf32, #tpu.memory_space<hbm>> -> memref<125x64xf32, #tpu.memory_space<hbm>>
      %dma_start3A_136 = arith.constant 0 : i32
      %dma_start3A_137 = tpu.memref_slice %arg2[%add3A_107, %dma_start3A_136] : memref<100000x64xf32, #tpu.memory_space<hbm>> -> memref<125x64xf32, #tpu.memory_space<hbm>>
      tpu.enqueue_dma source(%dma_start3A_137 : memref<125x64xf32, #tpu.memory_space<hbm>>) target(%arg12 : memref<125x64xf32, #tpu.memory_space<vmem>>) target_semaphore(%run_scoped3A_133 : memref<!tpu.dma_semaphore, #tpu.memory_space<semaphore_mem>>)
      %dma_wait3A_138 = arith.constant 0 : i32
      %dma_wait3A_139 = tpu.memref_slice %arg2[%add3A_107, %dma_wait3A_138] : memref<100000x64xf32, #tpu.memory_space<hbm>> -> memref<125x64xf32, #tpu.memory_space<hbm>>
      %dma_wait3A_140 = arith.constant 0 : i32
      %dma_wait3A_141 = tpu.memref_slice %arg2[%add3A_107, %dma_wait3A_140] : memref<100000x64xf32, #tpu.memory_space<hbm>> -> memref<125x64xf32, #tpu.memory_space<hbm>>
      tpu.wait_dma2 semaphore(%run_scoped3A_133 : memref<!tpu.dma_semaphore, #tpu.memory_space<semaphore_mem>>) src(%dma_wait3A_141 : memref<125x64xf32, #tpu.memory_space<hbm>>) dst(%arg12 : memref<125x64xf32, #tpu.memory_space<vmem>>)
      tpu.yield
    }) : () -> ()
    %run_scoped3A_108 = arith.constant 22 : i32
    "tpu.region"() ({
      %run_scoped3A_133 = tpu.sem_alloc : memref<!tpu.dma_semaphore, #tpu.memory_space<semaphore_mem>>
      %dma_start3A_134 = arith.constant 0 : i32
      %dma_start3A_135 = tpu.memref_slice %arg13[%run_scoped3A_108, %dma_start3A_134] : memref<25x125xi32, #tpu.memory_space<vmem>> -> memref<1x125xi32, #tpu.memory_space<vmem>>
      %dma_start3A_136 = tpu.memref_squeeze %dma_start3A_135 : memref<1x125xi32, #tpu.memory_space<vmem>> -> memref<125xi32, #tpu.memory_space<vmem>>
      %dma_start3A_137 = arith.constant 0 : i32
      %dma_start3A_138 = arith.constant 0 : i32
      %dma_start3A_139 = tpu.memref_slice %arg17[%dma_start3A_137, %dma_start3A_138] : memref<10000x64xf32, #tpu.memory_space<vmem_shared>> -> memref<10000x64xf32, #tpu.memory_space<vmem_shared>>
      tpu.enqueue_indirect_dma source(%arg12 : memref<125x64xf32, #tpu.memory_space<vmem>>) target(%dma_start3A_139 : memref<10000x64xf32, #tpu.memory_space<vmem_shared>>) offsets(%dma_start3A_136 : memref<125xi32, #tpu.memory_space<vmem>>) semaphore(%run_scoped3A_133 : memref<!tpu.dma_semaphore, #tpu.memory_space<semaphore_mem>>) {add = true}
      %dma_wait3A_140 = arith.constant 0 : i32
      %dma_wait3A_141 = tpu.memref_slice %arg13[%run_scoped3A_108, %dma_wait3A_140] : memref<25x125xi32, #tpu.memory_space<vmem>> -> memref<1x125xi32, #tpu.memory_space<vmem>>
      %dma_wait3A_142 = tpu.memref_squeeze %dma_wait3A_141 : memref<1x125xi32, #tpu.memory_space<vmem>> -> memref<125xi32, #tpu.memory_space<vmem>>
      %dma_wait3A_143 = arith.constant 0 : i32
      %dma_wait3A_144 = arith.constant 0 : i32
      %dma_wait3A_145 = tpu.memref_slice %arg17[%dma_wait3A_143, %dma_wait3A_144] : memref<10000x64xf32, #tpu.memory_space<vmem_shared>> -> memref<10000x64xf32, #tpu.memory_space<vmem_shared>>
      tpu.wait_indirect_dma semaphore(%run_scoped3A_133 : memref<!tpu.dma_semaphore, #tpu.memory_space<semaphore_mem>>) src(%arg12 : memref<125x64xf32, #tpu.memory_space<vmem>>) dst(%dma_wait3A_145 : memref<10000x64xf32, #tpu.memory_space<vmem_shared>>)
      tpu.yield
    }) : () -> ()
    %run_scoped3A_109 = arith.constant 22 : i32
    "tpu.region"() ({
      %run_scoped3A_133 = tpu.sem_alloc : memref<!tpu.dma_semaphore, #tpu.memory_space<semaphore_mem>>
      %dma_start3A_134 = arith.constant 0 : i32
      %dma_start3A_135 = tpu.memref_slice %arg13[%run_scoped3A_109, %dma_start3A_134] : memref<25x125xi32, #tpu.memory_space<vmem>> -> memref<1x125xi32, #tpu.memory_space<vmem>>
      %dma_start3A_136 = tpu.memref_squeeze %dma_start3A_135 : memref<1x125xi32, #tpu.memory_space<vmem>> -> memref<125xi32, #tpu.memory_space<vmem>>
      %dma_start3A_137 = arith.constant 0 : i32
      %dma_start3A_138 = arith.constant 0 : i32
      %dma_start3A_139 = tpu.memref_slice %arg18[%dma_start3A_137, %dma_start3A_138] : memref<10000x8xf32, #tpu.memory_space<vmem_shared>> -> memref<10000x8xf32, #tpu.memory_space<vmem_shared>>
      tpu.enqueue_indirect_dma source(%arg14 : memref<125x8xf32, #tpu.memory_space<vmem>>) target(%dma_start3A_139 : memref<10000x8xf32, #tpu.memory_space<vmem_shared>>) offsets(%dma_start3A_136 : memref<125xi32, #tpu.memory_space<vmem>>) semaphore(%run_scoped3A_133 : memref<!tpu.dma_semaphore, #tpu.memory_space<semaphore_mem>>) {add = true}
      %dma_wait3A_140 = arith.constant 0 : i32
      %dma_wait3A_141 = tpu.memref_slice %arg13[%run_scoped3A_109, %dma_wait3A_140] : memref<25x125xi32, #tpu.memory_space<vmem>> -> memref<1x125xi32, #tpu.memory_space<vmem>>
      %dma_wait3A_142 = tpu.memref_squeeze %dma_wait3A_141 : memref<1x125xi32, #tpu.memory_space<vmem>> -> memref<125xi32, #tpu.memory_space<vmem>>
      %dma_wait3A_143 = arith.constant 0 : i32
      %dma_wait3A_144 = arith.constant 0 : i32
      %dma_wait3A_145 = tpu.memref_slice %arg18[%dma_wait3A_143, %dma_wait3A_144] : memref<10000x8xf32, #tpu.memory_space<vmem_shared>> -> memref<10000x8xf32, #tpu.memory_space<vmem_shared>>
      tpu.wait_indirect_dma semaphore(%run_scoped3A_133 : memref<!tpu.dma_semaphore, #tpu.memory_space<semaphore_mem>>) src(%arg14 : memref<125x8xf32, #tpu.memory_space<vmem>>) dst(%dma_wait3A_145 : memref<10000x8xf32, #tpu.memory_space<vmem_shared>>)
      tpu.yield
    }) : () -> ()
    %add3A_110 = arith.constant 2875 : i32
    %add3A_111 = arith.addi %mul3A_18, %add3A_110 : i32
    "tpu.region"() ({
      %run_scoped3A_133 = tpu.sem_alloc : memref<!tpu.dma_semaphore, #tpu.memory_space<semaphore_mem>>
      %dma_start3A_134 = arith.constant 0 : i32
      %dma_start3A_135 = tpu.memref_slice %arg2[%add3A_111, %dma_start3A_134] : memref<100000x64xf32, #tpu.memory_space<hbm>> -> memref<125x64xf32, #tpu.memory_space<hbm>>
      %dma_start3A_136 = arith.constant 0 : i32
      %dma_start3A_137 = tpu.memref_slice %arg2[%add3A_111, %dma_start3A_136] : memref<100000x64xf32, #tpu.memory_space<hbm>> -> memref<125x64xf32, #tpu.memory_space<hbm>>
      tpu.enqueue_dma source(%dma_start3A_137 : memref<125x64xf32, #tpu.memory_space<hbm>>) target(%arg12 : memref<125x64xf32, #tpu.memory_space<vmem>>) target_semaphore(%run_scoped3A_133 : memref<!tpu.dma_semaphore, #tpu.memory_space<semaphore_mem>>)
      %dma_wait3A_138 = arith.constant 0 : i32
      %dma_wait3A_139 = tpu.memref_slice %arg2[%add3A_111, %dma_wait3A_138] : memref<100000x64xf32, #tpu.memory_space<hbm>> -> memref<125x64xf32, #tpu.memory_space<hbm>>
      %dma_wait3A_140 = arith.constant 0 : i32
      %dma_wait3A_141 = tpu.memref_slice %arg2[%add3A_111, %dma_wait3A_140] : memref<100000x64xf32, #tpu.memory_space<hbm>> -> memref<125x64xf32, #tpu.memory_space<hbm>>
      tpu.wait_dma2 semaphore(%run_scoped3A_133 : memref<!tpu.dma_semaphore, #tpu.memory_space<semaphore_mem>>) src(%dma_wait3A_141 : memref<125x64xf32, #tpu.memory_space<hbm>>) dst(%arg12 : memref<125x64xf32, #tpu.memory_space<vmem>>)
      tpu.yield
    }) : () -> ()
    %run_scoped3A_112 = arith.constant 23 : i32
    "tpu.region"() ({
      %run_scoped3A_133 = tpu.sem_alloc : memref<!tpu.dma_semaphore, #tpu.memory_space<semaphore_mem>>
      %dma_start3A_134 = arith.constant 0 : i32
      %dma_start3A_135 = tpu.memref_slice %arg13[%run_scoped3A_112, %dma_start3A_134] : memref<25x125xi32, #tpu.memory_space<vmem>> -> memref<1x125xi32, #tpu.memory_space<vmem>>
      %dma_start3A_136 = tpu.memref_squeeze %dma_start3A_135 : memref<1x125xi32, #tpu.memory_space<vmem>> -> memref<125xi32, #tpu.memory_space<vmem>>
      %dma_start3A_137 = arith.constant 0 : i32
      %dma_start3A_138 = arith.constant 0 : i32
      %dma_start3A_139 = tpu.memref_slice %arg17[%dma_start3A_137, %dma_start3A_138] : memref<10000x64xf32, #tpu.memory_space<vmem_shared>> -> memref<10000x64xf32, #tpu.memory_space<vmem_shared>>
      tpu.enqueue_indirect_dma source(%arg12 : memref<125x64xf32, #tpu.memory_space<vmem>>) target(%dma_start3A_139 : memref<10000x64xf32, #tpu.memory_space<vmem_shared>>) offsets(%dma_start3A_136 : memref<125xi32, #tpu.memory_space<vmem>>) semaphore(%run_scoped3A_133 : memref<!tpu.dma_semaphore, #tpu.memory_space<semaphore_mem>>) {add = true}
      %dma_wait3A_140 = arith.constant 0 : i32
      %dma_wait3A_141 = tpu.memref_slice %arg13[%run_scoped3A_112, %dma_wait3A_140] : memref<25x125xi32, #tpu.memory_space<vmem>> -> memref<1x125xi32, #tpu.memory_space<vmem>>
      %dma_wait3A_142 = tpu.memref_squeeze %dma_wait3A_141 : memref<1x125xi32, #tpu.memory_space<vmem>> -> memref<125xi32, #tpu.memory_space<vmem>>
      %dma_wait3A_143 = arith.constant 0 : i32
      %dma_wait3A_144 = arith.constant 0 : i32
      %dma_wait3A_145 = tpu.memref_slice %arg17[%dma_wait3A_143, %dma_wait3A_144] : memref<10000x64xf32, #tpu.memory_space<vmem_shared>> -> memref<10000x64xf32, #tpu.memory_space<vmem_shared>>
      tpu.wait_indirect_dma semaphore(%run_scoped3A_133 : memref<!tpu.dma_semaphore, #tpu.memory_space<semaphore_mem>>) src(%arg12 : memref<125x64xf32, #tpu.memory_space<vmem>>) dst(%dma_wait3A_145 : memref<10000x64xf32, #tpu.memory_space<vmem_shared>>)
      tpu.yield
    }) : () -> ()
    %run_scoped3A_113 = arith.constant 23 : i32
    "tpu.region"() ({
      %run_scoped3A_133 = tpu.sem_alloc : memref<!tpu.dma_semaphore, #tpu.memory_space<semaphore_mem>>
      %dma_start3A_134 = arith.constant 0 : i32
      %dma_start3A_135 = tpu.memref_slice %arg13[%run_scoped3A_113, %dma_start3A_134] : memref<25x125xi32, #tpu.memory_space<vmem>> -> memref<1x125xi32, #tpu.memory_space<vmem>>
      %dma_start3A_136 = tpu.memref_squeeze %dma_start3A_135 : memref<1x125xi32, #tpu.memory_space<vmem>> -> memref<125xi32, #tpu.memory_space<vmem>>
      %dma_start3A_137 = arith.constant 0 : i32
      %dma_start3A_138 = arith.constant 0 : i32
      %dma_start3A_139 = tpu.memref_slice %arg18[%dma_start3A_137, %dma_start3A_138] : memref<10000x8xf32, #tpu.memory_space<vmem_shared>> -> memref<10000x8xf32, #tpu.memory_space<vmem_shared>>
      tpu.enqueue_indirect_dma source(%arg14 : memref<125x8xf32, #tpu.memory_space<vmem>>) target(%dma_start3A_139 : memref<10000x8xf32, #tpu.memory_space<vmem_shared>>) offsets(%dma_start3A_136 : memref<125xi32, #tpu.memory_space<vmem>>) semaphore(%run_scoped3A_133 : memref<!tpu.dma_semaphore, #tpu.memory_space<semaphore_mem>>) {add = true}
      %dma_wait3A_140 = arith.constant 0 : i32
      %dma_wait3A_141 = tpu.memref_slice %arg13[%run_scoped3A_113, %dma_wait3A_140] : memref<25x125xi32, #tpu.memory_space<vmem>> -> memref<1x125xi32, #tpu.memory_space<vmem>>
      %dma_wait3A_142 = tpu.memref_squeeze %dma_wait3A_141 : memref<1x125xi32, #tpu.memory_space<vmem>> -> memref<125xi32, #tpu.memory_space<vmem>>
      %dma_wait3A_143 = arith.constant 0 : i32
      %dma_wait3A_144 = arith.constant 0 : i32
      %dma_wait3A_145 = tpu.memref_slice %arg18[%dma_wait3A_143, %dma_wait3A_144] : memref<10000x8xf32, #tpu.memory_space<vmem_shared>> -> memref<10000x8xf32, #tpu.memory_space<vmem_shared>>
      tpu.wait_indirect_dma semaphore(%run_scoped3A_133 : memref<!tpu.dma_semaphore, #tpu.memory_space<semaphore_mem>>) src(%arg14 : memref<125x8xf32, #tpu.memory_space<vmem>>) dst(%dma_wait3A_145 : memref<10000x8xf32, #tpu.memory_space<vmem_shared>>)
      tpu.yield
    }) : () -> ()
    %add3A_114 = arith.constant 3000 : i32
    %add3A_115 = arith.addi %mul3A_18, %add3A_114 : i32
    "tpu.region"() ({
      %run_scoped3A_133 = tpu.sem_alloc : memref<!tpu.dma_semaphore, #tpu.memory_space<semaphore_mem>>
      %dma_start3A_134 = arith.constant 0 : i32
      %dma_start3A_135 = tpu.memref_slice %arg2[%add3A_115, %dma_start3A_134] : memref<100000x64xf32, #tpu.memory_space<hbm>> -> memref<125x64xf32, #tpu.memory_space<hbm>>
      %dma_start3A_136 = arith.constant 0 : i32
      %dma_start3A_137 = tpu.memref_slice %arg2[%add3A_115, %dma_start3A_136] : memref<100000x64xf32, #tpu.memory_space<hbm>> -> memref<125x64xf32, #tpu.memory_space<hbm>>
      tpu.enqueue_dma source(%dma_start3A_137 : memref<125x64xf32, #tpu.memory_space<hbm>>) target(%arg12 : memref<125x64xf32, #tpu.memory_space<vmem>>) target_semaphore(%run_scoped3A_133 : memref<!tpu.dma_semaphore, #tpu.memory_space<semaphore_mem>>)
      %dma_wait3A_138 = arith.constant 0 : i32
      %dma_wait3A_139 = tpu.memref_slice %arg2[%add3A_115, %dma_wait3A_138] : memref<100000x64xf32, #tpu.memory_space<hbm>> -> memref<125x64xf32, #tpu.memory_space<hbm>>
      %dma_wait3A_140 = arith.constant 0 : i32
      %dma_wait3A_141 = tpu.memref_slice %arg2[%add3A_115, %dma_wait3A_140] : memref<100000x64xf32, #tpu.memory_space<hbm>> -> memref<125x64xf32, #tpu.memory_space<hbm>>
      tpu.wait_dma2 semaphore(%run_scoped3A_133 : memref<!tpu.dma_semaphore, #tpu.memory_space<semaphore_mem>>) src(%dma_wait3A_141 : memref<125x64xf32, #tpu.memory_space<hbm>>) dst(%arg12 : memref<125x64xf32, #tpu.memory_space<vmem>>)
      tpu.yield
    }) : () -> ()
    %run_scoped3A_116 = arith.constant 24 : i32
    "tpu.region"() ({
      %run_scoped3A_133 = tpu.sem_alloc : memref<!tpu.dma_semaphore, #tpu.memory_space<semaphore_mem>>
      %dma_start3A_134 = arith.constant 0 : i32
      %dma_start3A_135 = tpu.memref_slice %arg13[%run_scoped3A_116, %dma_start3A_134] : memref<25x125xi32, #tpu.memory_space<vmem>> -> memref<1x125xi32, #tpu.memory_space<vmem>>
      %dma_start3A_136 = tpu.memref_squeeze %dma_start3A_135 : memref<1x125xi32, #tpu.memory_space<vmem>> -> memref<125xi32, #tpu.memory_space<vmem>>
      %dma_start3A_137 = arith.constant 0 : i32
      %dma_start3A_138 = arith.constant 0 : i32
      %dma_start3A_139 = tpu.memref_slice %arg17[%dma_start3A_137, %dma_start3A_138] : memref<10000x64xf32, #tpu.memory_space<vmem_shared>> -> memref<10000x64xf32, #tpu.memory_space<vmem_shared>>
      tpu.enqueue_indirect_dma source(%arg12 : memref<125x64xf32, #tpu.memory_space<vmem>>) target(%dma_start3A_139 : memref<10000x64xf32, #tpu.memory_space<vmem_shared>>) offsets(%dma_start3A_136 : memref<125xi32, #tpu.memory_space<vmem>>) semaphore(%run_scoped3A_133 : memref<!tpu.dma_semaphore, #tpu.memory_space<semaphore_mem>>) {add = true}
      %dma_wait3A_140 = arith.constant 0 : i32
      %dma_wait3A_141 = tpu.memref_slice %arg13[%run_scoped3A_116, %dma_wait3A_140] : memref<25x125xi32, #tpu.memory_space<vmem>> -> memref<1x125xi32, #tpu.memory_space<vmem>>
      %dma_wait3A_142 = tpu.memref_squeeze %dma_wait3A_141 : memref<1x125xi32, #tpu.memory_space<vmem>> -> memref<125xi32, #tpu.memory_space<vmem>>
      %dma_wait3A_143 = arith.constant 0 : i32
      %dma_wait3A_144 = arith.constant 0 : i32
      %dma_wait3A_145 = tpu.memref_slice %arg17[%dma_wait3A_143, %dma_wait3A_144] : memref<10000x64xf32, #tpu.memory_space<vmem_shared>> -> memref<10000x64xf32, #tpu.memory_space<vmem_shared>>
      tpu.wait_indirect_dma semaphore(%run_scoped3A_133 : memref<!tpu.dma_semaphore, #tpu.memory_space<semaphore_mem>>) src(%arg12 : memref<125x64xf32, #tpu.memory_space<vmem>>) dst(%dma_wait3A_145 : memref<10000x64xf32, #tpu.memory_space<vmem_shared>>)
      tpu.yield
    }) : () -> ()
    %run_scoped3A_117 = arith.constant 24 : i32
    "tpu.region"() ({
      %run_scoped3A_133 = tpu.sem_alloc : memref<!tpu.dma_semaphore, #tpu.memory_space<semaphore_mem>>
      %dma_start3A_134 = arith.constant 0 : i32
      %dma_start3A_135 = tpu.memref_slice %arg13[%run_scoped3A_117, %dma_start3A_134] : memref<25x125xi32, #tpu.memory_space<vmem>> -> memref<1x125xi32, #tpu.memory_space<vmem>>
      %dma_start3A_136 = tpu.memref_squeeze %dma_start3A_135 : memref<1x125xi32, #tpu.memory_space<vmem>> -> memref<125xi32, #tpu.memory_space<vmem>>
      %dma_start3A_137 = arith.constant 0 : i32
      %dma_start3A_138 = arith.constant 0 : i32
      %dma_start3A_139 = tpu.memref_slice %arg18[%dma_start3A_137, %dma_start3A_138] : memref<10000x8xf32, #tpu.memory_space<vmem_shared>> -> memref<10000x8xf32, #tpu.memory_space<vmem_shared>>
      tpu.enqueue_indirect_dma source(%arg14 : memref<125x8xf32, #tpu.memory_space<vmem>>) target(%dma_start3A_139 : memref<10000x8xf32, #tpu.memory_space<vmem_shared>>) offsets(%dma_start3A_136 : memref<125xi32, #tpu.memory_space<vmem>>) semaphore(%run_scoped3A_133 : memref<!tpu.dma_semaphore, #tpu.memory_space<semaphore_mem>>) {add = true}
      %dma_wait3A_140 = arith.constant 0 : i32
      %dma_wait3A_141 = tpu.memref_slice %arg13[%run_scoped3A_117, %dma_wait3A_140] : memref<25x125xi32, #tpu.memory_space<vmem>> -> memref<1x125xi32, #tpu.memory_space<vmem>>
      %dma_wait3A_142 = tpu.memref_squeeze %dma_wait3A_141 : memref<1x125xi32, #tpu.memory_space<vmem>> -> memref<125xi32, #tpu.memory_space<vmem>>
      %dma_wait3A_143 = arith.constant 0 : i32
      %dma_wait3A_144 = arith.constant 0 : i32
      %dma_wait3A_145 = tpu.memref_slice %arg18[%dma_wait3A_143, %dma_wait3A_144] : memref<10000x8xf32, #tpu.memory_space<vmem_shared>> -> memref<10000x8xf32, #tpu.memory_space<vmem_shared>>
      tpu.wait_indirect_dma semaphore(%run_scoped3A_133 : memref<!tpu.dma_semaphore, #tpu.memory_space<semaphore_mem>>) src(%arg14 : memref<125x8xf32, #tpu.memory_space<vmem>>) dst(%dma_wait3A_145 : memref<10000x8xf32, #tpu.memory_space<vmem_shared>>)
      tpu.yield
    }) : () -> ()
    %barrier3A_118 = arith.constant 0 : index
    tpu.barrier barrier_id(%barrier3A_118)
    %mul3A_119 = arith.constant 625 : i32
    %mul3A_120 = arith.muli %arg1, %mul3A_119 : i32
    %mul3A_121 = arith.constant 10000 : i32
    %mul3A_122 = arith.muli %arg0, %mul3A_121 : i32
    %mul3A_123 = arith.constant 625 : i32
    %mul3A_124 = arith.muli %arg1, %mul3A_123 : i32
    %add3A_125 = arith.addi %mul3A_122, %mul3A_124 : i32
    "tpu.region"() ({
      %run_scoped3A_133 = tpu.sem_alloc : memref<!tpu.dma_semaphore, #tpu.memory_space<semaphore_mem>>
      %dma_start3A_134 = arith.constant 0 : i32
      %dma_start3A_135 = tpu.memref_slice %arg9[%add3A_125, %dma_start3A_134] : memref<20000x64xf32, #tpu.memory_space<hbm>> -> memref<625x64xf32, #tpu.memory_space<hbm>>
      %dma_start3A_136 = arith.constant 0 : i32
      %dma_start3A_137 = tpu.memref_slice %arg17[%mul3A_120, %dma_start3A_136] : memref<10000x64xf32, #tpu.memory_space<vmem_shared>> -> memref<625x64xf32, #tpu.memory_space<vmem_shared>>
      tpu.enqueue_dma source(%dma_start3A_137 : memref<625x64xf32, #tpu.memory_space<vmem_shared>>) target(%dma_start3A_135 : memref<625x64xf32, #tpu.memory_space<hbm>>) target_semaphore(%run_scoped3A_133 : memref<!tpu.dma_semaphore, #tpu.memory_space<semaphore_mem>>)
      %dma_wait3A_138 = arith.constant 0 : i32
      %dma_wait3A_139 = tpu.memref_slice %arg9[%add3A_125, %dma_wait3A_138] : memref<20000x64xf32, #tpu.memory_space<hbm>> -> memref<625x64xf32, #tpu.memory_space<hbm>>
      %dma_wait3A_140 = arith.constant 0 : i32
      %dma_wait3A_141 = tpu.memref_slice %arg17[%mul3A_120, %dma_wait3A_140] : memref<10000x64xf32, #tpu.memory_space<vmem_shared>> -> memref<625x64xf32, #tpu.memory_space<vmem_shared>>
      tpu.wait_dma2 semaphore(%run_scoped3A_133 : memref<!tpu.dma_semaphore, #tpu.memory_space<semaphore_mem>>) src(%dma_wait3A_141 : memref<625x64xf32, #tpu.memory_space<vmem_shared>>) dst(%dma_wait3A_139 : memref<625x64xf32, #tpu.memory_space<hbm>>)
      tpu.yield
    }) : () -> ()
    %mul3A_126 = arith.constant 625 : i32
    %mul3A_127 = arith.muli %arg1, %mul3A_126 : i32
    %mul3A_128 = arith.constant 10000 : i32
    %mul3A_129 = arith.muli %arg0, %mul3A_128 : i32
    %mul3A_130 = arith.constant 625 : i32
    %mul3A_131 = arith.muli %arg1, %mul3A_130 : i32
    %add3A_132 = arith.addi %mul3A_129, %mul3A_131 : i32
    "tpu.region"() ({
      %run_scoped3A_133 = tpu.sem_alloc : memref<!tpu.dma_semaphore, #tpu.memory_space<semaphore_mem>>
      %dma_start3A_134 = arith.constant 0 : i32
      %dma_start3A_135 = tpu.memref_slice %arg10[%add3A_132, %dma_start3A_134] : memref<20000x8xf32, #tpu.memory_space<hbm>> -> memref<625x8xf32, #tpu.memory_space<hbm>>
      %dma_start3A_136 = arith.constant 0 : i32
      %dma_start3A_137 = tpu.memref_slice %arg18[%mul3A_127, %dma_start3A_136] : memref<10000x8xf32, #tpu.memory_space<vmem_shared>> -> memref<625x8xf32, #tpu.memory_space<vmem_shared>>
      tpu.enqueue_dma source(%dma_start3A_137 : memref<625x8xf32, #tpu.memory_space<vmem_shared>>) target(%dma_start3A_135 : memref<625x8xf32, #tpu.memory_space<hbm>>) target_semaphore(%run_scoped3A_133 : memref<!tpu.dma_semaphore, #tpu.memory_space<semaphore_mem>>)
      %dma_wait3A_138 = arith.constant 0 : i32
      %dma_wait3A_139 = tpu.memref_slice %arg10[%add3A_132, %dma_wait3A_138] : memref<20000x8xf32, #tpu.memory_space<hbm>> -> memref<625x8xf32, #tpu.memory_space<hbm>>
      %dma_wait3A_140 = arith.constant 0 : i32
      %dma_wait3A_141 = tpu.memref_slice %arg18[%mul3A_127, %dma_wait3A_140] : memref<10000x8xf32, #tpu.memory_space<vmem_shared>> -> memref<625x8xf32, #tpu.memory_space<vmem_shared>>
      tpu.wait_dma2 semaphore(%run_scoped3A_133 : memref<!tpu.dma_semaphore, #tpu.memory_space<semaphore_mem>>) src(%dma_wait3A_141 : memref<625x8xf32, #tpu.memory_space<vmem_shared>>) dst(%dma_wait3A_139 : memref<625x8xf32, #tpu.memory_space<hbm>>)
      tpu.yield
    }) : () -> ()
    return
  }
}

module attributes {stable_mosaic.version = 14 : i64} {
  func.func @_tc_body(%arg0: i32, %arg1: memref<2x1000x64xf32, #tpu.memory_space<vmem>>, %arg2: memref<2x1000x8xf32, #tpu.memory_space<vmem>>, %arg3: memref<1024x64xf32, #tpu.memory_space<vmem>>, %arg4: memref<1x1024xi32, #tpu.memory_space<vmem>>, %arg5: memref<1x1xf32, #tpu.memory_space<smem>>, %arg6: memref<1x1024xf32, #tpu.memory_space<vmem>>, %arg7: memref<1x1024xf32, #tpu.memory_space<vmem>>) attributes {dimension_semantics = [#tpu.dimension_semantics<arbitrary>], iteration_bounds = array<i64: 10>, scalar_prefetch = 0 : i64, scratch_operands = 2 : i64, tpu.core_type = #tpu.core_type<tc>, window_params = [{transform_indices = @transform_0, window_bounds = array<i64: 2, 1000, 64>}, {transform_indices = @transform_1, window_bounds = array<i64: 2, 1000, 8>}, {pipeline_mode = #tpu.pipeline_mode<synchronous>, transform_indices = @transform_2, window_bounds = array<i64: 1024, 64>}, {pipeline_mode = #tpu.pipeline_mode<synchronous>, transform_indices = @transform_3, window_bounds = array<i64: 1, 1024>}, {transform_indices = @transform_4, window_bounds = array<i64: 1, 1>}]} {
    %eq3A = arith.constant 0 : i32
    %eq3A_0 = arith.cmpi eq, %arg0, %eq3A : i32
    %convert_element_type3A = arith.extui %eq3A_0 : i1 to i32
    %cond3A = arith.constant 0 : i32
    %cond3A_1 = arith.cmpi ne, %convert_element_type3A, %cond3A : i32
    scf.if %cond3A_1 {
      %broadcast_in_dim3A_81 = arith.constant 0.000000e+00 : f32
      %broadcast_in_dim3A_82 = vector.broadcast %broadcast_in_dim3A_81 : f32 to vector<1x1024xf32>
      %swap3A_83 = arith.constant 0 : index
      %swap3A_84 = arith.constant 0 : index
      %swap3A_85 = vector.load %arg6[%swap3A_83, %swap3A_84] : memref<1x1024xf32, #tpu.memory_space<vmem>>, vector<1x1024xf32>
      tpu.vector_store %arg6[%swap3A_83, %swap3A_84], %broadcast_in_dim3A_82 {strides = array<i32>} : memref<1x1024xf32, #tpu.memory_space<vmem>>, vector<1x1024xf32>,
      %broadcast_in_dim3A_86 = arith.constant 0.000000e+00 : f32
      %broadcast_in_dim3A_87 = vector.broadcast %broadcast_in_dim3A_86 : f32 to vector<1x1024xf32>
      %swap3A_88 = arith.constant 0 : index
      %swap3A_89 = arith.constant 0 : index
      %swap3A_90 = vector.load %arg7[%swap3A_88, %swap3A_89] : memref<1x1024xf32, #tpu.memory_space<vmem>>, vector<1x1024xf32>
      tpu.vector_store %arg7[%swap3A_88, %swap3A_89], %broadcast_in_dim3A_87 {strides = array<i32>} : memref<1x1024xf32, #tpu.memory_space<vmem>>, vector<1x1024xf32>,
    } else {
    }
    %get3A = arith.constant 0 : index
    %get3A_2 = arith.constant 0 : index
    %get3A_3 = vector.load %arg3[%get3A, %get3A_2] : memref<1024x64xf32, #tpu.memory_space<vmem>>, vector<1024x64xf32>
    %mul3A = arith.mulf %get3A_3, %get3A_3 : vector<1024x64xf32>
    %reduce_sum3A = arith.constant dense<0.000000e+00> : vector<1024xf32>
    %reduce_sum3A_4 = vector.multi_reduction <add>, %mul3A, %reduce_sum3A [1] : vector<1024x64xf32> to vector<1024xf32>
    %broadcast_in_dim3A = vector.shape_cast %reduce_sum3A_4 : vector<1024xf32> to vector<1024x1xf32>
    %sqrt3A = math.sqrt %broadcast_in_dim3A : vector<1024x1xf32>
    %add3A = arith.constant 9.99999996E-13 : f32
    %add3A_5 = vector.broadcast %add3A : f32 to vector<1024x1xf32>
    %add3A_6 = arith.addf %sqrt3A, %add3A_5 : vector<1024x1xf32>
    %div3A = vector.broadcast %add3A_6 : vector<1024x1xf32> to vector<1024x64xf32>
    %div3A_7 = arith.divf %get3A_3, %div3A : vector<1024x64xf32>
    %get3A_8 = arith.constant 0 : index
    %get3A_9 = arith.constant 0 : index
    %get3A_10 = arith.constant 0 : index
    %get3A_11 = vector.load %arg1[%get3A_8, %get3A_9, %get3A_10] : memref<2x1000x64xf32, #tpu.memory_space<vmem>>, vector<1x1000x64xf32>
    %get3A_12 = vector.shape_cast %get3A_11 : vector<1x1000x64xf32> to vector<1000x64xf32>
    %get3A_13 = arith.constant 1 : index
    %get3A_14 = arith.constant 0 : index
    %get3A_15 = arith.constant 0 : index
    %get3A_16 = vector.load %arg1[%get3A_13, %get3A_14, %get3A_15] : memref<2x1000x64xf32, #tpu.memory_space<vmem>>, vector<1x1000x64xf32>
    %get3A_17 = vector.shape_cast %get3A_16 : vector<1x1000x64xf32> to vector<1000x64xf32>
    %add3A_18 = arith.addf %get3A_12, %get3A_17 : vector<1000x64xf32>
    %get3A_19 = arith.constant 0 : index
    %get3A_20 = arith.constant 0 : index
    %get3A_21 = arith.constant 0 : index
    %get3A_22 = vector.load %arg2[%get3A_19, %get3A_20, %get3A_21] : memref<2x1000x8xf32, #tpu.memory_space<vmem>>, vector<1x1000x1xf32>
    %get3A_23 = vector.shape_cast %get3A_22 : vector<1x1000x1xf32> to vector<1000x1xf32>
    %get3A_24 = arith.constant 1 : index
    %get3A_25 = arith.constant 0 : index
    %get3A_26 = arith.constant 0 : index
    %get3A_27 = vector.load %arg2[%get3A_24, %get3A_25, %get3A_26] : memref<2x1000x8xf32, #tpu.memory_space<vmem>>, vector<1x1000x1xf32>
    %get3A_28 = vector.shape_cast %get3A_27 : vector<1x1000x1xf32> to vector<1000x1xf32>
    %add3A_29 = arith.addf %get3A_23, %get3A_28 : vector<1000x1xf32>
    %dot_general3A = arith.constant dense<0.000000e+00> : vector<1000x1024xf32>
    %dot_general3A_30 = tpu.matmul %add3A_18, %div3A_7, %dot_general3A {dimension_numbers = #tpu.dot_dimension_numbers<[1], [1], [0], [0], [0, 0, 1, 0], [], []>, precision = #tpu.contract_precision<fp32>, transpose_lhs_hint = false} : vector<1000x64xf32>, vector<1024x64xf32>, vector<1000x1024xf32> -> vector<1000x1024xf32>
    %gt3A = arith.constant 0.000000e+00 : f32
    %gt3A_31 = vector.broadcast %gt3A : f32 to vector<1000x1xf32>
    %gt3A_32 = arith.cmpf ogt, %add3A_29, %gt3A_31 : vector<1000x1xf32>
    %jit3A = arith.constant 1.000000e+00 : f32
    %broadcast_in_dim3A_33 = vector.broadcast %jit3A : f32 to vector<1000x1xf32>
    %select_n3A = arith.select %gt3A_32, %add3A_29, %broadcast_in_dim3A_33 : vector<1000x1xi1>, vector<1000x1xf32>
    %mul3A_34 = arith.constant 5.000000e-02 : f32
    %mul3A_35 = vector.broadcast %mul3A_34 : f32 to vector<1000x1xf32>
    %mul3A_36 = arith.mulf %mul3A_35, %select_n3A : vector<1000x1xf32>
    %div3A_37 = vector.broadcast %mul3A_36 : vector<1000x1xf32> to vector<1000x1024xf32>
    %div3A_38 = arith.divf %dot_general3A_30, %div3A_37 : vector<1000x1024xf32>
    %exp3A = math.exp %div3A_38 : vector<1000x1024xf32>
    %jit3A_39 = arith.constant 0.000000e+00 : f32
    %broadcast_in_dim3A_40 = vector.shape_cast %gt3A_32 : vector<1000x1xi1> to vector<1000x1xi1>
    %broadcast_in_dim3A_41 = vector.broadcast %broadcast_in_dim3A_40 : vector<1000x1xi1> to vector<1000x1024xi1>
    %broadcast_in_dim3A_42 = vector.broadcast %jit3A_39 : f32 to vector<1000x1024xf32>
    %select_n3A_43 = arith.select %broadcast_in_dim3A_41, %exp3A, %broadcast_in_dim3A_42 : vector<1000x1024xi1>, vector<1000x1024xf32>
    %get3A_44 = arith.constant 0 : index
    %get3A_45 = arith.constant 0 : index
    %get3A_46 = vector.load %arg6[%get3A_44, %get3A_45] : memref<1x1024xf32, #tpu.memory_space<vmem>>, vector<1x1024xf32>
    %reduce_sum3A_47 = arith.constant dense<0.000000e+00> : vector<1024xf32>
    %reduce_sum3A_48 = vector.multi_reduction <add>, %select_n3A_43, %reduce_sum3A_47 [0] : vector<1000x1024xf32> to vector<1024xf32>
    %broadcast_in_dim3A_49 = vector.shape_cast %reduce_sum3A_48 : vector<1024xf32> to vector<1x1024xf32>
    %add3A_50 = arith.addf %get3A_46, %broadcast_in_dim3A_49 : vector<1x1024xf32>
    %swap3A = arith.constant 0 : index
    %swap3A_51 = arith.constant 0 : index
    %swap3A_52 = vector.load %arg6[%swap3A, %swap3A_51] : memref<1x1024xf32, #tpu.memory_space<vmem>>, vector<1x1024xf32>
    tpu.vector_store %arg6[%swap3A, %swap3A_51], %add3A_50 {strides = array<i32>} : memref<1x1024xf32, #tpu.memory_space<vmem>>, vector<1x1024xf32>,
    %mul3A_53 = arith.constant 1000 : i32
    %mul3A_54 = arith.muli %arg0, %mul3A_53 : i32
    %iota3A = tpu.iota {dimensions = array<i32: 0>} : vector<1000x1xi32>
    %add3A_55 = vector.broadcast %mul3A_54 : i32 to vector<1000x1xi32>
    %add3A_56 = arith.addi %add3A_55, %iota3A : vector<1000x1xi32>
    %get3A_57 = arith.constant 0 : index
    %get3A_58 = arith.constant 0 : index
    %get3A_59 = vector.load %arg4[%get3A_57, %get3A_58] : memref<1x1024xi32, #tpu.memory_space<vmem>>, vector<1x1024xi32>
    %eq3A_60 = vector.broadcast %add3A_56 : vector<1000x1xi32> to vector<1000x1024xi32>
    %eq3A_61 = vector.broadcast %get3A_59 : vector<1x1024xi32> to vector<1000x1024xi32>
    %eq3A_62 = arith.cmpi eq, %eq3A_60, %eq3A_61 : vector<1000x1024xi32>
    %get3A_63 = arith.constant 0 : index
    %get3A_64 = arith.constant 0 : index
    %get3A_65 = vector.load %arg7[%get3A_63, %get3A_64] : memref<1x1024xf32, #tpu.memory_space<vmem>>, vector<1x1024xf32>
    %jit3A_66 = arith.constant 0.000000e+00 : f32
    %broadcast_in_dim3A_67 = vector.broadcast %jit3A_66 : f32 to vector<1000x1024xf32>
    %select_n3A_68 = arith.select %eq3A_62, %div3A_38, %broadcast_in_dim3A_67 : vector<1000x1024xi1>, vector<1000x1024xf32>
    %reduce_sum3A_69 = arith.constant dense<0.000000e+00> : vector<1024xf32>
    %reduce_sum3A_70 = vector.multi_reduction <add>, %select_n3A_68, %reduce_sum3A_69 [0] : vector<1000x1024xf32> to vector<1024xf32>
    %broadcast_in_dim3A_71 = vector.shape_cast %reduce_sum3A_70 : vector<1024xf32> to vector<1x1024xf32>
    %add3A_72 = arith.addf %get3A_65, %broadcast_in_dim3A_71 : vector<1x1024xf32>
    %swap3A_73 = arith.constant 0 : index
    %swap3A_74 = arith.constant 0 : index
    %swap3A_75 = vector.load %arg7[%swap3A_73, %swap3A_74] : memref<1x1024xf32, #tpu.memory_space<vmem>>, vector<1x1024xf32>
    tpu.vector_store %arg7[%swap3A_73, %swap3A_74], %add3A_72 {strides = array<i32>} : memref<1x1024xf32, #tpu.memory_space<vmem>>, vector<1x1024xf32>,
    %eq3A_76 = arith.constant 9 : i32
    %eq3A_77 = arith.cmpi eq, %arg0, %eq3A_76 : i32
    %convert_element_type3A_78 = arith.extui %eq3A_77 : i1 to i32
    %cond3A_79 = arith.constant 0 : i32
    %cond3A_80 = arith.cmpi ne, %convert_element_type3A_78, %cond3A_79 : i32
    scf.if %cond3A_80 {
      %get3A_81 = arith.constant 0 : index
      %get3A_82 = arith.constant 0 : index
      %get3A_83 = vector.load %arg7[%get3A_81, %get3A_82] : memref<1x1024xf32, #tpu.memory_space<vmem>>, vector<1x1024xf32>
      %exp3A_84 = math.exp %get3A_83 : vector<1x1024xf32>
      %get3A_85 = arith.constant 0 : index
      %get3A_86 = arith.constant 0 : index
      %get3A_87 = vector.load %arg6[%get3A_85, %get3A_86] : memref<1x1024xf32, #tpu.memory_space<vmem>>, vector<1x1024xf32>
      %add3A_88 = arith.constant 9.99999997E-7 : f32
      %add3A_89 = vector.broadcast %add3A_88 : f32 to vector<1x1024xf32>
      %add3A_90 = arith.addf %get3A_87, %add3A_89 : vector<1x1024xf32>
      %div3A_91 = arith.divf %exp3A_84, %add3A_90 : vector<1x1024xf32>
      %add3A_92 = arith.constant 9.99999997E-7 : f32
      %add3A_93 = vector.broadcast %add3A_92 : f32 to vector<1x1024xf32>
      %add3A_94 = arith.addf %div3A_91, %add3A_93 : vector<1x1024xf32>
      %log3A = math.log %add3A_94 : vector<1x1024xf32>
      %reduce_sum3A_95 = vector.shape_cast %log3A : vector<1x1024xf32> to vector<1x1x1024xf32>
      %reduce_sum3A_96 = arith.constant dense<0.000000e+00> : vector<1xf32>
      %reduce_sum3A_97 = vector.multi_reduction <add>, %reduce_sum3A_95, %reduce_sum3A_96 [1, 2] : vector<1x1x1024xf32> to vector<1xf32>
      %reduce_sum3A_98 = vector.shape_cast %reduce_sum3A_97 : vector<1xf32> to vector<1x1x1xf32>
      %reduce_sum3A_99 = vector.extract %reduce_sum3A_98[0, 0, 0] : f32 from vector<1x1x1xf32>
      %div3A_100 = arith.constant 1.024000e+03 : f32
      %div3A_101 = arith.divf %reduce_sum3A_99, %div3A_100 : f32
      %neg3A = arith.constant 0.000000e+00 : f32
      %neg3A_102 = arith.subf %neg3A, %div3A_101 : f32
      %swap3A_103 = arith.constant 0 : index
      %swap3A_104 = arith.constant 0 : index
      %swap3A_105 = memref.load %arg5[%swap3A_103, %swap3A_104] : memref<1x1xf32, #tpu.memory_space<smem>>
      memref.store %neg3A_102, %arg5[%swap3A_103, %swap3A_104] : memref<1x1xf32, #tpu.memory_space<smem>>
    } else {
    }
    return
  }
  func.func @transform_0(%arg0: i32) -> (i32, i32, i32) {
    %c0_i32 = arith.constant 0 : i32
    %c0_i32_0 = arith.constant 0 : i32
    %c0_i32_1 = arith.constant 0 : i32
    return %c0_i32, %arg0, %c0_i32_0 : i32, i32, i32
  }
  func.func @transform_1(%arg0: i32) -> (i32, i32, i32) {
    %c0_i32 = arith.constant 0 : i32
    %c0_i32_0 = arith.constant 0 : i32
    %c0_i32_1 = arith.constant 0 : i32
    return %c0_i32, %arg0, %c0_i32_0 : i32, i32, i32
  }
  func.func @transform_2(%arg0: i32) -> (i32, i32) {
    %c0_i32 = arith.constant 0 : i32
    %c0_i32_0 = arith.constant 0 : i32
    %c0_i32_1 = arith.constant 0 : i32
    return %c0_i32, %c0_i32_0 : i32, i32
  }
  func.func @transform_3(%arg0: i32) -> (i32, i32) {
    %c0_i32 = arith.constant 0 : i32
    %c0_i32_0 = arith.constant 0 : i32
    %c0_i32_1 = arith.constant 0 : i32
    return %c0_i32, %c0_i32_0 : i32, i32
  }
  func.func @transform_4(%arg0: i32) -> (i32, i32) {
    %c0_i32 = arith.constant 0 : i32
    %c0_i32_0 = arith.constant 0 : i32
    %c0_i32_1 = arith.constant 0 : i32
    return %c0_i32, %c0_i32_0 : i32, i32
  }
}

</mosaic_0001>

<sc_bundles>
// kernel: kernel.4.cloned.1.call-start
scs
__scs_entry_jumppad:
0x0: {  	(pc) =	sbr.rel $0x88, $3  }
0x1: {  	(tag) =	ssettag $0x0;
	lr =	simm.s32 $0x1  }
0x2: {  	[smem:$0x3F9D] =	sst lr;
	_ =	strace $0xD0000000  }
0x3: {  	_ = 	snop  }
0x4: {  	_ = 	snop  }
0x5: {  	_ = 	snop  }
0x6: {  	_ = 	snop  }
0x7: {  	_ = 	snop  }
__scs_overlays_trampoline_lowered:
0x8: {  	[smem:$0x3FAC] =	sst s0  }
0x9: {  	[smem:$0x3FAD] =	sst s1  }
0xa: {  	[smem:$0x3FAE] =	sst s2  }
0xb: {  	[smem:$0x3FAF] =	sst s3  }
0xc: {  	[smem:$0x3FB0] =	sst s4  }
0xd: {  	[smem:$0x3FB1] =	sst s5  }
0xe: {  	[smem:$0x3FB2] =	sst s6  }
0xf: {  	[smem:$0x3FB3] =	sst s7  }
0x10: {  	[smem:$0x3FB4] =	sst s8  }
0x11: {  	[smem:$0x3FB5] =	sst s9;
	s0 =	simm.s32 @!p0 $0x0  }
0x12: {  	s1 =	sld [smem:$0x3F9B];
	s0 =	simm.s32 @p0 $0x1  }
0x13: {  	[smem:$0x3FB6] =	sst s0;
	s0 =	simm.s32 @!p1 $0x0  }
0x14: {  	s2 =	sld [smem:$0x3F9A];
	s0 =	simm.s32 @p1 $0x1  }
0x15: {  	[smem:$0x3FB7] =	sst s0;
	s0 =	simm.s32 @!p2 $0x0  }
0x16: {  	s3 =	sld [smem:$0x3FDB];
	s0 =	simm.s32 @p2 $0x1  }
0x17: {  	s4 =	simm.s32 $0x1BF5;
	[smem:$0x3FB9] =	sst s0  }
0x18: {  	s0 =	sld [smem:$0x3F9C];
	_ =	swait.ge [sflag:s4], $0x0  }
0x19: {  	s7 =	sld [smem:$0x3F9D]  }
0x1a: {  	s8 =	sadd.s32 $0xFFFFE003, lr  }
0x1b: {  	s9 =	sadd.s32 $0xFFFFFEF7, lr;
	s5 =	simm.s32 $0xFFFFFFFF;
	p2 =	slt.u32 s8, $0xFFFFF086  }
0x1c: {  	p1 =	slt.u32 s9, $0xF7A;
	s5 =	simm.s32 @!p2 $0x0  }
0x1d: {  	s5 =	simm.s32 @p1 $0x1;
	p0 =	seq.s32 s7, s2  }
0x1e: {  	s7 =	smul.u32 @!p0 $0xF7A, s2;
	p2 =	seq.s32 @!p0 s5, $0x0  }
0x1f: {  	s9 =	smul.u32 $0xF7A, s1;
	s8 =	simm.s32 @!p0 $0x1BF5;
	p2 =	por !p2, p0  }
0x20: {  	[sflag:s8] =	ssyncset.s32 @!p0 $0xFFFFF086;
	s6 =	sadd.s32 @!p0 s3, s7;
	s7 =	simm.s32 @!p0 $0x108  }
0x21: {  	s3 =	sadd.s32 s3, s9;
	s6 =	sadd.s32 @!p0 $0x88, s6;
	s7 =	simm.s32 @p2 $0x1082  }
0x22: {  	[simem:s7], [sflag:s8] =	dma.local @!p0 [hbm:s6], $0xF7A  }
0x23: {  	s9 =	sor.u32 $0xD0000000, s2;
	s6 =	simm.s32 $0x108;
	_ =	swait.ge @!p0 [sflag:s8], $0x0  }
0x24: {  	s3 =	sadd.s32 $0x88, s3;
	s6 =	simm.s32 @!p1 $0x1082;
	[sflag:s4] =	ssyncset.s32 $0xFFFFF086  }
0x25: {  	[simem:s6], [sflag:s4] =	dma.local [hbm:s3], $0xF7A  }
0x26: {  	[smem:$0x3F9D] =	sst s1;
	(tag) =	ssettag s2;
	_ =	strace s9  }
0x27: {  	s1 =	sld [smem:$0x3FAD]  }
0x28: {  	s2 =	sld [smem:$0x3FAE]  }
0x29: {  	s4 =	sld [smem:$0x3FB0]  }
0x2a: {  	p0 =	seq.s32 s5, $0x0;
	s5 =	sld [smem:$0x3FB1]  }
0x2b: {  	s6 =	sld [smem:$0x3FB2]  }
0x2c: {  	s7 =	sld [smem:$0x3FB3]  }
0x2d: {  	s3 =	simm.s32 $0x108;
	s8 =	sld [smem:$0x3FB4]  }
0x2e: {  	s3 =	simm.s32 @!p0 $0x1082;
	s9 =	sld [smem:$0x3FB5]  }
0x2f: {  	lr =	sadd.s32 s0, s3;
	s0 =	sld [smem:$0x3FAC]  }
0x30: {  	s3 =	sld [smem:$0x3FAF]  }
0x31: {  	[smem:$0x3FB8] =	sst s10  }
0x32: {  	s10 =	sld [smem:$0x3FB6];
	_ =	sdelay $0x3  }
0x33: {  	p0 =	seq.s32 s10, $0x1;
	s10 =	sld [smem:$0x3FB8];
	_ =	sdelay $0x3  }
0x34: {  	[smem:$0x3FB8] =	sst s10  }
0x35: {  	s10 =	sld [smem:$0x3FB7];
	_ =	sdelay $0x3  }
0x36: {  	p1 =	seq.s32 s10, $0x1;
	s10 =	sld [smem:$0x3FB8];
	_ =	sdelay $0x3  }
0x37: {  	[smem:$0x3FB8] =	sst s10  }
0x38: {  	s10 =	sld [smem:$0x3FB9]  }
0x39: {  	_ = 	snop;
	(pc) =	sbr.ind lr, $3  }
0x3a: {  	_ = 	snop  }
0x3b: {  	_ = 	snop  }
0x3c: {  	p2 =	seq.s32 s10, $0x1;
	s10 =	sld [smem:$0x3FB8]  }
0x3d: {  	_ =	shalt  }
0x3e: {  	_ =	shalt  }
0x3f: {  	_ =	shalt  }
0x40: {  	_ =	shalt  }
0x41: {  	_ =	shalt  }
0x42: {  	_ =	shalt  }
0x43: {  	_ =	shalt  }
0x44: {  	_ =	shalt  }
0x45: {  	_ =	shalt  }
0x46: {  	_ =	shalt  }
0x47: {  	_ =	shalt  }
0x48: {  	_ =	shalt  }
0x49: {  	_ =	shalt  }
0x4a: {  	_ =	shalt  }
0x4b: {  	_ =	shalt  }
0x4c: {  	_ =	shalt  }
0x4d: {  	_ =	shalt  }
0x4e: {  	_ =	shalt  }
0x4f: {  	_ =	shalt  }
0x50: {  	_ =	shalt  }
0x51: {  	_ =	shalt  }
0x52: {  	_ =	shalt  }
0x53: {  	_ =	shalt  }
0x54: {  	_ =	shalt  }
0x55: {  	_ =	shalt  }
0x56: {  	_ =	shalt  }
0x57: {  	_ =	shalt  }
0x58: {  	_ =	shalt  }
0x59: {  	_ =	shalt  }
0x5a: {  	_ =	shalt  }
0x5b: {  	_ =	shalt  }
0x5c: {  	_ =	shalt  }
0x5d: {  	_ =	shalt  }
0x5e: {  	_ =	shalt  }
0x5f: {  	_ =	shalt  }
0x60: {  	_ =	shalt  }
0x61: {  	_ =	shalt  }
0x62: {  	_ =	shalt  }
0x63: {  	_ =	shalt  }
0x64: {  	_ =	shalt  }
0x65: {  	_ =	shalt  }
0x66: {  	_ =	shalt  }
0x67: {  	_ =	shalt  }
0x68: {  	_ =	shalt  }
0x69: {  	_ =	shalt  }
0x6a: {  	_ =	shalt  }
0x6b: {  	_ =	shalt  }
0x6c: {  	_ =	shalt  }
0x6d: {  	_ =	shalt  }
0x6e: {  	_ =	shalt  }
0x6f: {  	_ =	shalt  }
0x70: {  	_ =	shalt  }
0x71: {  	_ =	shalt  }
0x72: {  	_ =	shalt  }
0x73: {  	_ =	shalt  }
0x74: {  	_ =	shalt  }
0x75: {  	_ =	shalt  }
0x76: {  	_ =	shalt  }
0x77: {  	_ =	shalt  }
0x78: {  	_ =	shalt  }
0x79: {  	_ =	shalt  }
0x7a: {  	_ =	shalt  }
0x7b: {  	_ =	shalt  }
0x7c: {  	_ =	shalt  }
0x7d: {  	_ =	shalt  }
0x7e: {  	_ =	shalt  }
0x7f: {  	_ =	shalt  }
0x80: {  	_ =	shalt  }
0x81: {  	_ =	shalt  }
0x82: {  	_ =	shalt  }
0x83: {  	_ =	shalt  }
0x84: {  	_ =	shalt  }
0x85: {  	_ =	shalt  }
0x86: {  	_ =	shalt  }
0x87: {  	_ =	shalt  }
.Lfunc_end0:
.L_simem_size_0:
called_computation_lowered:
.L_overlay_start_0:
0x88: {  	s2 =	sld [smem:$0x3FD9]  }
0x89: {  	s3 =	sld [smem:$0x3FFE];
	_ =	sdelay $0x1  }
0x8a: {  	s1 =	srdreg.scid  }
0x8b: {  	s0 =	sand.u32 $0x1, s1  }
0x8c: {  	s17 =	sshll.u32 s0, $0xA;
	s2 =	sadd.s32 s3, s2  }
0x8d: {  	s2 =	sadd.s32 s2, s17  }
0x8e: {  	[smem:$0x3FC4] =	sst s2  }
0x8f: {  	_ = 	snop  }
0x90: {  	s2 =	sld [smem:$0x3FC8]  }
0x91: {  	s18 =	sld [smem:$0x3FC6];
	(tm) =	ssettm $0x1  }
0x92: {  	s4 =	sld [smem:$0x3FFB];
	_ =	sdelay $0x3  }
0x93: {  	_ =	strace s4  }
0x94: {  	s4 =	sld [smem:$0x3FFC];
	_ =	sdelay $0x3  }
0x95: {  	_ =	strace s4  }
0x96: {  	s4 =	sld [smem:$0x3FFD];
	_ =	sdelay $0x3  }
0x97: {  	_ =	strace s4  }
0x98: {  	_ =	strace $0x8FFFFFFF  }
0x99: {  	s19 =	sld [smem:$0x3FDB];
	_ =	sdelay $0x1  }
0x9a: {  	s5 =	simm.s32 $_scs_section_size  }
0x9b: {  	s6 =	simm.s32 $_size__tile_overlayer_lowered;
	s7 =	simm.s32 $_tile_overlayer_lowered  }
0x9c: {  	s22 =	simm.s32 $0x1BFF;
	s21 =	sshll.u32 s7, $0x1;
	s4 =	sadd.s32 s5, s19  }
0x9d: {  	s8 =	simm.s32 $0x0;
	s20 =	sshll.u32 s6, $0x1;
	s6 =	sadd.s32 s21, s4  }
0x9e: {  	[timem:s8], [sflag:s22] =	dma.local [hbm:s6], s20  }
0x9f: {  	_ =	swait.ge [sflag:s22], s20  }
0xa0: {  	s5 =	ssub.s32 $0x0, s20;
	[sflag:s22] =	ssyncset.done $0x0  }
0xa1: {  	[sflag:s22] =	ssyncadd.s32 s5;
	_ =	sdelay $0x1  }
0xa2: {  	s23 =	simm.s32 $0x1B8B  }
0xa3: {  	_ =	swait.ge [sflag:s23], $0x1  }
0xa4: {  	[sflag:s23] =	ssyncset.done $0x0  }
0xa5: {  	s25 =	simm.s32 $0x1B8E;
	s24 =	sld [smem:$0x3FFE];
	[sflag:s23] =	ssyncadd.s32 $0xFFFFFFFF  }
0xa6: {  	s26 =	simm.s32 $execute0_lowered;
	[smem:$0x3FD2] =	sst s25  }
0xa7: {  	s6 =	sshll.u32 s26, $0x1;
	_ =	strace $0x80000046;
	[dreg:$0x1] =	wrdreg $0xFFFFFFFF  }
0xa8: {  	s28 =	simm.s32 $_size_execute0_lowered;
	s4 =	sadd.s32 s4, s6;
	[dreg:$0x0] =	wrdreg $0x0  }
0xa9: {  	s6 =	sshll.u32 s28, $0x1;
	[dreg:$0x2] =	wrdreg s4  }
0xaa: {  	[dreg:$0x3] =	wrdreg s6  }
0xab: {  	[dreg:$0x4] =	wrdreg $0xC0  }
0xac: {  	_ =	task [dreg:s8], $0x5FFFF  }
0xad: {  	[dreg:$0x1] =	wrdreg $0xFFFFFFFF  }
0xae: {  	[dreg:$0x0] =	wrdreg $0x60  }
0xaf: {  	[dreg:$0x2] =	wrdreg s24  }
0xb0: {  	[dreg:$0x3] =	wrdreg s18  }
0xb1: {  	[dreg:$0x4] =	wrdreg s2  }
0xb2: {  	[dreg:$0x5] =	wrdreg $0x2FE80  }
0xb3: {  	[dreg:$0x6] =	wrdreg $0xCC280  }
0xb4: {  	[dreg:$0x7] =	wrdreg $0x9  }
0xb5: {  	_ =	task.clear_ibuf [dreg:s8], $0x8FFFF;
	_ =	strace $0x90000046  }
0xb6: {  	s29 =	simm.s32 $0x9;
	_ =	strace $0x80000048  }
0xb7: {  	_ =	swait.ge [sflag:s29], $0x1  }
0xb8: {  	[sflag:s29] =	ssyncadd.s32 $0xFFFFFFFF  }
0xb9: {  	_ =	strace $0x90000048  }
0xba: {  	_ =	sfence  }
0xbb: {  	s30 =	sld [smem:$0x0];
	_ =	sdelay $0x2  }
0xbc: {  	s31 =	sshll.u32 s1, $0xD;
	s1 =	sshrl.u32 s1, $0x2  }
0xbd: {  	s3 =	sand.u32 $0x4000, s31;
	s1 =	sadd.s32 s1, s30  }
0xbe: {  	s0 =	sor.u32 s3, s0;
	s1 =	sshll.u32 s1, $0x11  }
0xbf: {  	s0 =	sor.u32 s1, s0  }
0xc0: {  	s0 =	sadd.s32 $0x8F2B, s0  }
0xc1: {  	[sflag:s0] =	ssyncadd.remote.s32 $0x1  }
0xc2: {  	_ =	sfence.sel $0xFFFF  }
0xc3: {  	[dreg:$0x0] =	wrdreg $0xFFFFFFFF;
	(pc) =	sbr.abs _section_cstart, $3  }
0xc4: {  	[dreg:$0x1] =	wrdreg $0xFFFFFFFF  }
0xc5: {  	_ =	task.clear_ibuf [dreg:s8], $0x2FFFF;
	_ =	strace $0x9FFFFFFF  }
0xc6: {  	(tm) =	ssettm $0x7FFFFFFF  }
0xc7: {  	_ =	shalt  }
tec
execute0_lowered:
.L_overlay_start_1:
0x0: {  	(tag) =	ssettag $0x1  }
0x1: {  	s1 =	rddreg [dreg:$0x0]  }
0x2: {  	s0 =	rddreg [dreg:$0x1]  }
0x3: {  	s7 =	rddreg [dreg:$0x2]  }
0x4: {  	s3 =	rddreg [dreg:$0x3]  }
0x5: {  	s17 =	srdreg.scid;
	s2 =	rddreg [dreg:$0x4]  }
0x6: {  	s19 =	stileid.u32;
	s4 =	simm.s32 $0x0;
	[dreg:$0x6] =	wrdreg s0  }
0x7: {  	s6 =	sand.u32 $0x1, s17;
	s18 =	sshll.u32 s19, $0x1;
	s5 =	smul.u32 $0x9C40, s19  }
0x8: {  	[smem:$0x7FF] =	sst s4;
	s10 =	sadd.s32 $0x187A00, s1;
	s0 =	smul.u32 $0x1388, s19  }
0x9: {  	s11 =	sadd.s32 $0x1A400, s1;
	s8 =	sor.u32 s6, s18;
	_ =	strace $0x80000047  }
0xa: {  	[dreg:$0x7] =	wrdreg s11;
	s9 =	smul.u32 $0x190, s8;
	s12 =	sshrl.u32 s5, $0x3  }
0xb: {  	s21 =	sshrl.u32 s0, $0x3;
	s13 =	sshll.u32 s8, $0x2;
	s23 =	smul.u32 $0x30D40, s8  }
0xc: {  	s8 =	smul.u32 $0x61A8, s8;
	s20 =	sadd.s32 s12, s1;
	s7 =	sadd.s32 s7, s13  }
0xd: {  	s12 =	sadd.s32 s21, s1;
	s11 =	sadd.s32 $0x4200, s20;
	[dreg:$0xb] =	wrdreg s7  }
0xe: {  	s14 =	sadd.s32 s13, s1;
	s22 =	sadd.s32 $0x17C00, s12;
	[dreg:$0x8] =	wrdreg s11  }
0xf: {  	s9 =	sadd.s32 s9, s1;
	s24 =	sadd.s32 $0x46800, s14;
	[dreg:$0x9] =	wrdreg s22  }
0x10: {  	s25 =	sshrl.u32 s23, $0x3;
	s26 =	sadd.s32 s10, s8;
	[dreg:$0xc] =	wrdreg s24  }
0x11: {  	s9 =	sadd.s32 $0x1000, s9;
	s8 =	sadd.s32 s10, s25;
	[dreg:$0xd] =	wrdreg s26  }
0x12: {  	[dreg:$0xa] =	wrdreg s9;
	s11 =	sadd.s32 $0x3E8, s8  }
0x13: {  	s12 =	sadd.s32 $0x7D0, s8;
	[dreg:$0xe] =	wrdreg s11  }
0x14: {  	s13 =	sadd.s32 $0xBB8, s8;
	[dreg:$0xf] =	wrdreg s12  }
0x15: {  	s14 =	sadd.s32 $0xFA0, s8;
	[dreg:$0x10] =	wrdreg s13  }
0x16: {  	s15 =	sadd.s32 $0x1388, s8;
	[dreg:$0x11] =	wrdreg s14  }
0x17: {  	s16 =	sadd.s32 $0x1770, s8;
	[dreg:$0x12] =	wrdreg s15  }
0x18: {  	s17 =	sadd.s32 $0x1B58, s8;
	[dreg:$0x13] =	wrdreg s16  }
0x19: {  	s18 =	sadd.s32 $0x1F40, s8;
	[dreg:$0x14] =	wrdreg s17  }
0x1a: {  	s20 =	sadd.s32 $0x2328, s8;
	[dreg:$0x15] =	wrdreg s18  }
0x1b: {  	s21 =	sadd.s32 $0x2710, s8;
	[dreg:$0x16] =	wrdreg s20  }
0x1c: {  	s22 =	sadd.s32 $0x2AF8, s8;
	[dreg:$0x17] =	wrdreg s21  }
0x1d: {  	s31 =	simm.s32 $0x21C0;
	s23 =	sadd.s32 $0x2EE0, s8;
	[dreg:$0x18] =	wrdreg s22  }
0x1e: {  	s30 =	simm.s32 $0x2240;
	s24 =	sadd.s32 $0x32C8, s8;
	[dreg:$0x19] =	wrdreg s23  }
0x1f: {  	s29 =	simm.s32 $0x22C0;
	s25 =	sadd.s32 $0x36B0, s8;
	[dreg:$0x1a] =	wrdreg s24  }
0x20: {  	s28 =	simm.s32 $0x2340;
	s10 =	sadd.s32 $0x3A98, s8;
	[dreg:$0x1b] =	wrdreg s25  }
0x21: {  	p0 =	por $0x0, $0x0;
	[dreg:$0x1c] =	wrdreg s10;
	s12 =	sadd.s32 $0x3E80, s8  }
0x22: {  	s0 =	sadd.s32 s0, s2;
	s13 =	sadd.s32 $0x4268, s8;
	[dreg:$0x1d] =	wrdreg s12  }
0x23: {  	s7 =	sshrl.u32 s0, $0x3;
	s14 =	sadd.s32 $0x4650, s8;
	[dreg:$0x1e] =	wrdreg s13  }
0x24: {  	s0 =	simm.s32 $0x20C0;
	s15 =	sadd.s32 $0x4A38, s8;
	[dreg:$0x1f] =	wrdreg s14  }
0x25: {  	s26 =	smul.u32 $0x271, s19;
	s16 =	sadd.s32 $0x4E20, s8;
	[smem:$0x7F5] =	sst s15  }
0x26: {  	s11 =	smul.u32 $0x2710, s6;
	s17 =	sadd.s32 $0x5208, s8;
	[smem:$0x7F6] =	sst s16  }
0x27: {  	s6 =	ssub.s32 $0x2, s6;
	s18 =	sadd.s32 $0x55F0, s8;
	[smem:$0x7F7] =	sst s17  }
0x28: {  	s21 =	sadd.s32 $0x59D8, s8;
	s22 =	sadd.s32 $0x5DC0, s8;
	[smem:$0x7F8] =	sst s18  }
0x29: {  	s23 =	sadd.s32 s5, s3;
	s25 =	sshll.u32 s19, $0x6;
	[smem:$0x7F9] =	sst s21  }
0x2a: {  	s20 =	sshrl.u32 s6, $0x1;
	[smem:$0x7FA] =	sst s22;
	s5 =	sor.u32 $0x1C02, s25  }
0x2b: {  	s8 =	sshrl.u32 s23, $0x3;
	s13 =	simm.s32 $0x1F40;
	s16 =	simm.s32 $0x2FA8  }
0x2c: {  	s14 =	simm.s32 $0x2FC8;
	s15 =	simm.s32 $0x1;
	s12 =	simm.s32 $0x1FC0  }
0x2d: {  	s25 =	simm.s32 $0x2440;
	s23 =	simm.s32 $0x2540;
	s22 =	simm.s32 $0x25C0  }
0x2e: {  	s21 =	simm.s32 $0x2640;
	s9 =	sadd.s32 s26, s11;
	s6 =	ssub.s32 s6, s20  }
0x2f: {  	s26 =	simm.s32 $0x20;
	s11 =	simm.s32 $0x2040;
	s17 =	smax.u32 s6, $0x1  }
0x30: {  	s20 =	simm.s32 $0x26C0;
	s10 =	sshll.u32 s9, $0x3;
	p1 =	sne.s32 s17, $0x1  }
.Ltmp0:
0x31: {  	s6 =	simm.s32 $0x2;
	[smem:$0x7FD] =	sst s26;
	(pc) =	sbr.rel @!p1 .LBB2_5-.Ltmp0, $4  }
0x32: {  	s26 =	simm.s32 $0x23C0;
	s10 =	sadd.s32 s10, s1;
	s1 =	sadd.s32 s9, s1  }
0x33: {  	s9 =	simm.s32 $0x2BC0;
	s18 =	sadd.s32 $0xFFFFFFFF, s17;
	s24 =	sadd.s32 $0x1A600, s10  }
0x34: {  	s1 =	sadd.s32 $0x41800, s1;
	s10 =	simm.s32 $0x7D;
	[smem:$0x7FB] =	sst s24  }
0x35: {  	[smem:$0x7FC] =	sst s1;
	s1 =	simm.s32 $0x2140;
	s24 =	simm.s32 $0x24C0  }
0x36: {  	s17 =	rddreg [dreg:$0x8]  }
0x37: {  	[spmem:s8], [sflag:s5] =	dma.local [hbm:s17], $0x1388  }
0x38: {  	_ =	swait.ge [sflag:s6], $0x1388  }
0x39: {  	[sflag:s6] =	ssyncset.done $0x0  }
0x3a: {  	s19 =	rddreg [dreg:$0x9];
	[sflag:s6] =	ssyncadd.s32 $0xFFFFEC78  }
0x3b: {  	[spmem:s7], [sflag:s5] =	dma.local [hbm:s19], $0x271  }
0x3c: {  	_ =	swait.ge [sflag:s6], $0x271  }
0x3d: {  	[sflag:s6] =	ssyncset.done $0x0  }
0x3e: {  	s19 =	rddreg [dreg:$0xa];
	[sflag:s6] =	ssyncadd.s32 $0xFFFFFD8F  }
0x3f: {  	[tilespmem:s13], [sflag:$0x2] =	stream.linear.gather [hbm4b:s19+s4], $0xC80, $0x38;
	[tilespmem:$0xDFB0] =	vst v63  }
0x40: {  	_ =	swait.ge [sflag:s6], $0xC80  }
0x41: {  	[sflag:s6] =	ssyncset.done $0x0  }
0x42: {  	s19 =	rddreg [dreg:$0x7];
	[sflag:s6] =	ssyncadd.s32 $0xFFFFF380  }
0x43: {  	[tilespmem:s9], [sflag:$0x2] =	stream.linear.gather [hbm4b:s19+s4], $0x3E8, $0x38;
	[tilespmem:$0xDFB0] =	vst v63  }
0x44: {  	_ =	swait.ge [sflag:s6], $0x3E8  }
0x45: {  	[sflag:s6] =	ssyncset.done $0x0  }
0x46: {  	s19 =	rddreg [dreg:$0xb];
	[sflag:s6] =	ssyncadd.s32 $0xFFFFFC18  }
0x47: {  	[tilespmem:s16], [sflag:$0x2] =	stream.linear.gather [hbm4b:s19+s4], $0x20, $0x38;
	[tilespmem:$0xDFB0] =	vst v63  }
0x48: {  	_ =	swait.ge [sflag:s6], $0x20  }
0x49: {  	s17 =	sld [smem:$0x7FD]  }
0x4a: {  	[sflag:s6] =	ssyncset.done $0x0  }
0x4b: {  	s19 =	rddreg [dreg:$0x6];
	[sflag:s6] =	ssyncadd.s32 $0xFFFFFFE0  }
0x4c: {  	[tilespmem:s14], [sflag:$0x1] =	stream.indirect.gather [hbm4b:s19+s17], $0x1, s16, s17, $0xb8;
	[tilespmem:$0xDFB0] =	vst v63  }
0x4d: {  	_ =	swait.ge [sflag:s15], $0x20  }
0x4e: {  	[sflag:s15] =	ssyncset.done $0x0  }
0x4f: {  	s19 =	rddreg [dreg:$0xc];
	[sflag:s15] =	ssyncadd.s32 $0xFFFFFFE0  }
0x50: {  	[hbm4b:s19+s4] =	stream.linear.scatter [tilespmem:s14], [sflag:$0x2], $0x20, $0x38;
	[tilespmem:$0xDFB0] =	vst v63  }
0x51: {  	_ =	swait.ge [sflag:s6], $0x20  }
0x52: {  	[sflag:s6] =	ssyncset.done $0x0  }
0x53: {  	[sflag:s6] =	ssyncadd.s32 $0xFFFFFFE0  }
0x54: {  	[bflag:$0x0] =	sbarrier.arrive $0xFFFF  }
0x55: {  	s19 =	rddreg [dreg:$0xd]  }
0x56: {  	[tilespmem:s4], [sflag:$0x2] =	stream.linear.gather [hbm4b:s19+s4], $0x1F40, $0x38;
	[tilespmem:$0xDFB0] =	vst v63  }
0x57: {  	_ =	swait.ge [sflag:s6], $0x1F40  }
0x58: {  	[sflag:s6] =	ssyncset.done $0x0  }
0x59: {  	[sflag:s6] =	ssyncadd.s32 $0xFFFFE0C0  }
0x5a: {  	[spmem:s3] =	stream.indirect.scatter.add.f32 [tilespmem:s4], [sflag:$0x2], $0x40, s13, s10, $0xb8;
	[tilespmem:$0xDFB0] =	vst v63  }
0x5b: {  	_ =	swait.ge [sflag:s6], $0x1F40  }
0x5c: {  	[sflag:s6] =	ssyncset.done $0x0  }
0x5d: {  	[sflag:s6] =	ssyncadd.s32 $0xFFFFE0C0  }
0x5e: {  	[spmem:s2] =	stream.indirect.scatter.add.f32 [tilespmem:s9], [sflag:$0x2], $0x8, s13, s10, $0xb8;
	[tilespmem:$0xDFB0] =	vst v63  }
0x5f: {  	_ =	swait.ge [sflag:s6], $0x3E8  }
0x60: {  	[sflag:s6] =	ssyncset.done $0x0  }
0x61: {  	s19 =	rddreg [dreg:$0xe];
	[sflag:s6] =	ssyncadd.s32 $0xFFFFFC18  }
0x62: {  	[tilespmem:s4], [sflag:$0x2] =	stream.linear.gather [hbm4b:s19+s4], $0x1F40, $0x38;
	[tilespmem:$0xDFB0] =	vst v63  }
0x63: {  	_ =	swait.ge [sflag:s6], $0x1F40  }
0x64: {  	[sflag:s6] =	ssyncset.done $0x0  }
0x65: {  	[sflag:s6] =	ssyncadd.s32 $0xFFFFE0C0  }
0x66: {  	[spmem:s3] =	stream.indirect.scatter.add.f32 [tilespmem:s4], [sflag:$0x2], $0x40, s12, s10, $0xb8;
	[tilespmem:$0xDFB0] =	vst v63  }
0x67: {  	_ =	swait.ge [sflag:s6], $0x1F40  }
0x68: {  	[sflag:s6] =	ssyncset.done $0x0  }
0x69: {  	[sflag:s6] =	ssyncadd.s32 $0xFFFFE0C0  }
0x6a: {  	[spmem:s2] =	stream.indirect.scatter.add.f32 [tilespmem:s9], [sflag:$0x2], $0x8, s12, s10, $0xb8;
	[tilespmem:$0xDFB0] =	vst v63  }
0x6b: {  	_ =	swait.ge [sflag:s6], $0x3E8  }
0x6c: {  	[sflag:s6] =	ssyncset.done $0x0  }
0x6d: {  	s19 =	rddreg [dreg:$0xf];
	[sflag:s6] =	ssyncadd.s32 $0xFFFFFC18  }
0x6e: {  	[tilespmem:s4], [sflag:$0x2] =	stream.linear.gather [hbm4b:s19+s4], $0x1F40, $0x38;
	[tilespmem:$0xDFB0] =	vst v63  }
0x6f: {  	_ =	swait.ge [sflag:s6], $0x1F40  }
0x70: {  	[sflag:s6] =	ssyncset.done $0x0  }
0x71: {  	[sflag:s6] =	ssyncadd.s32 $0xFFFFE0C0  }
0x72: {  	[spmem:s3] =	stream.indirect.scatter.add.f32 [tilespmem:s4], [sflag:$0x2], $0x40, s11, s10, $0xb8;
	[tilespmem:$0xDFB0] =	vst v63  }
0x73: {  	_ =	swait.ge [sflag:s6], $0x1F40  }
0x74: {  	[sflag:s6] =	ssyncset.done $0x0  }
0x75: {  	[sflag:s6] =	ssyncadd.s32 $0xFFFFE0C0  }
0x76: {  	[spmem:s2] =	stream.indirect.scatter.add.f32 [tilespmem:s9], [sflag:$0x2], $0x8, s11, s10, $0xb8;
	[tilespmem:$0xDFB0] =	vst v63  }
0x77: {  	_ =	swait.ge [sflag:s6], $0x3E8  }
0x78: {  	[sflag:s6] =	ssyncset.done $0x0  }
0x79: {  	s19 =	rddreg [dreg:$0x10];
	[sflag:s6] =	ssyncadd.s32 $0xFFFFFC18  }
0x7a: {  	[tilespmem:s4], [sflag:$0x2] =	stream.linear.gather [hbm4b:s19+s4], $0x1F40, $0x38;
	[tilespmem:$0xDFB0] =	vst v63  }
0x7b: {  	_ =	swait.ge [sflag:s6], $0x1F40  }
0x7c: {  	[sflag:s6] =	ssyncset.done $0x0  }
0x7d: {  	[sflag:s6] =	ssyncadd.s32 $0xFFFFE0C0  }
0x7e: {  	[spmem:s3] =	stream.indirect.scatter.add.f32 [tilespmem:s4], [sflag:$0x2], $0x40, s0, s10, $0xb8;
	[tilespmem:$0xDFB0] =	vst v63  }
0x7f: {  	_ =	swait.ge [sflag:s6], $0x1F40  }
0x80: {  	[sflag:s6] =	ssyncset.done $0x0  }
0x81: {  	[sflag:s6] =	ssyncadd.s32 $0xFFFFE0C0  }
0x82: {  	[spmem:s2] =	stream.indirect.scatter.add.f32 [tilespmem:s9], [sflag:$0x2], $0x8, s0, s10, $0xb8;
	[tilespmem:$0xDFB0] =	vst v63  }
0x83: {  	_ =	swait.ge [sflag:s6], $0x3E8  }
0x84: {  	[sflag:s6] =	ssyncset.done $0x0  }
0x85: {  	s19 =	rddreg [dreg:$0x11];
	[sflag:s6] =	ssyncadd.s32 $0xFFFFFC18  }
0x86: {  	[tilespmem:s4], [sflag:$0x2] =	stream.linear.gather [hbm4b:s19+s4], $0x1F40, $0x38;
	[tilespmem:$0xDFB0] =	vst v63  }
0x87: {  	_ =	swait.ge [sflag:s6], $0x1F40  }
0x88: {  	[sflag:s6] =	ssyncset.done $0x0  }
0x89: {  	[sflag:s6] =	ssyncadd.s32 $0xFFFFE0C0  }
0x8a: {  	[spmem:s3] =	stream.indirect.scatter.add.f32 [tilespmem:s4], [sflag:$0x2], $0x40, s1, s10, $0xb8;
	[tilespmem:$0xDFB0] =	vst v63  }
0x8b: {  	_ =	swait.ge [sflag:s6], $0x1F40  }
0x8c: {  	[sflag:s6] =	ssyncset.done $0x0  }
0x8d: {  	[sflag:s6] =	ssyncadd.s32 $0xFFFFE0C0  }
0x8e: {  	[spmem:s2] =	stream.indirect.scatter.add.f32 [tilespmem:s9], [sflag:$0x2], $0x8, s1, s10, $0xb8;
	[tilespmem:$0xDFB0] =	vst v63  }
0x8f: {  	_ =	swait.ge [sflag:s6], $0x3E8  }
0x90: {  	[sflag:s6] =	ssyncset.done $0x0  }
0x91: {  	s19 =	rddreg [dreg:$0x12];
	[sflag:s6] =	ssyncadd.s32 $0xFFFFFC18  }
0x92: {  	[tilespmem:s4], [sflag:$0x2] =	stream.linear.gather [hbm4b:s19+s4], $0x1F40, $0x38;
	[tilespmem:$0xDFB0] =	vst v63  }
0x93: {  	_ =	swait.ge [sflag:s6], $0x1F40  }
0x94: {  	[sflag:s6] =	ssyncset.done $0x0  }
0x95: {  	[sflag:s6] =	ssyncadd.s32 $0xFFFFE0C0  }
0x96: {  	[spmem:s3] =	stream.indirect.scatter.add.f32 [tilespmem:s4], [sflag:$0x2], $0x40, s31, s10, $0xb8;
	[tilespmem:$0xDFB0] =	vst v63  }
0x97: {  	_ =	swait.ge [sflag:s6], $0x1F40  }
0x98: {  	[sflag:s6] =	ssyncset.done $0x0  }
0x99: {  	[sflag:s6] =	ssyncadd.s32 $0xFFFFE0C0  }
0x9a: {  	[spmem:s2] =	stream.indirect.scatter.add.f32 [tilespmem:s9], [sflag:$0x2], $0x8, s31, s10, $0xb8;
	[tilespmem:$0xDFB0] =	vst v63  }
0x9b: {  	_ =	swait.ge [sflag:s6], $0x3E8  }
0x9c: {  	[sflag:s6] =	ssyncset.done $0x0  }
0x9d: {  	s19 =	rddreg [dreg:$0x13];
	[sflag:s6] =	ssyncadd.s32 $0xFFFFFC18  }
0x9e: {  	[tilespmem:s4], [sflag:$0x2] =	stream.linear.gather [hbm4b:s19+s4], $0x1F40, $0x38;
	[tilespmem:$0xDFB0] =	vst v63  }
0x9f: {  	_ =	swait.ge [sflag:s6], $0x1F40  }
0xa0: {  	[sflag:s6] =	ssyncset.done $0x0  }
0xa1: {  	[sflag:s6] =	ssyncadd.s32 $0xFFFFE0C0  }
0xa2: {  	[spmem:s3] =	stream.indirect.scatter.add.f32 [tilespmem:s4], [sflag:$0x2], $0x40, s30, s10, $0xb8;
	[tilespmem:$0xDFB0] =	vst v63  }
0xa3: {  	_ =	swait.ge [sflag:s6], $0x1F40  }
0xa4: {  	[sflag:s6] =	ssyncset.done $0x0  }
0xa5: {  	[sflag:s6] =	ssyncadd.s32 $0xFFFFE0C0  }
0xa6: {  	[spmem:s2] =	stream.indirect.scatter.add.f32 [tilespmem:s9], [sflag:$0x2], $0x8, s30, s10, $0xb8;
	[tilespmem:$0xDFB0] =	vst v63  }
0xa7: {  	_ =	swait.ge [sflag:s6], $0x3E8  }
0xa8: {  	[sflag:s6] =	ssyncset.done $0x0  }
0xa9: {  	s19 =	rddreg [dreg:$0x14];
	[sflag:s6] =	ssyncadd.s32 $0xFFFFFC18  }
0xaa: {  	[tilespmem:s4], [sflag:$0x2] =	stream.linear.gather [hbm4b:s19+s4], $0x1F40, $0x38;
	[tilespmem:$0xDFB0] =	vst v63  }
0xab: {  	_ =	swait.ge [sflag:s6], $0x1F40  }
0xac: {  	[sflag:s6] =	ssyncset.done $0x0  }
0xad: {  	[sflag:s6] =	ssyncadd.s32 $0xFFFFE0C0  }
0xae: {  	[spmem:s3] =	stream.indirect.scatter.add.f32 [tilespmem:s4], [sflag:$0x2], $0x40, s29, s10, $0xb8;
	[tilespmem:$0xDFB0] =	vst v63  }
0xaf: {  	_ =	swait.ge [sflag:s6], $0x1F40  }
0xb0: {  	[sflag:s6] =	ssyncset.done $0x0  }
0xb1: {  	[sflag:s6] =	ssyncadd.s32 $0xFFFFE0C0  }
0xb2: {  	[spmem:s2] =	stream.indirect.scatter.add.f32 [tilespmem:s9], [sflag:$0x2], $0x8, s29, s10, $0xb8;
	[tilespmem:$0xDFB0] =	vst v63  }
0xb3: {  	_ =	swait.ge [sflag:s6], $0x3E8  }
0xb4: {  	[sflag:s6] =	ssyncset.done $0x0  }
0xb5: {  	s19 =	rddreg [dreg:$0x15];
	[sflag:s6] =	ssyncadd.s32 $0xFFFFFC18  }
0xb6: {  	[tilespmem:s4], [sflag:$0x2] =	stream.linear.gather [hbm4b:s19+s4], $0x1F40, $0x38;
	[tilespmem:$0xDFB0] =	vst v63  }
0xb7: {  	_ =	swait.ge [sflag:s6], $0x1F40  }
0xb8: {  	[sflag:s6] =	ssyncset.done $0x0  }
0xb9: {  	[sflag:s6] =	ssyncadd.s32 $0xFFFFE0C0  }
0xba: {  	[spmem:s3] =	stream.indirect.scatter.add.f32 [tilespmem:s4], [sflag:$0x2], $0x40, s28, s10, $0xb8;
	[tilespmem:$0xDFB0] =	vst v63  }
0xbb: {  	_ =	swait.ge [sflag:s6], $0x1F40  }
0xbc: {  	[sflag:s6] =	ssyncset.done $0x0  }
0xbd: {  	[sflag:s6] =	ssyncadd.s32 $0xFFFFE0C0  }
0xbe: {  	[spmem:s2] =	stream.indirect.scatter.add.f32 [tilespmem:s9], [sflag:$0x2], $0x8, s28, s10, $0xb8;
	[tilespmem:$0xDFB0] =	vst v63  }
0xbf: {  	_ =	swait.ge [sflag:s6], $0x3E8  }
0xc0: {  	[sflag:s6] =	ssyncset.done $0x0  }
0xc1: {  	s19 =	rddreg [dreg:$0x16];
	[sflag:s6] =	ssyncadd.s32 $0xFFFFFC18  }
0xc2: {  	[tilespmem:s4], [sflag:$0x2] =	stream.linear.gather [hbm4b:s19+s4], $0x1F40, $0x38;
	[tilespmem:$0xDFB0] =	vst v63  }
0xc3: {  	_ =	swait.ge [sflag:s6], $0x1F40  }
0xc4: {  	[sflag:s6] =	ssyncset.done $0x0  }
0xc5: {  	[sflag:s6] =	ssyncadd.s32 $0xFFFFE0C0  }
0xc6: {  	[spmem:s3] =	stream.indirect.scatter.add.f32 [tilespmem:s4], [sflag:$0x2], $0x40, s26, s10, $0xb8;
	[tilespmem:$0xDFB0] =	vst v63  }
0xc7: {  	_ =	swait.ge [sflag:s6], $0x1F40  }
0xc8: {  	[sflag:s6] =	ssyncset.done $0x0  }
0xc9: {  	[sflag:s6] =	ssyncadd.s32 $0xFFFFE0C0  }
0xca: {  	[spmem:s2] =	stream.indirect.scatter.add.f32 [tilespmem:s9], [sflag:$0x2], $0x8, s26, s10, $0xb8;
	[tilespmem:$0xDFB0] =	vst v63  }
0xcb: {  	_ =	swait.ge [sflag:s6], $0x3E8  }
0xcc: {  	[sflag:s6] =	ssyncset.done $0x0  }
0xcd: {  	s19 =	rddreg [dreg:$0x17];
	[sflag:s6] =	ssyncadd.s32 $0xFFFFFC18  }
0xce: {  	[tilespmem:s4], [sflag:$0x2] =	stream.linear.gather [hbm4b:s19+s4], $0x1F40, $0x38;
	[tilespmem:$0xDFB0] =	vst v63  }
0xcf: {  	_ =	swait.ge [sflag:s6], $0x1F40  }
0xd0: {  	[sflag:s6] =	ssyncset.done $0x0  }
0xd1: {  	[sflag:s6] =	ssyncadd.s32 $0xFFFFE0C0  }
0xd2: {  	[spmem:s3] =	stream.indirect.scatter.add.f32 [tilespmem:s4], [sflag:$0x2], $0x40, s25, s10, $0xb8;
	[tilespmem:$0xDFB0] =	vst v63  }
0xd3: {  	_ =	swait.ge [sflag:s6], $0x1F40  }
0xd4: {  	[sflag:s6] =	ssyncset.done $0x0  }
0xd5: {  	[sflag:s6] =	ssyncadd.s32 $0xFFFFE0C0  }
0xd6: {  	[spmem:s2] =	stream.indirect.scatter.add.f32 [tilespmem:s9], [sflag:$0x2], $0x8, s25, s10, $0xb8;
	[tilespmem:$0xDFB0] =	vst v63  }
0xd7: {  	_ =	swait.ge [sflag:s6], $0x3E8  }
0xd8: {  	[sflag:s6] =	ssyncset.done $0x0  }
0xd9: {  	s19 =	rddreg [dreg:$0x18];
	[sflag:s6] =	ssyncadd.s32 $0xFFFFFC18  }
0xda: {  	[tilespmem:s4], [sflag:$0x2] =	stream.linear.gather [hbm4b:s19+s4], $0x1F40, $0x38;
	[tilespmem:$0xDFB0] =	vst v63  }
0xdb: {  	_ =	swait.ge [sflag:s6], $0x1F40  }
0xdc: {  	[sflag:s6] =	ssyncset.done $0x0  }
0xdd: {  	[sflag:s6] =	ssyncadd.s32 $0xFFFFE0C0  }
0xde: {  	[spmem:s3] =	stream.indirect.scatter.add.f32 [tilespmem:s4], [sflag:$0x2], $0x40, s24, s10, $0xb8;
	[tilespmem:$0xDFB0] =	vst v63  }
0xdf: {  	_ =	swait.ge [sflag:s6], $0x1F40  }
0xe0: {  	[sflag:s6] =	ssyncset.done $0x0  }
0xe1: {  	[sflag:s6] =	ssyncadd.s32 $0xFFFFE0C0  }
0xe2: {  	[spmem:s2] =	stream.indirect.scatter.add.f32 [tilespmem:s9], [sflag:$0x2], $0x8, s24, s10, $0xb8;
	[tilespmem:$0xDFB0] =	vst v63  }
0xe3: {  	_ =	swait.ge [sflag:s6], $0x3E8  }
0xe4: {  	[sflag:s6] =	ssyncset.done $0x0  }
0xe5: {  	s19 =	rddreg [dreg:$0x19];
	[sflag:s6] =	ssyncadd.s32 $0xFFFFFC18  }
0xe6: {  	[tilespmem:s4], [sflag:$0x2] =	stream.linear.gather [hbm4b:s19+s4], $0x1F40, $0x38;
	[tilespmem:$0xDFB0] =	vst v63  }
0xe7: {  	_ =	swait.ge [sflag:s6], $0x1F40  }
0xe8: {  	[sflag:s6] =	ssyncset.done $0x0  }
0xe9: {  	[sflag:s6] =	ssyncadd.s32 $0xFFFFE0C0  }
0xea: {  	[spmem:s3] =	stream.indirect.scatter.add.f32 [tilespmem:s4], [sflag:$0x2], $0x40, s23, s10, $0xb8;
	[tilespmem:$0xDFB0] =	vst v63  }
0xeb: {  	_ =	swait.ge [sflag:s6], $0x1F40  }
0xec: {  	[sflag:s6] =	ssyncset.done $0x0  }
0xed: {  	[sflag:s6] =	ssyncadd.s32 $0xFFFFE0C0  }
0xee: {  	[spmem:s2] =	stream.indirect.scatter.add.f32 [tilespmem:s9], [sflag:$0x2], $0x8, s23, s10, $0xb8;
	[tilespmem:$0xDFB0] =	vst v63  }
0xef: {  	_ =	swait.ge [sflag:s6], $0x3E8  }
0xf0: {  	[sflag:s6] =	ssyncset.done $0x0  }
0xf1: {  	s19 =	rddreg [dreg:$0x1a];
	[sflag:s6] =	ssyncadd.s32 $0xFFFFFC18  }
0xf2: {  	[tilespmem:s4], [sflag:$0x2] =	stream.linear.gather [hbm4b:s19+s4], $0x1F40, $0x38;
	[tilespmem:$0xDFB0] =	vst v63  }
0xf3: {  	_ =	swait.ge [sflag:s6], $0x1F40  }
0xf4: {  	[sflag:s6] =	ssyncset.done $0x0  }
0xf5: {  	[sflag:s6] =	ssyncadd.s32 $0xFFFFE0C0  }
0xf6: {  	[spmem:s3] =	stream.indirect.scatter.add.f32 [tilespmem:s4], [sflag:$0x2], $0x40, s22, s10, $0xb8;
	[tilespmem:$0xDFB0] =	vst v63  }
0xf7: {  	_ =	swait.ge [sflag:s6], $0x1F40  }
0xf8: {  	[sflag:s6] =	ssyncset.done $0x0  }
0xf9: {  	[sflag:s6] =	ssyncadd.s32 $0xFFFFE0C0  }
0xfa: {  	[spmem:s2] =	stream.indirect.scatter.add.f32 [tilespmem:s9], [sflag:$0x2], $0x8, s22, s10, $0xb8;
	[tilespmem:$0xDFB0] =	vst v63  }
0xfb: {  	_ =	swait.ge [sflag:s6], $0x3E8  }
0xfc: {  	[sflag:s6] =	ssyncset.done $0x0  }
0xfd: {  	s19 =	rddreg [dreg:$0x1b];
	[sflag:s6] =	ssyncadd.s32 $0xFFFFFC18  }
0xfe: {  	[tilespmem:s4], [sflag:$0x2] =	stream.linear.gather [hbm4b:s19+s4], $0x1F40, $0x38;
	[tilespmem:$0xDFB0] =	vst v63  }
0xff: {  	_ =	swait.ge [sflag:s6], $0x1F40  }
0x100: {  	[sflag:s6] =	ssyncset.done $0x0  }
0x101: {  	[sflag:s6] =	ssyncadd.s32 $0xFFFFE0C0  }
0x102: {  	[spmem:s3] =	stream.indirect.scatter.add.f32 [tilespmem:s4], [sflag:$0x2], $0x40, s21, s10, $0xb8;
	[tilespmem:$0xDFB0] =	vst v63  }
0x103: {  	_ =	swait.ge [sflag:s6], $0x1F40  }
0x104: {  	[sflag:s6] =	ssyncset.done $0x0  }
0x105: {  	[sflag:s6] =	ssyncadd.s32 $0xFFFFE0C0  }
0x106: {  	[spmem:s2] =	stream.indirect.scatter.add.f32 [tilespmem:s9], [sflag:$0x2], $0x8, s21, s10, $0xb8;
	[tilespmem:$0xDFB0] =	vst v63  }
0x107: {  	_ =	swait.ge [sflag:s6], $0x3E8  }
0x108: {  	[sflag:s6] =	ssyncset.done $0x0  }
0x109: {  	s19 =	rddreg [dreg:$0x1c];
	[sflag:s6] =	ssyncadd.s32 $0xFFFFFC18  }
0x10a: {  	[tilespmem:s4], [sflag:$0x2] =	stream.linear.gather [hbm4b:s19+s4], $0x1F40, $0x38;
	[tilespmem:$0xDFB0] =	vst v63  }
0x10b: {  	_ =	swait.ge [sflag:s6], $0x1F40  }
0x10c: {  	[sflag:s6] =	ssyncset.done $0x0  }
0x10d: {  	[sflag:s6] =	ssyncadd.s32 $0xFFFFE0C0  }
0x10e: {  	[spmem:s3] =	stream.indirect.scatter.add.f32 [tilespmem:s4], [sflag:$0x2], $0x40, s20, s10, $0xb8;
	[tilespmem:$0xDFB0] =	vst v63  }
0x10f: {  	_ =	swait.ge [sflag:s6], $0x1F40  }
0x110: {  	[sflag:s6] =	ssyncset.done $0x0  }
0x111: {  	[sflag:s6] =	ssyncadd.s32 $0xFFFFE0C0  }
0x112: {  	[spmem:s2] =	stream.indirect.scatter.add.f32 [tilespmem:s9], [sflag:$0x2], $0x8, s20, s10, $0xb8;
	[tilespmem:$0xDFB0] =	vst v63  }
0x113: {  	_ =	swait.ge [sflag:s6], $0x3E8  }
0x114: {  	[sflag:s6] =	ssyncset.done $0x0  }
0x115: {  	s19 =	rddreg [dreg:$0x1d];
	[sflag:s6] =	ssyncadd.s32 $0xFFFFFC18  }
0x116: {  	[tilespmem:s4], [sflag:$0x2] =	stream.linear.gather [hbm4b:s19+s4], $0x1F40, $0x38;
	[tilespmem:$0xDFB0] =	vst v63  }
0x117: {  	_ =	swait.ge [sflag:s6], $0x1F40  }
0x118: {  	[sflag:s6] =	ssyncset.done $0x0  }
0x119: {  	s19 =	simm.s32 $0x2740;
	[sflag:s6] =	ssyncadd.s32 $0xFFFFE0C0  }
0x11a: {  	[spmem:s3] =	stream.indirect.scatter.add.f32 [tilespmem:s4], [sflag:$0x2], $0x40, s19, s10, $0xb8;
	[tilespmem:$0xDFB0] =	vst v63  }
0x11b: {  	_ =	swait.ge [sflag:s6], $0x1F40  }
0x11c: {  	[sflag:s6] =	ssyncset.done $0x0  }
0x11d: {  	[sflag:s6] =	ssyncadd.s32 $0xFFFFE0C0  }
0x11e: {  	[spmem:s2] =	stream.indirect.scatter.add.f32 [tilespmem:s9], [sflag:$0x2], $0x8, s19, s10, $0xb8;
	[tilespmem:$0xDFB0] =	vst v63  }
0x11f: {  	_ =	swait.ge [sflag:s6], $0x3E8  }
0x120: {  	[sflag:s6] =	ssyncset.done $0x0  }
0x121: {  	s19 =	rddreg [dreg:$0x1e];
	[sflag:s6] =	ssyncadd.s32 $0xFFFFFC18  }
0x122: {  	[tilespmem:s4], [sflag:$0x2] =	stream.linear.gather [hbm4b:s19+s4], $0x1F40, $0x38;
	[tilespmem:$0xDFB0] =	vst v63  }
0x123: {  	_ =	swait.ge [sflag:s6], $0x1F40  }
0x124: {  	[sflag:s6] =	ssyncset.done $0x0  }
0x125: {  	s19 =	simm.s32 $0x27C0;
	[sflag:s6] =	ssyncadd.s32 $0xFFFFE0C0  }
0x126: {  	[spmem:s3] =	stream.indirect.scatter.add.f32 [tilespmem:s4], [sflag:$0x2], $0x40, s19, s10, $0xb8;
	[tilespmem:$0xDFB0] =	vst v63  }
0x127: {  	_ =	swait.ge [sflag:s6], $0x1F40  }
0x128: {  	[sflag:s6] =	ssyncset.done $0x0  }
0x129: {  	[sflag:s6] =	ssyncadd.s32 $0xFFFFE0C0  }
0x12a: {  	[spmem:s2] =	stream.indirect.scatter.add.f32 [tilespmem:s9], [sflag:$0x2], $0x8, s19, s10, $0xb8;
	[tilespmem:$0xDFB0] =	vst v63  }
0x12b: {  	_ =	swait.ge [sflag:s6], $0x3E8  }
0x12c: {  	[sflag:s6] =	ssyncset.done $0x0  }
0x12d: {  	s19 =	rddreg [dreg:$0x1f];
	[sflag:s6] =	ssyncadd.s32 $0xFFFFFC18  }
0x12e: {  	[tilespmem:s4], [sflag:$0x2] =	stream.linear.gather [hbm4b:s19+s4], $0x1F40, $0x38;
	[tilespmem:$0xDFB0] =	vst v63  }
0x12f: {  	_ =	swait.ge [sflag:s6], $0x1F40  }
0x130: {  	[sflag:s6] =	ssyncset.done $0x0  }
0x131: {  	s19 =	simm.s32 $0x2840;
	[sflag:s6] =	ssyncadd.s32 $0xFFFFE0C0  }
0x132: {  	[spmem:s3] =	stream.indirect.scatter.add.f32 [tilespmem:s4], [sflag:$0x2], $0x40, s19, s10, $0xb8;
	[tilespmem:$0xDFB0] =	vst v63  }
0x133: {  	_ =	swait.ge [sflag:s6], $0x1F40  }
0x134: {  	[sflag:s6] =	ssyncset.done $0x0  }
0x135: {  	[sflag:s6] =	ssyncadd.s32 $0xFFFFE0C0  }
0x136: {  	[spmem:s2] =	stream.indirect.scatter.add.f32 [tilespmem:s9], [sflag:$0x2], $0x8, s19, s10, $0xb8;
	[tilespmem:$0xDFB0] =	vst v63  }
0x137: {  	_ =	swait.ge [sflag:s6], $0x3E8  }
0x138: {  	s19 =	sld [smem:$0x7F5]  }
0x139: {  	[sflag:s6] =	ssyncset.done $0x0  }
0x13a: {  	[sflag:s6] =	ssyncadd.s32 $0xFFFFFC18  }
0x13b: {  	[tilespmem:s4], [sflag:$0x2] =	stream.linear.gather [hbm4b:s19+s4], $0x1F40, $0x38;
	[tilespmem:$0xDFB0] =	vst v63  }
0x13c: {  	_ =	swait.ge [sflag:s6], $0x1F40  }
0x13d: {  	[sflag:s6] =	ssyncset.done $0x0  }
0x13e: {  	s19 =	simm.s32 $0x28C0;
	[sflag:s6] =	ssyncadd.s32 $0xFFFFE0C0  }
0x13f: {  	[spmem:s3] =	stream.indirect.scatter.add.f32 [tilespmem:s4], [sflag:$0x2], $0x40, s19, s10, $0xb8;
	[tilespmem:$0xDFB0] =	vst v63  }
0x140: {  	_ =	swait.ge [sflag:s6], $0x1F40  }
0x141: {  	[sflag:s6] =	ssyncset.done $0x0  }
0x142: {  	[sflag:s6] =	ssyncadd.s32 $0xFFFFE0C0  }
0x143: {  	[spmem:s2] =	stream.indirect.scatter.add.f32 [tilespmem:s9], [sflag:$0x2], $0x8, s19, s10, $0xb8;
	[tilespmem:$0xDFB0] =	vst v63  }
0x144: {  	_ =	swait.ge [sflag:s6], $0x3E8  }
0x145: {  	s19 =	sld [smem:$0x7F6]  }
0x146: {  	[sflag:s6] =	ssyncset.done $0x0  }
0x147: {  	[sflag:s6] =	ssyncadd.s32 $0xFFFFFC18  }
0x148: {  	[tilespmem:s4], [sflag:$0x2] =	stream.linear.gather [hbm4b:s19+s4], $0x1F40, $0x38;
	[tilespmem:$0xDFB0] =	vst v63  }
0x149: {  	_ =	swait.ge [sflag:s6], $0x1F40  }
0x14a: {  	[sflag:s6] =	ssyncset.done $0x0  }
0x14b: {  	s19 =	simm.s32 $0x2940;
	[sflag:s6] =	ssyncadd.s32 $0xFFFFE0C0  }
0x14c: {  	[spmem:s3] =	stream.indirect.scatter.add.f32 [tilespmem:s4], [sflag:$0x2], $0x40, s19, s10, $0xb8;
	[tilespmem:$0xDFB0] =	vst v63  }
0x14d: {  	_ =	swait.ge [sflag:s6], $0x1F40  }
0x14e: {  	[sflag:s6] =	ssyncset.done $0x0  }
0x14f: {  	[sflag:s6] =	ssyncadd.s32 $0xFFFFE0C0  }
0x150: {  	[spmem:s2] =	stream.indirect.scatter.add.f32 [tilespmem:s9], [sflag:$0x2], $0x8, s19, s10, $0xb8;
	[tilespmem:$0xDFB0] =	vst v63  }
0x151: {  	_ =	swait.ge [sflag:s6], $0x3E8  }
0x152: {  	s19 =	sld [smem:$0x7F7]  }
0x153: {  	[sflag:s6] =	ssyncset.done $0x0  }
0x154: {  	[sflag:s6] =	ssyncadd.s32 $0xFFFFFC18  }
0x155: {  	[tilespmem:s4], [sflag:$0x2] =	stream.linear.gather [hbm4b:s19+s4], $0x1F40, $0x38;
	[tilespmem:$0xDFB0] =	vst v63  }
0x156: {  	_ =	swait.ge [sflag:s6], $0x1F40  }
0x157: {  	[sflag:s6] =	ssyncset.done $0x0  }
0x158: {  	s19 =	simm.s32 $0x29C0;
	[sflag:s6] =	ssyncadd.s32 $0xFFFFE0C0  }
0x159: {  	[spmem:s3] =	stream.indirect.scatter.add.f32 [tilespmem:s4], [sflag:$0x2], $0x40, s19, s10, $0xb8;
	[tilespmem:$0xDFB0] =	vst v63  }
0x15a: {  	_ =	swait.ge [sflag:s6], $0x1F40  }
0x15b: {  	[sflag:s6] =	ssyncset.done $0x0  }
0x15c: {  	[sflag:s6] =	ssyncadd.s32 $0xFFFFE0C0  }
0x15d: {  	[spmem:s2] =	stream.indirect.scatter.add.f32 [tilespmem:s9], [sflag:$0x2], $0x8, s19, s10, $0xb8;
	[tilespmem:$0xDFB0] =	vst v63  }
0x15e: {  	_ =	swait.ge [sflag:s6], $0x3E8  }
0x15f: {  	s19 =	sld [smem:$0x7F8]  }
0x160: {  	[sflag:s6] =	ssyncset.done $0x0  }
0x161: {  	[sflag:s6] =	ssyncadd.s32 $0xFFFFFC18  }
0x162: {  	[tilespmem:s4], [sflag:$0x2] =	stream.linear.gather [hbm4b:s19+s4], $0x1F40, $0x38;
	[tilespmem:$0xDFB0] =	vst v63  }
0x163: {  	_ =	swait.ge [sflag:s6], $0x1F40  }
0x164: {  	[sflag:s6] =	ssyncset.done $0x0  }
0x165: {  	s19 =	simm.s32 $0x2A40;
	[sflag:s6] =	ssyncadd.s32 $0xFFFFE0C0  }
0x166: {  	[spmem:s3] =	stream.indirect.scatter.add.f32 [tilespmem:s4], [sflag:$0x2], $0x40, s19, s10, $0xb8;
	[tilespmem:$0xDFB0] =	vst v63  }
0x167: {  	_ =	swait.ge [sflag:s6], $0x1F40  }
0x168: {  	[sflag:s6] =	ssyncset.done $0x0  }
0x169: {  	[sflag:s6] =	ssyncadd.s32 $0xFFFFE0C0  }
0x16a: {  	[spmem:s2] =	stream.indirect.scatter.add.f32 [tilespmem:s9], [sflag:$0x2], $0x8, s19, s10, $0xb8;
	[tilespmem:$0xDFB0] =	vst v63  }
0x16b: {  	_ =	swait.ge [sflag:s6], $0x3E8  }
0x16c: {  	s19 =	sld [smem:$0x7F9]  }
0x16d: {  	[sflag:s6] =	ssyncset.done $0x0  }
0x16e: {  	[sflag:s6] =	ssyncadd.s32 $0xFFFFFC18  }
0x16f: {  	[tilespmem:s4], [sflag:$0x2] =	stream.linear.gather [hbm4b:s19+s4], $0x1F40, $0x38;
	[tilespmem:$0xDFB0] =	vst v63  }
0x170: {  	_ =	swait.ge [sflag:s6], $0x1F40  }
0x171: {  	[sflag:s6] =	ssyncset.done $0x0  }
0x172: {  	s19 =	simm.s32 $0x2AC0;
	[sflag:s6] =	ssyncadd.s32 $0xFFFFE0C0  }
0x173: {  	[spmem:s3] =	stream.indirect.scatter.add.f32 [tilespmem:s4], [sflag:$0x2], $0x40, s19, s10, $0xb8;
	[tilespmem:$0xDFB0] =	vst v63  }
0x174: {  	_ =	swait.ge [sflag:s6], $0x1F40  }
0x175: {  	[sflag:s6] =	ssyncset.done $0x0  }
0x176: {  	[sflag:s6] =	ssyncadd.s32 $0xFFFFE0C0  }
0x177: {  	[spmem:s2] =	stream.indirect.scatter.add.f32 [tilespmem:s9], [sflag:$0x2], $0x8, s19, s10, $0xb8;
	[tilespmem:$0xDFB0] =	vst v63  }
0x178: {  	_ =	swait.ge [sflag:s6], $0x3E8  }
0x179: {  	s19 =	sld [smem:$0x7FA]  }
0x17a: {  	[sflag:s6] =	ssyncset.done $0x0  }
0x17b: {  	[sflag:s6] =	ssyncadd.s32 $0xFFFFFC18  }
0x17c: {  	[tilespmem:s4], [sflag:$0x2] =	stream.linear.gather [hbm4b:s19+s4], $0x1F40, $0x38;
	[tilespmem:$0xDFB0] =	vst v63  }
0x17d: {  	_ =	swait.ge [sflag:s6], $0x1F40  }
0x17e: {  	[sflag:s6] =	ssyncset.done $0x0  }
0x17f: {  	s19 =	simm.s32 $0x2B40;
	[sflag:s6] =	ssyncadd.s32 $0xFFFFE0C0  }
0x180: {  	[spmem:s3] =	stream.indirect.scatter.add.f32 [tilespmem:s4], [sflag:$0x2], $0x40, s19, s10, $0xb8;
	[tilespmem:$0xDFB0] =	vst v63  }
0x181: {  	_ =	swait.ge [sflag:s6], $0x1F40  }
0x182: {  	[sflag:s6] =	ssyncset.done $0x0  }
0x183: {  	[sflag:s6] =	ssyncadd.s32 $0xFFFFE0C0  }
0x184: {  	[spmem:s2] =	stream.indirect.scatter.add.f32 [tilespmem:s9], [sflag:$0x2], $0x8, s19, s10, $0xb8;
	[tilespmem:$0xDFB0] =	vst v63  }
0x185: {  	_ =	swait.ge [sflag:s6], $0x3E8  }
0x186: {  	[sflag:s6] =	ssyncset.done $0x0  }
0x187: {  	[sflag:s6] =	ssyncadd.s32 $0xFFFFFC18  }
0x188: {  	[bflag:$0x0] =	sbarrier.arrive $0xFFFF  }
0x189: {  	s19 =	sld [smem:$0x7FB];
	_ =	sdelay $0x2  }
0x18a: {  	[hbm:s19], [sflag:s5] =	dma.local [spmem:s8], $0x1388  }
0x18b: {  	p1 =	sne.s32 s18, $0x1;
	_ =	swait.ge [sflag:s6], $0x1388  }
.Ltmp1:
0x18c: {  	s19 =	sld [smem:$0x7FC];
	(pc) =	sbr.rel @!p1 .LBB2_2-.Ltmp1, $4  }
0x18d: {  	[sflag:s6] =	ssyncset.done $0x0  }
0x18e: {  	[sflag:s6] =	ssyncadd.s32 $0xFFFFEC78  }
0x18f: {  	[hbm:s19], [sflag:s5] =	dma.local [spmem:s7], $0x271  }
0x190: {  	p0 =	por $0x1, $0x1;
	s17 =	sadd.s32 $0xFFFFFFFF, s18;
	_ =	swait.ge [sflag:s6], $0x271  }
.LBB2_3:
0x191: {  	[sflag:s6] =	ssyncset.done $0x0  }
0x192: {  	s18 =	rddreg [dreg:$0x8];
	[sflag:s6] =	ssyncadd.s32 $0xFFFFFD8F  }
0x193: {  	[spmem:s8], [sflag:s5] =	dma.local [hbm:s18], $0x1388  }
0x194: {  	_ =	swait.ge [sflag:s6], $0x1388  }
0x195: {  	[sflag:s6] =	ssyncset.done $0x0  }
0x196: {  	s19 =	rddreg [dreg:$0x9];
	[sflag:s6] =	ssyncadd.s32 $0xFFFFEC78  }
0x197: {  	[spmem:s7], [sflag:s5] =	dma.local [hbm:s19], $0x271  }
0x198: {  	_ =	swait.ge [sflag:s6], $0x271  }
0x199: {  	[sflag:s6] =	ssyncset.done $0x0  }
0x19a: {  	s19 =	rddreg [dreg:$0xa];
	[sflag:s6] =	ssyncadd.s32 $0xFFFFFD8F  }
0x19b: {  	[tilespmem:s13], [sflag:$0x2] =	stream.linear.gather [hbm4b:s19+s4], $0xC80, $0x38;
	[tilespmem:$0xDFB0] =	vst v63  }
0x19c: {  	_ =	swait.ge [sflag:s6], $0xC80  }
0x19d: {  	[sflag:s6] =	ssyncset.done $0x0  }
0x19e: {  	s19 =	rddreg [dreg:$0x7];
	[sflag:s6] =	ssyncadd.s32 $0xFFFFF380  }
0x19f: {  	[tilespmem:s9], [sflag:$0x2] =	stream.linear.gather [hbm4b:s19+s4], $0x3E8, $0x38;
	[tilespmem:$0xDFB0] =	vst v63  }
0x1a0: {  	_ =	swait.ge [sflag:s6], $0x3E8  }
0x1a1: {  	[sflag:s6] =	ssyncset.done $0x0  }
0x1a2: {  	s19 =	rddreg [dreg:$0xb];
	[sflag:s6] =	ssyncadd.s32 $0xFFFFFC18  }
0x1a3: {  	[tilespmem:s16], [sflag:$0x2] =	stream.linear.gather [hbm4b:s19+s4], $0x20, $0x38;
	[tilespmem:$0xDFB0] =	vst v63  }
0x1a4: {  	_ =	swait.ge [sflag:s6], $0x20  }
0x1a5: {  	s19 =	sld [smem:$0x7FD]  }
0x1a6: {  	[sflag:s6] =	ssyncset.done $0x0  }
0x1a7: {  	s18 =	rddreg [dreg:$0x6];
	[sflag:s6] =	ssyncadd.s32 $0xFFFFFFE0  }
0x1a8: {  	[tilespmem:s14], [sflag:$0x1] =	stream.indirect.gather [hbm4b:s18+s19], $0x1, s16, s19, $0xb8;
	[tilespmem:$0xDFB0] =	vst v63  }
0x1a9: {  	_ =	swait.ge [sflag:s15], $0x20  }
0x1aa: {  	[sflag:s15] =	ssyncset.done $0x0  }
0x1ab: {  	s19 =	rddreg [dreg:$0xc];
	[sflag:s15] =	ssyncadd.s32 $0xFFFFFFE0  }
0x1ac: {  	[hbm4b:s19+s4] =	stream.linear.scatter [tilespmem:s14], [sflag:$0x2], $0x20, $0x38;
	[tilespmem:$0xDFB0] =	vst v63  }
0x1ad: {  	_ =	swait.ge [sflag:s6], $0x20  }
0x1ae: {  	[sflag:s6] =	ssyncset.done $0x0  }
0x1af: {  	[sflag:s6] =	ssyncadd.s32 $0xFFFFFFE0  }
0x1b0: {  	[bflag:$0x0] =	sbarrier.arrive $0xFFFF  }
0x1b1: {  	s19 =	rddreg [dreg:$0xd]  }
0x1b2: {  	[tilespmem:s4], [sflag:$0x2] =	stream.linear.gather [hbm4b:s19+s4], $0x1F40, $0x38;
	[tilespmem:$0xDFB0] =	vst v63  }
0x1b3: {  	_ =	swait.ge [sflag:s6], $0x1F40  }
0x1b4: {  	[sflag:s6] =	ssyncset.done $0x0  }
0x1b5: {  	[sflag:s6] =	ssyncadd.s32 $0xFFFFE0C0  }
0x1b6: {  	[spmem:s3] =	stream.indirect.scatter.add.f32 [tilespmem:s4], [sflag:$0x2], $0x40, s13, s10, $0xb8;
	[tilespmem:$0xDFB0] =	vst v63  }
0x1b7: {  	_ =	swait.ge [sflag:s6], $0x1F40  }
0x1b8: {  	[sflag:s6] =	ssyncset.done $0x0  }
0x1b9: {  	[sflag:s6] =	ssyncadd.s32 $0xFFFFE0C0  }
0x1ba: {  	[spmem:s2] =	stream.indirect.scatter.add.f32 [tilespmem:s9], [sflag:$0x2], $0x8, s13, s10, $0xb8;
	[tilespmem:$0xDFB0] =	vst v63  }
0x1bb: {  	_ =	swait.ge [sflag:s6], $0x3E8  }
0x1bc: {  	[sflag:s6] =	ssyncset.done $0x0  }
0x1bd: {  	s19 =	rddreg [dreg:$0xe];
	[sflag:s6] =	ssyncadd.s32 $0xFFFFFC18  }
0x1be: {  	[tilespmem:s4], [sflag:$0x2] =	stream.linear.gather [hbm4b:s19+s4], $0x1F40, $0x38;
	[tilespmem:$0xDFB0] =	vst v63  }
0x1bf: {  	_ =	swait.ge [sflag:s6], $0x1F40  }
0x1c0: {  	[sflag:s6] =	ssyncset.done $0x0  }
0x1c1: {  	[sflag:s6] =	ssyncadd.s32 $0xFFFFE0C0  }
0x1c2: {  	[spmem:s3] =	stream.indirect.scatter.add.f32 [tilespmem:s4], [sflag:$0x2], $0x40, s12, s10, $0xb8;
	[tilespmem:$0xDFB0] =	vst v63  }
0x1c3: {  	_ =	swait.ge [sflag:s6], $0x1F40  }
0x1c4: {  	[sflag:s6] =	ssyncset.done $0x0  }
0x1c5: {  	[sflag:s6] =	ssyncadd.s32 $0xFFFFE0C0  }
0x1c6: {  	[spmem:s2] =	stream.indirect.scatter.add.f32 [tilespmem:s9], [sflag:$0x2], $0x8, s12, s10, $0xb8;
	[tilespmem:$0xDFB0] =	vst v63  }
0x1c7: {  	_ =	swait.ge [sflag:s6], $0x3E8  }
0x1c8: {  	[sflag:s6] =	ssyncset.done $0x0  }
0x1c9: {  	s19 =	rddreg [dreg:$0xf];
	[sflag:s6] =	ssyncadd.s32 $0xFFFFFC18  }
0x1ca: {  	[tilespmem:s4], [sflag:$0x2] =	stream.linear.gather [hbm4b:s19+s4], $0x1F40, $0x38;
	[tilespmem:$0xDFB0] =	vst v63  }
0x1cb: {  	_ =	swait.ge [sflag:s6], $0x1F40  }
0x1cc: {  	[sflag:s6] =	ssyncset.done $0x0  }
0x1cd: {  	[sflag:s6] =	ssyncadd.s32 $0xFFFFE0C0  }
0x1ce: {  	[spmem:s3] =	stream.indirect.scatter.add.f32 [tilespmem:s4], [sflag:$0x2], $0x40, s11, s10, $0xb8;
	[tilespmem:$0xDFB0] =	vst v63  }
0x1cf: {  	_ =	swait.ge [sflag:s6], $0x1F40  }
0x1d0: {  	[sflag:s6] =	ssyncset.done $0x0  }
0x1d1: {  	[sflag:s6] =	ssyncadd.s32 $0xFFFFE0C0  }
0x1d2: {  	[spmem:s2] =	stream.indirect.scatter.add.f32 [tilespmem:s9], [sflag:$0x2], $0x8, s11, s10, $0xb8;
	[tilespmem:$0xDFB0] =	vst v63  }
0x1d3: {  	_ =	swait.ge [sflag:s6], $0x3E8  }
0x1d4: {  	[sflag:s6] =	ssyncset.done $0x0  }
0x1d5: {  	s19 =	rddreg [dreg:$0x10];
	[sflag:s6] =	ssyncadd.s32 $0xFFFFFC18  }
0x1d6: {  	[tilespmem:s4], [sflag:$0x2] =	stream.linear.gather [hbm4b:s19+s4], $0x1F40, $0x38;
	[tilespmem:$0xDFB0] =	vst v63  }
0x1d7: {  	_ =	swait.ge [sflag:s6], $0x1F40  }
0x1d8: {  	[sflag:s6] =	ssyncset.done $0x0  }
0x1d9: {  	[sflag:s6] =	ssyncadd.s32 $0xFFFFE0C0  }
0x1da: {  	[spmem:s3] =	stream.indirect.scatter.add.f32 [tilespmem:s4], [sflag:$0x2], $0x40, s0, s10, $0xb8;
	[tilespmem:$0xDFB0] =	vst v63  }
0x1db: {  	_ =	swait.ge [sflag:s6], $0x1F40  }
0x1dc: {  	[sflag:s6] =	ssyncset.done $0x0  }
0x1dd: {  	[sflag:s6] =	ssyncadd.s32 $0xFFFFE0C0  }
0x1de: {  	[spmem:s2] =	stream.indirect.scatter.add.f32 [tilespmem:s9], [sflag:$0x2], $0x8, s0, s10, $0xb8;
	[tilespmem:$0xDFB0] =	vst v63  }
0x1df: {  	_ =	swait.ge [sflag:s6], $0x3E8  }
0x1e0: {  	[sflag:s6] =	ssyncset.done $0x0  }
0x1e1: {  	s19 =	rddreg [dreg:$0x11];
	[sflag:s6] =	ssyncadd.s32 $0xFFFFFC18  }
0x1e2: {  	[tilespmem:s4], [sflag:$0x2] =	stream.linear.gather [hbm4b:s19+s4], $0x1F40, $0x38;
	[tilespmem:$0xDFB0] =	vst v63  }
0x1e3: {  	_ =	swait.ge [sflag:s6], $0x1F40  }
0x1e4: {  	[sflag:s6] =	ssyncset.done $0x0  }
0x1e5: {  	[sflag:s6] =	ssyncadd.s32 $0xFFFFE0C0  }
0x1e6: {  	[spmem:s3] =	stream.indirect.scatter.add.f32 [tilespmem:s4], [sflag:$0x2], $0x40, s1, s10, $0xb8;
	[tilespmem:$0xDFB0] =	vst v63  }
0x1e7: {  	_ =	swait.ge [sflag:s6], $0x1F40  }
0x1e8: {  	[sflag:s6] =	ssyncset.done $0x0  }
0x1e9: {  	[sflag:s6] =	ssyncadd.s32 $0xFFFFE0C0  }
0x1ea: {  	[spmem:s2] =	stream.indirect.scatter.add.f32 [tilespmem:s9], [sflag:$0x2], $0x8, s1, s10, $0xb8;
	[tilespmem:$0xDFB0] =	vst v63  }
0x1eb: {  	_ =	swait.ge [sflag:s6], $0x3E8  }
0x1ec: {  	[sflag:s6] =	ssyncset.done $0x0  }
0x1ed: {  	s19 =	rddreg [dreg:$0x12];
	[sflag:s6] =	ssyncadd.s32 $0xFFFFFC18  }
0x1ee: {  	[tilespmem:s4], [sflag:$0x2] =	stream.linear.gather [hbm4b:s19+s4], $0x1F40, $0x38;
	[tilespmem:$0xDFB0] =	vst v63  }
0x1ef: {  	_ =	swait.ge [sflag:s6], $0x1F40  }
0x1f0: {  	[sflag:s6] =	ssyncset.done $0x0  }
0x1f1: {  	[sflag:s6] =	ssyncadd.s32 $0xFFFFE0C0  }
0x1f2: {  	[spmem:s3] =	stream.indirect.scatter.add.f32 [tilespmem:s4], [sflag:$0x2], $0x40, s31, s10, $0xb8;
	[tilespmem:$0xDFB0] =	vst v63  }
0x1f3: {  	_ =	swait.ge [sflag:s6], $0x1F40  }
0x1f4: {  	[sflag:s6] =	ssyncset.done $0x0  }
0x1f5: {  	[sflag:s6] =	ssyncadd.s32 $0xFFFFE0C0  }
0x1f6: {  	[spmem:s2] =	stream.indirect.scatter.add.f32 [tilespmem:s9], [sflag:$0x2], $0x8, s31, s10, $0xb8;
	[tilespmem:$0xDFB0] =	vst v63  }
0x1f7: {  	_ =	swait.ge [sflag:s6], $0x3E8  }
0x1f8: {  	[sflag:s6] =	ssyncset.done $0x0  }
0x1f9: {  	s19 =	rddreg [dreg:$0x13];
	[sflag:s6] =	ssyncadd.s32 $0xFFFFFC18  }
0x1fa: {  	[tilespmem:s4], [sflag:$0x2] =	stream.linear.gather [hbm4b:s19+s4], $0x1F40, $0x38;
	[tilespmem:$0xDFB0] =	vst v63  }
0x1fb: {  	_ =	swait.ge [sflag:s6], $0x1F40  }
0x1fc: {  	[sflag:s6] =	ssyncset.done $0x0  }
0x1fd: {  	[sflag:s6] =	ssyncadd.s32 $0xFFFFE0C0  }
0x1fe: {  	[spmem:s3] =	stream.indirect.scatter.add.f32 [tilespmem:s4], [sflag:$0x2], $0x40, s30, s10, $0xb8;
	[tilespmem:$0xDFB0] =	vst v63  }
0x1ff: {  	_ =	swait.ge [sflag:s6], $0x1F40  }
0x200: {  	[sflag:s6] =	ssyncset.done $0x0  }
0x201: {  	[sflag:s6] =	ssyncadd.s32 $0xFFFFE0C0  }
0x202: {  	[spmem:s2] =	stream.indirect.scatter.add.f32 [tilespmem:s9], [sflag:$0x2], $0x8, s30, s10, $0xb8;
	[tilespmem:$0xDFB0] =	vst v63  }
0x203: {  	_ =	swait.ge [sflag:s6], $0x3E8  }
0x204: {  	[sflag:s6] =	ssyncset.done $0x0  }
0x205: {  	s19 =	rddreg [dreg:$0x14];
	[sflag:s6] =	ssyncadd.s32 $0xFFFFFC18  }
0x206: {  	[tilespmem:s4], [sflag:$0x2] =	stream.linear.gather [hbm4b:s19+s4], $0x1F40, $0x38;
	[tilespmem:$0xDFB0] =	vst v63  }
0x207: {  	_ =	swait.ge [sflag:s6], $0x1F40  }
0x208: {  	[sflag:s6] =	ssyncset.done $0x0  }
0x209: {  	[sflag:s6] =	ssyncadd.s32 $0xFFFFE0C0  }
0x20a: {  	[spmem:s3] =	stream.indirect.scatter.add.f32 [tilespmem:s4], [sflag:$0x2], $0x40, s29, s10, $0xb8;
	[tilespmem:$0xDFB0] =	vst v63  }
0x20b: {  	_ =	swait.ge [sflag:s6], $0x1F40  }
0x20c: {  	[sflag:s6] =	ssyncset.done $0x0  }
0x20d: {  	[sflag:s6] =	ssyncadd.s32 $0xFFFFE0C0  }
0x20e: {  	[spmem:s2] =	stream.indirect.scatter.add.f32 [tilespmem:s9], [sflag:$0x2], $0x8, s29, s10, $0xb8;
	[tilespmem:$0xDFB0] =	vst v63  }
0x20f: {  	_ =	swait.ge [sflag:s6], $0x3E8  }
0x210: {  	[sflag:s6] =	ssyncset.done $0x0  }
0x211: {  	s19 =	rddreg [dreg:$0x15];
	[sflag:s6] =	ssyncadd.s32 $0xFFFFFC18  }
0x212: {  	[tilespmem:s4], [sflag:$0x2] =	stream.linear.gather [hbm4b:s19+s4], $0x1F40, $0x38;
	[tilespmem:$0xDFB0] =	vst v63  }
0x213: {  	_ =	swait.ge [sflag:s6], $0x1F40  }
0x214: {  	[sflag:s6] =	ssyncset.done $0x0  }
0x215: {  	[sflag:s6] =	ssyncadd.s32 $0xFFFFE0C0  }
0x216: {  	[spmem:s3] =	stream.indirect.scatter.add.f32 [tilespmem:s4], [sflag:$0x2], $0x40, s28, s10, $0xb8;
	[tilespmem:$0xDFB0] =	vst v63  }
0x217: {  	_ =	swait.ge [sflag:s6], $0x1F40  }
0x218: {  	[sflag:s6] =	ssyncset.done $0x0  }
0x219: {  	[sflag:s6] =	ssyncadd.s32 $0xFFFFE0C0  }
0x21a: {  	[spmem:s2] =	stream.indirect.scatter.add.f32 [tilespmem:s9], [sflag:$0x2], $0x8, s28, s10, $0xb8;
	[tilespmem:$0xDFB0] =	vst v63  }
0x21b: {  	_ =	swait.ge [sflag:s6], $0x3E8  }
0x21c: {  	[sflag:s6] =	ssyncset.done $0x0  }
0x21d: {  	s19 =	rddreg [dreg:$0x16];
	[sflag:s6] =	ssyncadd.s32 $0xFFFFFC18  }
0x21e: {  	[tilespmem:s4], [sflag:$0x2] =	stream.linear.gather [hbm4b:s19+s4], $0x1F40, $0x38;
	[tilespmem:$0xDFB0] =	vst v63  }
0x21f: {  	_ =	swait.ge [sflag:s6], $0x1F40  }
0x220: {  	[sflag:s6] =	ssyncset.done $0x0  }
0x221: {  	[sflag:s6] =	ssyncadd.s32 $0xFFFFE0C0  }
0x222: {  	[spmem:s3] =	stream.indirect.scatter.add.f32 [tilespmem:s4], [sflag:$0x2], $0x40, s26, s10, $0xb8;
	[tilespmem:$0xDFB0] =	vst v63  }
0x223: {  	_ =	swait.ge [sflag:s6], $0x1F40  }
0x224: {  	[sflag:s6] =	ssyncset.done $0x0  }
0x225: {  	[sflag:s6] =	ssyncadd.s32 $0xFFFFE0C0  }
0x226: {  	[spmem:s2] =	stream.indirect.scatter.add.f32 [tilespmem:s9], [sflag:$0x2], $0x8, s26, s10, $0xb8;
	[tilespmem:$0xDFB0] =	vst v63  }
0x227: {  	_ =	swait.ge [sflag:s6], $0x3E8  }
0x228: {  	[sflag:s6] =	ssyncset.done $0x0  }
0x229: {  	s19 =	rddreg [dreg:$0x17];
	[sflag:s6] =	ssyncadd.s32 $0xFFFFFC18  }
0x22a: {  	[tilespmem:s4], [sflag:$0x2] =	stream.linear.gather [hbm4b:s19+s4], $0x1F40, $0x38;
	[tilespmem:$0xDFB0] =	vst v63  }
0x22b: {  	_ =	swait.ge [sflag:s6], $0x1F40  }
0x22c: {  	[sflag:s6] =	ssyncset.done $0x0  }
0x22d: {  	[sflag:s6] =	ssyncadd.s32 $0xFFFFE0C0  }
0x22e: {  	[spmem:s3] =	stream.indirect.scatter.add.f32 [tilespmem:s4], [sflag:$0x2], $0x40, s25, s10, $0xb8;
	[tilespmem:$0xDFB0] =	vst v63  }
0x22f: {  	_ =	swait.ge [sflag:s6], $0x1F40  }
0x230: {  	[sflag:s6] =	ssyncset.done $0x0  }
0x231: {  	[sflag:s6] =	ssyncadd.s32 $0xFFFFE0C0  }
0x232: {  	[spmem:s2] =	stream.indirect.scatter.add.f32 [tilespmem:s9], [sflag:$0x2], $0x8, s25, s10, $0xb8;
	[tilespmem:$0xDFB0] =	vst v63  }
0x233: {  	_ =	swait.ge [sflag:s6], $0x3E8  }
0x234: {  	[sflag:s6] =	ssyncset.done $0x0  }
0x235: {  	s19 =	rddreg [dreg:$0x18];
	[sflag:s6] =	ssyncadd.s32 $0xFFFFFC18  }
0x236: {  	[tilespmem:s4], [sflag:$0x2] =	stream.linear.gather [hbm4b:s19+s4], $0x1F40, $0x38;
	[tilespmem:$0xDFB0] =	vst v63  }
0x237: {  	_ =	swait.ge [sflag:s6], $0x1F40  }
0x238: {  	[sflag:s6] =	ssyncset.done $0x0  }
0x239: {  	[sflag:s6] =	ssyncadd.s32 $0xFFFFE0C0  }
0x23a: {  	[spmem:s3] =	stream.indirect.scatter.add.f32 [tilespmem:s4], [sflag:$0x2], $0x40, s24, s10, $0xb8;
	[tilespmem:$0xDFB0] =	vst v63  }
0x23b: {  	_ =	swait.ge [sflag:s6], $0x1F40  }
0x23c: {  	[sflag:s6] =	ssyncset.done $0x0  }
0x23d: {  	[sflag:s6] =	ssyncadd.s32 $0xFFFFE0C0  }
0x23e: {  	[spmem:s2] =	stream.indirect.scatter.add.f32 [tilespmem:s9], [sflag:$0x2], $0x8, s24, s10, $0xb8;
	[tilespmem:$0xDFB0] =	vst v63  }
0x23f: {  	_ =	swait.ge [sflag:s6], $0x3E8  }
0x240: {  	[sflag:s6] =	ssyncset.done $0x0  }
0x241: {  	s19 =	rddreg [dreg:$0x19];
	[sflag:s6] =	ssyncadd.s32 $0xFFFFFC18  }
0x242: {  	[tilespmem:s4], [sflag:$0x2] =	stream.linear.gather [hbm4b:s19+s4], $0x1F40, $0x38;
	[tilespmem:$0xDFB0] =	vst v63  }
0x243: {  	_ =	swait.ge [sflag:s6], $0x1F40  }
0x244: {  	[sflag:s6] =	ssyncset.done $0x0  }
0x245: {  	[sflag:s6] =	ssyncadd.s32 $0xFFFFE0C0  }
0x246: {  	[spmem:s3] =	stream.indirect.scatter.add.f32 [tilespmem:s4], [sflag:$0x2], $0x40, s23, s10, $0xb8;
	[tilespmem:$0xDFB0] =	vst v63  }
0x247: {  	_ =	swait.ge [sflag:s6], $0x1F40  }
0x248: {  	[sflag:s6] =	ssyncset.done $0x0  }
0x249: {  	[sflag:s6] =	ssyncadd.s32 $0xFFFFE0C0  }
0x24a: {  	[spmem:s2] =	stream.indirect.scatter.add.f32 [tilespmem:s9], [sflag:$0x2], $0x8, s23, s10, $0xb8;
	[tilespmem:$0xDFB0] =	vst v63  }
0x24b: {  	_ =	swait.ge [sflag:s6], $0x3E8  }
0x24c: {  	[sflag:s6] =	ssyncset.done $0x0  }
0x24d: {  	s19 =	rddreg [dreg:$0x1a];
	[sflag:s6] =	ssyncadd.s32 $0xFFFFFC18  }
0x24e: {  	[tilespmem:s4], [sflag:$0x2] =	stream.linear.gather [hbm4b:s19+s4], $0x1F40, $0x38;
	[tilespmem:$0xDFB0] =	vst v63  }
0x24f: {  	_ =	swait.ge [sflag:s6], $0x1F40  }
0x250: {  	[sflag:s6] =	ssyncset.done $0x0  }
0x251: {  	[sflag:s6] =	ssyncadd.s32 $0xFFFFE0C0  }
0x252: {  	[spmem:s3] =	stream.indirect.scatter.add.f32 [tilespmem:s4], [sflag:$0x2], $0x40, s22, s10, $0xb8;
	[tilespmem:$0xDFB0] =	vst v63  }
0x253: {  	_ =	swait.ge [sflag:s6], $0x1F40  }
0x254: {  	[sflag:s6] =	ssyncset.done $0x0  }
0x255: {  	[sflag:s6] =	ssyncadd.s32 $0xFFFFE0C0  }
0x256: {  	[spmem:s2] =	stream.indirect.scatter.add.f32 [tilespmem:s9], [sflag:$0x2], $0x8, s22, s10, $0xb8;
	[tilespmem:$0xDFB0] =	vst v63  }
0x257: {  	_ =	swait.ge [sflag:s6], $0x3E8  }
0x258: {  	[sflag:s6] =	ssyncset.done $0x0  }
0x259: {  	s19 =	rddreg [dreg:$0x1b];
	[sflag:s6] =	ssyncadd.s32 $0xFFFFFC18  }
0x25a: {  	[tilespmem:s4], [sflag:$0x2] =	stream.linear.gather [hbm4b:s19+s4], $0x1F40, $0x38;
	[tilespmem:$0xDFB0] =	vst v63  }
0x25b: {  	_ =	swait.ge [sflag:s6], $0x1F40  }
0x25c: {  	[sflag:s6] =	ssyncset.done $0x0  }
0x25d: {  	[sflag:s6] =	ssyncadd.s32 $0xFFFFE0C0  }
0x25e: {  	[spmem:s3] =	stream.indirect.scatter.add.f32 [tilespmem:s4], [sflag:$0x2], $0x40, s21, s10, $0xb8;
	[tilespmem:$0xDFB0] =	vst v63  }
0x25f: {  	_ =	swait.ge [sflag:s6], $0x1F40  }
0x260: {  	[sflag:s6] =	ssyncset.done $0x0  }
0x261: {  	[sflag:s6] =	ssyncadd.s32 $0xFFFFE0C0  }
0x262: {  	[spmem:s2] =	stream.indirect.scatter.add.f32 [tilespmem:s9], [sflag:$0x2], $0x8, s21, s10, $0xb8;
	[tilespmem:$0xDFB0] =	vst v63  }
0x263: {  	_ =	swait.ge [sflag:s6], $0x3E8  }
0x264: {  	[sflag:s6] =	ssyncset.done $0x0  }
0x265: {  	s19 =	rddreg [dreg:$0x1c];
	[sflag:s6] =	ssyncadd.s32 $0xFFFFFC18  }
0x266: {  	[tilespmem:s4], [sflag:$0x2] =	stream.linear.gather [hbm4b:s19+s4], $0x1F40, $0x38;
	[tilespmem:$0xDFB0] =	vst v63  }
0x267: {  	_ =	swait.ge [sflag:s6], $0x1F40  }
0x268: {  	[sflag:s6] =	ssyncset.done $0x0  }
0x269: {  	[sflag:s6] =	ssyncadd.s32 $0xFFFFE0C0  }
0x26a: {  	[spmem:s3] =	stream.indirect.scatter.add.f32 [tilespmem:s4], [sflag:$0x2], $0x40, s20, s10, $0xb8;
	[tilespmem:$0xDFB0] =	vst v63  }
0x26b: {  	_ =	swait.ge [sflag:s6], $0x1F40  }
0x26c: {  	[sflag:s6] =	ssyncset.done $0x0  }
0x26d: {  	[sflag:s6] =	ssyncadd.s32 $0xFFFFE0C0  }
0x26e: {  	[spmem:s2] =	stream.indirect.scatter.add.f32 [tilespmem:s9], [sflag:$0x2], $0x8, s20, s10, $0xb8;
	[tilespmem:$0xDFB0] =	vst v63  }
0x26f: {  	_ =	swait.ge [sflag:s6], $0x3E8  }
0x270: {  	[sflag:s6] =	ssyncset.done $0x0  }
0x271: {  	s19 =	rddreg [dreg:$0x1d];
	[sflag:s6] =	ssyncadd.s32 $0xFFFFFC18  }
0x272: {  	[tilespmem:s4], [sflag:$0x2] =	stream.linear.gather [hbm4b:s19+s4], $0x1F40, $0x38;
	[tilespmem:$0xDFB0] =	vst v63  }
0x273: {  	_ =	swait.ge [sflag:s6], $0x1F40  }
0x274: {  	[sflag:s6] =	ssyncset.done $0x0  }
0x275: {  	s19 =	simm.s32 $0x2740;
	[sflag:s6] =	ssyncadd.s32 $0xFFFFE0C0  }
0x276: {  	[spmem:s3] =	stream.indirect.scatter.add.f32 [tilespmem:s4], [sflag:$0x2], $0x40, s19, s10, $0xb8;
	[tilespmem:$0xDFB0] =	vst v63  }
0x277: {  	_ =	swait.ge [sflag:s6], $0x1F40  }
0x278: {  	[sflag:s6] =	ssyncset.done $0x0  }
0x279: {  	[sflag:s6] =	ssyncadd.s32 $0xFFFFE0C0  }
0x27a: {  	[spmem:s2] =	stream.indirect.scatter.add.f32 [tilespmem:s9], [sflag:$0x2], $0x8, s19, s10, $0xb8;
	[tilespmem:$0xDFB0] =	vst v63  }
0x27b: {  	_ =	swait.ge [sflag:s6], $0x3E8  }
0x27c: {  	[sflag:s6] =	ssyncset.done $0x0  }
0x27d: {  	s19 =	rddreg [dreg:$0x1e];
	[sflag:s6] =	ssyncadd.s32 $0xFFFFFC18  }
0x27e: {  	[tilespmem:s4], [sflag:$0x2] =	stream.linear.gather [hbm4b:s19+s4], $0x1F40, $0x38;
	[tilespmem:$0xDFB0] =	vst v63  }
0x27f: {  	_ =	swait.ge [sflag:s6], $0x1F40  }
0x280: {  	[sflag:s6] =	ssyncset.done $0x0  }
0x281: {  	s19 =	simm.s32 $0x27C0;
	[sflag:s6] =	ssyncadd.s32 $0xFFFFE0C0  }
0x282: {  	[spmem:s3] =	stream.indirect.scatter.add.f32 [tilespmem:s4], [sflag:$0x2], $0x40, s19, s10, $0xb8;
	[tilespmem:$0xDFB0] =	vst v63  }
0x283: {  	_ =	swait.ge [sflag:s6], $0x1F40  }
0x284: {  	[sflag:s6] =	ssyncset.done $0x0  }
0x285: {  	[sflag:s6] =	ssyncadd.s32 $0xFFFFE0C0  }
0x286: {  	[spmem:s2] =	stream.indirect.scatter.add.f32 [tilespmem:s9], [sflag:$0x2], $0x8, s19, s10, $0xb8;
	[tilespmem:$0xDFB0] =	vst v63  }
0x287: {  	_ =	swait.ge [sflag:s6], $0x3E8  }
0x288: {  	[sflag:s6] =	ssyncset.done $0x0  }
0x289: {  	s19 =	rddreg [dreg:$0x1f];
	[sflag:s6] =	ssyncadd.s32 $0xFFFFFC18  }
0x28a: {  	[tilespmem:s4], [sflag:$0x2] =	stream.linear.gather [hbm4b:s19+s4], $0x1F40, $0x38;
	[tilespmem:$0xDFB0] =	vst v63  }
0x28b: {  	_ =	swait.ge [sflag:s6], $0x1F40  }
0x28c: {  	[sflag:s6] =	ssyncset.done $0x0  }
0x28d: {  	s19 =	simm.s32 $0x2840;
	[sflag:s6] =	ssyncadd.s32 $0xFFFFE0C0  }
0x28e: {  	[spmem:s3] =	stream.indirect.scatter.add.f32 [tilespmem:s4], [sflag:$0x2], $0x40, s19, s10, $0xb8;
	[tilespmem:$0xDFB0] =	vst v63  }
0x28f: {  	_ =	swait.ge [sflag:s6], $0x1F40  }
0x290: {  	[sflag:s6] =	ssyncset.done $0x0  }
0x291: {  	[sflag:s6] =	ssyncadd.s32 $0xFFFFE0C0  }
0x292: {  	[spmem:s2] =	stream.indirect.scatter.add.f32 [tilespmem:s9], [sflag:$0x2], $0x8, s19, s10, $0xb8;
	[tilespmem:$0xDFB0] =	vst v63  }
0x293: {  	_ =	swait.ge [sflag:s6], $0x3E8  }
0x294: {  	s19 =	sld [smem:$0x7F5]  }
0x295: {  	[sflag:s6] =	ssyncset.done $0x0  }
0x296: {  	[sflag:s6] =	ssyncadd.s32 $0xFFFFFC18  }
0x297: {  	[tilespmem:s4], [sflag:$0x2] =	stream.linear.gather [hbm4b:s19+s4], $0x1F40, $0x38;
	[tilespmem:$0xDFB0] =	vst v63  }
0x298: {  	_ =	swait.ge [sflag:s6], $0x1F40  }
0x299: {  	[sflag:s6] =	ssyncset.done $0x0  }
0x29a: {  	s19 =	simm.s32 $0x28C0;
	[sflag:s6] =	ssyncadd.s32 $0xFFFFE0C0  }
0x29b: {  	[spmem:s3] =	stream.indirect.scatter.add.f32 [tilespmem:s4], [sflag:$0x2], $0x40, s19, s10, $0xb8;
	[tilespmem:$0xDFB0] =	vst v63  }
0x29c: {  	_ =	swait.ge [sflag:s6], $0x1F40  }
0x29d: {  	[sflag:s6] =	ssyncset.done $0x0  }
0x29e: {  	[sflag:s6] =	ssyncadd.s32 $0xFFFFE0C0  }
0x29f: {  	[spmem:s2] =	stream.indirect.scatter.add.f32 [tilespmem:s9], [sflag:$0x2], $0x8, s19, s10, $0xb8;
	[tilespmem:$0xDFB0] =	vst v63  }
0x2a0: {  	_ =	swait.ge [sflag:s6], $0x3E8  }
0x2a1: {  	s19 =	sld [smem:$0x7F6]  }
0x2a2: {  	[sflag:s6] =	ssyncset.done $0x0  }
0x2a3: {  	[sflag:s6] =	ssyncadd.s32 $0xFFFFFC18  }
0x2a4: {  	[tilespmem:s4], [sflag:$0x2] =	stream.linear.gather [hbm4b:s19+s4], $0x1F40, $0x38;
	[tilespmem:$0xDFB0] =	vst v63  }
0x2a5: {  	_ =	swait.ge [sflag:s6], $0x1F40  }
0x2a6: {  	[sflag:s6] =	ssyncset.done $0x0  }
0x2a7: {  	s19 =	simm.s32 $0x2940;
	[sflag:s6] =	ssyncadd.s32 $0xFFFFE0C0  }
0x2a8: {  	[spmem:s3] =	stream.indirect.scatter.add.f32 [tilespmem:s4], [sflag:$0x2], $0x40, s19, s10, $0xb8;
	[tilespmem:$0xDFB0] =	vst v63  }
0x2a9: {  	_ =	swait.ge [sflag:s6], $0x1F40  }
0x2aa: {  	[sflag:s6] =	ssyncset.done $0x0  }
0x2ab: {  	[sflag:s6] =	ssyncadd.s32 $0xFFFFE0C0  }
0x2ac: {  	[spmem:s2] =	stream.indirect.scatter.add.f32 [tilespmem:s9], [sflag:$0x2], $0x8, s19, s10, $0xb8;
	[tilespmem:$0xDFB0] =	vst v63  }
0x2ad: {  	_ =	swait.ge [sflag:s6], $0x3E8  }
0x2ae: {  	s19 =	sld [smem:$0x7F7]  }
0x2af: {  	[sflag:s6] =	ssyncset.done $0x0  }
0x2b0: {  	[sflag:s6] =	ssyncadd.s32 $0xFFFFFC18  }
0x2b1: {  	[tilespmem:s4], [sflag:$0x2] =	stream.linear.gather [hbm4b:s19+s4], $0x1F40, $0x38;
	[tilespmem:$0xDFB0] =	vst v63  }
0x2b2: {  	_ =	swait.ge [sflag:s6], $0x1F40  }
0x2b3: {  	[sflag:s6] =	ssyncset.done $0x0  }
0x2b4: {  	s19 =	simm.s32 $0x29C0;
	[sflag:s6] =	ssyncadd.s32 $0xFFFFE0C0  }
0x2b5: {  	[spmem:s3] =	stream.indirect.scatter.add.f32 [tilespmem:s4], [sflag:$0x2], $0x40, s19, s10, $0xb8;
	[tilespmem:$0xDFB0] =	vst v63  }
0x2b6: {  	_ =	swait.ge [sflag:s6], $0x1F40  }
0x2b7: {  	[sflag:s6] =	ssyncset.done $0x0  }
0x2b8: {  	[sflag:s6] =	ssyncadd.s32 $0xFFFFE0C0  }
0x2b9: {  	[spmem:s2] =	stream.indirect.scatter.add.f32 [tilespmem:s9], [sflag:$0x2], $0x8, s19, s10, $0xb8;
	[tilespmem:$0xDFB0] =	vst v63  }
0x2ba: {  	_ =	swait.ge [sflag:s6], $0x3E8  }
0x2bb: {  	s19 =	sld [smem:$0x7F8]  }
0x2bc: {  	[sflag:s6] =	ssyncset.done $0x0  }
0x2bd: {  	[sflag:s6] =	ssyncadd.s32 $0xFFFFFC18  }
0x2be: {  	[tilespmem:s4], [sflag:$0x2] =	stream.linear.gather [hbm4b:s19+s4], $0x1F40, $0x38;
	[tilespmem:$0xDFB0] =	vst v63  }
0x2bf: {  	_ =	swait.ge [sflag:s6], $0x1F40  }
0x2c0: {  	[sflag:s6] =	ssyncset.done $0x0  }
0x2c1: {  	s19 =	simm.s32 $0x2A40;
	[sflag:s6] =	ssyncadd.s32 $0xFFFFE0C0  }
0x2c2: {  	[spmem:s3] =	stream.indirect.scatter.add.f32 [tilespmem:s4], [sflag:$0x2], $0x40, s19, s10, $0xb8;
	[tilespmem:$0xDFB0] =	vst v63  }
0x2c3: {  	_ =	swait.ge [sflag:s6], $0x1F40  }
0x2c4: {  	[sflag:s6] =	ssyncset.done $0x0  }
0x2c5: {  	[sflag:s6] =	ssyncadd.s32 $0xFFFFE0C0  }
0x2c6: {  	[spmem:s2] =	stream.indirect.scatter.add.f32 [tilespmem:s9], [sflag:$0x2], $0x8, s19, s10, $0xb8;
	[tilespmem:$0xDFB0] =	vst v63  }
0x2c7: {  	_ =	swait.ge [sflag:s6], $0x3E8  }
0x2c8: {  	s19 =	sld [smem:$0x7F9]  }
0x2c9: {  	[sflag:s6] =	ssyncset.done $0x0  }
0x2ca: {  	[sflag:s6] =	ssyncadd.s32 $0xFFFFFC18  }
0x2cb: {  	[tilespmem:s4], [sflag:$0x2] =	stream.linear.gather [hbm4b:s19+s4], $0x1F40, $0x38;
	[tilespmem:$0xDFB0] =	vst v63  }
0x2cc: {  	_ =	swait.ge [sflag:s6], $0x1F40  }
0x2cd: {  	[sflag:s6] =	ssyncset.done $0x0  }
0x2ce: {  	s19 =	simm.s32 $0x2AC0;
	[sflag:s6] =	ssyncadd.s32 $0xFFFFE0C0  }
0x2cf: {  	[spmem:s3] =	stream.indirect.scatter.add.f32 [tilespmem:s4], [sflag:$0x2], $0x40, s19, s10, $0xb8;
	[tilespmem:$0xDFB0] =	vst v63  }
0x2d0: {  	_ =	swait.ge [sflag:s6], $0x1F40  }
0x2d1: {  	[sflag:s6] =	ssyncset.done $0x0  }
0x2d2: {  	[sflag:s6] =	ssyncadd.s32 $0xFFFFE0C0  }
0x2d3: {  	[spmem:s2] =	stream.indirect.scatter.add.f32 [tilespmem:s9], [sflag:$0x2], $0x8, s19, s10, $0xb8;
	[tilespmem:$0xDFB0] =	vst v63  }
0x2d4: {  	_ =	swait.ge [sflag:s6], $0x3E8  }
0x2d5: {  	s19 =	sld [smem:$0x7FA]  }
0x2d6: {  	[sflag:s6] =	ssyncset.done $0x0  }
0x2d7: {  	[sflag:s6] =	ssyncadd.s32 $0xFFFFFC18  }
0x2d8: {  	[tilespmem:s4], [sflag:$0x2] =	stream.linear.gather [hbm4b:s19+s4], $0x1F40, $0x38;
	[tilespmem:$0xDFB0] =	vst v63  }
0x2d9: {  	_ =	swait.ge [sflag:s6], $0x1F40  }
0x2da: {  	[sflag:s6] =	ssyncset.done $0x0  }
0x2db: {  	s19 =	simm.s32 $0x2B40;
	[sflag:s6] =	ssyncadd.s32 $0xFFFFE0C0  }
0x2dc: {  	[spmem:s3] =	stream.indirect.scatter.add.f32 [tilespmem:s4], [sflag:$0x2], $0x40, s19, s10, $0xb8;
	[tilespmem:$0xDFB0] =	vst v63  }
0x2dd: {  	_ =	swait.ge [sflag:s6], $0x1F40  }
0x2de: {  	[sflag:s6] =	ssyncset.done $0x0  }
0x2df: {  	[sflag:s6] =	ssyncadd.s32 $0xFFFFE0C0  }
0x2e0: {  	[spmem:s2] =	stream.indirect.scatter.add.f32 [tilespmem:s9], [sflag:$0x2], $0x8, s19, s10, $0xb8;
	[tilespmem:$0xDFB0] =	vst v63  }
0x2e1: {  	_ =	swait.ge [sflag:s6], $0x3E8  }
0x2e2: {  	[sflag:s6] =	ssyncset.done $0x0  }
0x2e3: {  	[sflag:s6] =	ssyncadd.s32 $0xFFFFFC18  }
0x2e4: {  	[bflag:$0x0] =	sbarrier.arrive $0xFFFF  }
0x2e5: {  	s19 =	sld [smem:$0x7FB];
	_ =	sdelay $0x2  }
0x2e6: {  	[hbm:s19], [sflag:s5] =	dma.local [spmem:s8], $0x1388  }
0x2e7: {  	p1 =	sne.s32 s17, $0x1;
	_ =	swait.ge [sflag:s6], $0x1388  }
.Ltmp2:
0x2e8: {  	s19 =	sld [smem:$0x7FC];
	(pc) =	sbr.rel @p1 .LBB2_3-.Ltmp2, $4  }
0x2e9: {  	[sflag:s6] =	ssyncset.done $0x0  }
0x2ea: {  	[sflag:s6] =	ssyncadd.s32 $0xFFFFEC78  }
0x2eb: {  	[hbm:s19], [sflag:s5] =	dma.local [spmem:s7], $0x271  }
0x2ec: {  	s17 =	sadd.s32 $0xFFFFFFFF, s17;
	_ =	swait.ge [sflag:s6], $0x271  }
0x2ed: {  	s19 =	stileid.u32  }
.LBB2_5:
0x2ee: {  	[sflag:s6] =	ssyncset.done @p0 $0x0  }
0x2ef: {  	s17 =	rddreg [dreg:$0x8];
	[sflag:s6] =	ssyncadd.s32 @p0 $0xFFFFFD8F  }
0x2f0: {  	[spmem:s8], [sflag:s5] =	dma.local [hbm:s17], $0x1388  }
0x2f1: {  	_ =	swait.ge [sflag:s6], $0x1388  }
0x2f2: {  	[sflag:s6] =	ssyncset.done $0x0  }
0x2f3: {  	s18 =	rddreg [dreg:$0x9];
	[sflag:s6] =	ssyncadd.s32 $0xFFFFEC78  }
0x2f4: {  	[spmem:s7], [sflag:s5] =	dma.local [hbm:s18], $0x271  }
0x2f5: {  	_ =	swait.ge [sflag:s6], $0x271  }
0x2f6: {  	[sflag:s6] =	ssyncset.done $0x0  }
0x2f7: {  	s18 =	rddreg [dreg:$0xa];
	[sflag:s6] =	ssyncadd.s32 $0xFFFFFD8F  }
0x2f8: {  	[tilespmem:s13], [sflag:$0x2] =	stream.linear.gather [hbm4b:s18+s4], $0xC80, $0x38;
	[tilespmem:$0xDFB0] =	vst v63  }
0x2f9: {  	_ =	swait.ge [sflag:s6], $0xC80  }
0x2fa: {  	[sflag:s6] =	ssyncset.done $0x0  }
0x2fb: {  	s18 =	rddreg [dreg:$0x7];
	[sflag:s6] =	ssyncadd.s32 $0xFFFFF380  }
0x2fc: {  	[tilespmem:s9], [sflag:$0x2] =	stream.linear.gather [hbm4b:s18+s4], $0x3E8, $0x38;
	[tilespmem:$0xDFB0] =	vst v63  }
0x2fd: {  	_ =	swait.ge [sflag:s6], $0x3E8  }
0x2fe: {  	[sflag:s6] =	ssyncset.done $0x0  }
0x2ff: {  	s18 =	rddreg [dreg:$0xb];
	[sflag:s6] =	ssyncadd.s32 $0xFFFFFC18  }
0x300: {  	[tilespmem:s16], [sflag:$0x2] =	stream.linear.gather [hbm4b:s18+s4], $0x20, $0x38;
	[tilespmem:$0xDFB0] =	vst v63  }
0x301: {  	_ =	swait.ge [sflag:s6], $0x20  }
0x302: {  	s18 =	sld [smem:$0x7FD]  }
0x303: {  	[sflag:s6] =	ssyncset.done $0x0  }
0x304: {  	s17 =	rddreg [dreg:$0x6];
	[sflag:s6] =	ssyncadd.s32 $0xFFFFFFE0  }
0x305: {  	[tilespmem:s14], [sflag:$0x1] =	stream.indirect.gather [hbm4b:s17+s18], $0x1, s16, s18, $0xb8;
	[tilespmem:$0xDFB0] =	vst v63  }
0x306: {  	_ =	swait.ge [sflag:s15], $0x20  }
0x307: {  	[sflag:s15] =	ssyncset.done $0x0  }
0x308: {  	s18 =	rddreg [dreg:$0xc];
	[sflag:s15] =	ssyncadd.s32 $0xFFFFFFE0  }
0x309: {  	[hbm4b:s18+s4] =	stream.linear.scatter [tilespmem:s14], [sflag:$0x2], $0x20, $0x38;
	[tilespmem:$0xDFB0] =	vst v63  }
0x30a: {  	_ =	swait.ge [sflag:s6], $0x20  }
0x30b: {  	[sflag:s6] =	ssyncset.done $0x0  }
0x30c: {  	[sflag:s6] =	ssyncadd.s32 $0xFFFFFFE0  }
0x30d: {  	[bflag:$0x0] =	sbarrier.arrive $0xFFFF  }
0x30e: {  	s15 =	rddreg [dreg:$0xd]  }
0x30f: {  	[tilespmem:s4], [sflag:$0x2] =	stream.linear.gather [hbm4b:s15+s4], $0x1F40, $0x38;
	[tilespmem:$0xDFB0] =	vst v63  }
0x310: {  	_ =	swait.ge [sflag:s6], $0x1F40  }
0x311: {  	[sflag:s6] =	ssyncset.done $0x0  }
0x312: {  	[sflag:s6] =	ssyncadd.s32 $0xFFFFE0C0  }
0x313: {  	[spmem:s3] =	stream.indirect.scatter.add.f32 [tilespmem:s4], [sflag:$0x2], $0x40, s13, s10, $0xb8;
	[tilespmem:$0xDFB0] =	vst v63  }
0x314: {  	_ =	swait.ge [sflag:s6], $0x1F40  }
0x315: {  	[sflag:s6] =	ssyncset.done $0x0  }
0x316: {  	[sflag:s6] =	ssyncadd.s32 $0xFFFFE0C0  }
0x317: {  	[spmem:s2] =	stream.indirect.scatter.add.f32 [tilespmem:s9], [sflag:$0x2], $0x8, s13, s10, $0xb8;
	[tilespmem:$0xDFB0] =	vst v63  }
0x318: {  	_ =	swait.ge [sflag:s6], $0x3E8  }
0x319: {  	[sflag:s6] =	ssyncset.done $0x0  }
0x31a: {  	s16 =	rddreg [dreg:$0xe];
	[sflag:s6] =	ssyncadd.s32 $0xFFFFFC18  }
0x31b: {  	[tilespmem:s4], [sflag:$0x2] =	stream.linear.gather [hbm4b:s16+s4], $0x1F40, $0x38;
	[tilespmem:$0xDFB0] =	vst v63  }
0x31c: {  	_ =	swait.ge [sflag:s6], $0x1F40  }
0x31d: {  	[sflag:s6] =	ssyncset.done $0x0  }
0x31e: {  	[sflag:s6] =	ssyncadd.s32 $0xFFFFE0C0  }
0x31f: {  	[spmem:s3] =	stream.indirect.scatter.add.f32 [tilespmem:s4], [sflag:$0x2], $0x40, s12, s10, $0xb8;
	[tilespmem:$0xDFB0] =	vst v63  }
0x320: {  	_ =	swait.ge [sflag:s6], $0x1F40  }
0x321: {  	[sflag:s6] =	ssyncset.done $0x0  }
0x322: {  	[sflag:s6] =	ssyncadd.s32 $0xFFFFE0C0  }
0x323: {  	[spmem:s2] =	stream.indirect.scatter.add.f32 [tilespmem:s9], [sflag:$0x2], $0x8, s12, s10, $0xb8;
	[tilespmem:$0xDFB0] =	vst v63  }
0x324: {  	_ =	swait.ge [sflag:s6], $0x3E8  }
0x325: {  	[sflag:s6] =	ssyncset.done $0x0  }
0x326: {  	s17 =	rddreg [dreg:$0xf];
	[sflag:s6] =	ssyncadd.s32 $0xFFFFFC18  }
0x327: {  	[tilespmem:s4], [sflag:$0x2] =	stream.linear.gather [hbm4b:s17+s4], $0x1F40, $0x38;
	[tilespmem:$0xDFB0] =	vst v63  }
0x328: {  	_ =	swait.ge [sflag:s6], $0x1F40  }
0x329: {  	[sflag:s6] =	ssyncset.done $0x0  }
0x32a: {  	[sflag:s6] =	ssyncadd.s32 $0xFFFFE0C0  }
0x32b: {  	[spmem:s3] =	stream.indirect.scatter.add.f32 [tilespmem:s4], [sflag:$0x2], $0x40, s11, s10, $0xb8;
	[tilespmem:$0xDFB0] =	vst v63  }
0x32c: {  	_ =	swait.ge [sflag:s6], $0x1F40  }
0x32d: {  	[sflag:s6] =	ssyncset.done $0x0  }
0x32e: {  	[sflag:s6] =	ssyncadd.s32 $0xFFFFE0C0  }
0x32f: {  	[spmem:s2] =	stream.indirect.scatter.add.f32 [tilespmem:s9], [sflag:$0x2], $0x8, s11, s10, $0xb8;
	[tilespmem:$0xDFB0] =	vst v63  }
0x330: {  	_ =	swait.ge [sflag:s6], $0x3E8  }
0x331: {  	[sflag:s6] =	ssyncset.done $0x0  }
0x332: {  	s18 =	rddreg [dreg:$0x10];
	[sflag:s6] =	ssyncadd.s32 $0xFFFFFC18  }
0x333: {  	[tilespmem:s4], [sflag:$0x2] =	stream.linear.gather [hbm4b:s18+s4], $0x1F40, $0x38;
	[tilespmem:$0xDFB0] =	vst v63  }
0x334: {  	_ =	swait.ge [sflag:s6], $0x1F40  }
0x335: {  	[sflag:s6] =	ssyncset.done $0x0  }
0x336: {  	[sflag:s6] =	ssyncadd.s32 $0xFFFFE0C0  }
0x337: {  	[spmem:s3] =	stream.indirect.scatter.add.f32 [tilespmem:s4], [sflag:$0x2], $0x40, s0, s10, $0xb8;
	[tilespmem:$0xDFB0] =	vst v63  }
0x338: {  	_ =	swait.ge [sflag:s6], $0x1F40  }
0x339: {  	[sflag:s6] =	ssyncset.done $0x0  }
0x33a: {  	[sflag:s6] =	ssyncadd.s32 $0xFFFFE0C0  }
0x33b: {  	[spmem:s2] =	stream.indirect.scatter.add.f32 [tilespmem:s9], [sflag:$0x2], $0x8, s0, s10, $0xb8;
	[tilespmem:$0xDFB0] =	vst v63  }
0x33c: {  	_ =	swait.ge [sflag:s6], $0x3E8  }
0x33d: {  	[sflag:s6] =	ssyncset.done $0x0  }
0x33e: {  	s12 =	rddreg [dreg:$0x11];
	[sflag:s6] =	ssyncadd.s32 $0xFFFFFC18  }
0x33f: {  	[tilespmem:s4], [sflag:$0x2] =	stream.linear.gather [hbm4b:s12+s4], $0x1F40, $0x38;
	[tilespmem:$0xDFB0] =	vst v63  }
0x340: {  	_ =	swait.ge [sflag:s6], $0x1F40  }
0x341: {  	[sflag:s6] =	ssyncset.done $0x0  }
0x342: {  	[sflag:s6] =	ssyncadd.s32 $0xFFFFE0C0  }
0x343: {  	[spmem:s3] =	stream.indirect.scatter.add.f32 [tilespmem:s4], [sflag:$0x2], $0x40, s1, s10, $0xb8;
	[tilespmem:$0xDFB0] =	vst v63  }
0x344: {  	_ =	swait.ge [sflag:s6], $0x1F40  }
0x345: {  	[sflag:s6] =	ssyncset.done $0x0  }
0x346: {  	[sflag:s6] =	ssyncadd.s32 $0xFFFFE0C0  }
0x347: {  	[spmem:s2] =	stream.indirect.scatter.add.f32 [tilespmem:s9], [sflag:$0x2], $0x8, s1, s10, $0xb8;
	[tilespmem:$0xDFB0] =	vst v63  }
0x348: {  	_ =	swait.ge [sflag:s6], $0x3E8  }
0x349: {  	[sflag:s6] =	ssyncset.done $0x0  }
0x34a: {  	s13 =	rddreg [dreg:$0x12];
	[sflag:s6] =	ssyncadd.s32 $0xFFFFFC18  }
0x34b: {  	[tilespmem:s4], [sflag:$0x2] =	stream.linear.gather [hbm4b:s13+s4], $0x1F40, $0x38;
	[tilespmem:$0xDFB0] =	vst v63  }
0x34c: {  	_ =	swait.ge [sflag:s6], $0x1F40  }
0x34d: {  	[sflag:s6] =	ssyncset.done $0x0  }
0x34e: {  	[sflag:s6] =	ssyncadd.s32 $0xFFFFE0C0  }
0x34f: {  	[spmem:s3] =	stream.indirect.scatter.add.f32 [tilespmem:s4], [sflag:$0x2], $0x40, s31, s10, $0xb8;
	[tilespmem:$0xDFB0] =	vst v63  }
0x350: {  	_ =	swait.ge [sflag:s6], $0x1F40  }
0x351: {  	[sflag:s6] =	ssyncset.done $0x0  }
0x352: {  	[sflag:s6] =	ssyncadd.s32 $0xFFFFE0C0  }
0x353: {  	[spmem:s2] =	stream.indirect.scatter.add.f32 [tilespmem:s9], [sflag:$0x2], $0x8, s31, s10, $0xb8;
	[tilespmem:$0xDFB0] =	vst v63  }
0x354: {  	_ =	swait.ge [sflag:s6], $0x3E8  }
0x355: {  	[sflag:s6] =	ssyncset.done $0x0  }
0x356: {  	s14 =	rddreg [dreg:$0x13];
	[sflag:s6] =	ssyncadd.s32 $0xFFFFFC18  }
0x357: {  	[tilespmem:s4], [sflag:$0x2] =	stream.linear.gather [hbm4b:s14+s4], $0x1F40, $0x38;
	[tilespmem:$0xDFB0] =	vst v63  }
0x358: {  	_ =	swait.ge [sflag:s6], $0x1F40  }
0x359: {  	[sflag:s6] =	ssyncset.done $0x0  }
0x35a: {  	[sflag:s6] =	ssyncadd.s32 $0xFFFFE0C0  }
0x35b: {  	[spmem:s3] =	stream.indirect.scatter.add.f32 [tilespmem:s4], [sflag:$0x2], $0x40, s30, s10, $0xb8;
	[tilespmem:$0xDFB0] =	vst v63  }
0x35c: {  	_ =	swait.ge [sflag:s6], $0x1F40  }
0x35d: {  	[sflag:s6] =	ssyncset.done $0x0  }
0x35e: {  	[sflag:s6] =	ssyncadd.s32 $0xFFFFE0C0  }
0x35f: {  	[spmem:s2] =	stream.indirect.scatter.add.f32 [tilespmem:s9], [sflag:$0x2], $0x8, s30, s10, $0xb8;
	[tilespmem:$0xDFB0] =	vst v63  }
0x360: {  	_ =	swait.ge [sflag:s6], $0x3E8  }
0x361: {  	[sflag:s6] =	ssyncset.done $0x0  }
0x362: {  	s15 =	rddreg [dreg:$0x14];
	[sflag:s6] =	ssyncadd.s32 $0xFFFFFC18  }
0x363: {  	[tilespmem:s4], [sflag:$0x2] =	stream.linear.gather [hbm4b:s15+s4], $0x1F40, $0x38;
	[tilespmem:$0xDFB0] =	vst v63  }
0x364: {  	_ =	swait.ge [sflag:s6], $0x1F40  }
0x365: {  	[sflag:s6] =	ssyncset.done $0x0  }
0x366: {  	[sflag:s6] =	ssyncadd.s32 $0xFFFFE0C0  }
0x367: {  	[spmem:s3] =	stream.indirect.scatter.add.f32 [tilespmem:s4], [sflag:$0x2], $0x40, s29, s10, $0xb8;
	[tilespmem:$0xDFB0] =	vst v63  }
0x368: {  	_ =	swait.ge [sflag:s6], $0x1F40  }
0x369: {  	[sflag:s6] =	ssyncset.done $0x0  }
0x36a: {  	[sflag:s6] =	ssyncadd.s32 $0xFFFFE0C0  }
0x36b: {  	[spmem:s2] =	stream.indirect.scatter.add.f32 [tilespmem:s9], [sflag:$0x2], $0x8, s29, s10, $0xb8;
	[tilespmem:$0xDFB0] =	vst v63  }
0x36c: {  	_ =	swait.ge [sflag:s6], $0x3E8  }
0x36d: {  	[sflag:s6] =	ssyncset.done $0x0  }
0x36e: {  	s16 =	rddreg [dreg:$0x15];
	[sflag:s6] =	ssyncadd.s32 $0xFFFFFC18  }
0x36f: {  	[tilespmem:s4], [sflag:$0x2] =	stream.linear.gather [hbm4b:s16+s4], $0x1F40, $0x38;
	[tilespmem:$0xDFB0] =	vst v63  }
0x370: {  	_ =	swait.ge [sflag:s6], $0x1F40  }
0x371: {  	[sflag:s6] =	ssyncset.done $0x0  }
0x372: {  	[sflag:s6] =	ssyncadd.s32 $0xFFFFE0C0  }
0x373: {  	[spmem:s3] =	stream.indirect.scatter.add.f32 [tilespmem:s4], [sflag:$0x2], $0x40, s28, s10, $0xb8;
	[tilespmem:$0xDFB0] =	vst v63  }
0x374: {  	_ =	swait.ge [sflag:s6], $0x1F40  }
0x375: {  	[sflag:s6] =	ssyncset.done $0x0  }
0x376: {  	[sflag:s6] =	ssyncadd.s32 $0xFFFFE0C0  }
0x377: {  	[spmem:s2] =	stream.indirect.scatter.add.f32 [tilespmem:s9], [sflag:$0x2], $0x8, s28, s10, $0xb8;
	[tilespmem:$0xDFB0] =	vst v63  }
0x378: {  	_ =	swait.ge [sflag:s6], $0x3E8  }
0x379: {  	[sflag:s6] =	ssyncset.done $0x0  }
0x37a: {  	s17 =	rddreg [dreg:$0x16];
	[sflag:s6] =	ssyncadd.s32 $0xFFFFFC18  }
0x37b: {  	[tilespmem:s4], [sflag:$0x2] =	stream.linear.gather [hbm4b:s17+s4], $0x1F40, $0x38;
	[tilespmem:$0xDFB0] =	vst v63  }
0x37c: {  	_ =	swait.ge [sflag:s6], $0x1F40  }
0x37d: {  	[sflag:s6] =	ssyncset.done $0x0  }
0x37e: {  	[sflag:s6] =	ssyncadd.s32 $0xFFFFE0C0  }
0x37f: {  	[spmem:s3] =	stream.indirect.scatter.add.f32 [tilespmem:s4], [sflag:$0x2], $0x40, s26, s10, $0xb8;
	[tilespmem:$0xDFB0] =	vst v63  }
0x380: {  	_ =	swait.ge [sflag:s6], $0x1F40  }
0x381: {  	[sflag:s6] =	ssyncset.done $0x0  }
0x382: {  	[sflag:s6] =	ssyncadd.s32 $0xFFFFE0C0  }
0x383: {  	[spmem:s2] =	stream.indirect.scatter.add.f32 [tilespmem:s9], [sflag:$0x2], $0x8, s26, s10, $0xb8;
	[tilespmem:$0xDFB0] =	vst v63  }
0x384: {  	_ =	swait.ge [sflag:s6], $0x3E8  }
0x385: {  	[sflag:s6] =	ssyncset.done $0x0  }
0x386: {  	s18 =	rddreg [dreg:$0x17];
	[sflag:s6] =	ssyncadd.s32 $0xFFFFFC18  }
0x387: {  	[tilespmem:s4], [sflag:$0x2] =	stream.linear.gather [hbm4b:s18+s4], $0x1F40, $0x38;
	[tilespmem:$0xDFB0] =	vst v63  }
0x388: {  	_ =	swait.ge [sflag:s6], $0x1F40  }
0x389: {  	[sflag:s6] =	ssyncset.done $0x0  }
0x38a: {  	[sflag:s6] =	ssyncadd.s32 $0xFFFFE0C0  }
0x38b: {  	[spmem:s3] =	stream.indirect.scatter.add.f32 [tilespmem:s4], [sflag:$0x2], $0x40, s25, s10, $0xb8;
	[tilespmem:$0xDFB0] =	vst v63  }
0x38c: {  	_ =	swait.ge [sflag:s6], $0x1F40  }
0x38d: {  	[sflag:s6] =	ssyncset.done $0x0  }
0x38e: {  	[sflag:s6] =	ssyncadd.s32 $0xFFFFE0C0  }
0x38f: {  	[spmem:s2] =	stream.indirect.scatter.add.f32 [tilespmem:s9], [sflag:$0x2], $0x8, s25, s10, $0xb8;
	[tilespmem:$0xDFB0] =	vst v63  }
0x390: {  	_ =	swait.ge [sflag:s6], $0x3E8  }
0x391: {  	[sflag:s6] =	ssyncset.done $0x0  }
0x392: {  	s26 =	rddreg [dreg:$0x18];
	[sflag:s6] =	ssyncadd.s32 $0xFFFFFC18  }
0x393: {  	[tilespmem:s4], [sflag:$0x2] =	stream.linear.gather [hbm4b:s26+s4], $0x1F40, $0x38;
	[tilespmem:$0xDFB0] =	vst v63  }
0x394: {  	_ =	swait.ge [sflag:s6], $0x1F40  }
0x395: {  	[sflag:s6] =	ssyncset.done $0x0  }
0x396: {  	[sflag:s6] =	ssyncadd.s32 $0xFFFFE0C0  }
0x397: {  	[spmem:s3] =	stream.indirect.scatter.add.f32 [tilespmem:s4], [sflag:$0x2], $0x40, s24, s10, $0xb8;
	[tilespmem:$0xDFB0] =	vst v63  }
0x398: {  	_ =	swait.ge [sflag:s6], $0x1F40  }
0x399: {  	[sflag:s6] =	ssyncset.done $0x0  }
0x39a: {  	[sflag:s6] =	ssyncadd.s32 $0xFFFFE0C0  }
0x39b: {  	[spmem:s2] =	stream.indirect.scatter.add.f32 [tilespmem:s9], [sflag:$0x2], $0x8, s24, s10, $0xb8;
	[tilespmem:$0xDFB0] =	vst v63  }
0x39c: {  	_ =	swait.ge [sflag:s6], $0x3E8  }
0x39d: {  	[sflag:s6] =	ssyncset.done $0x0  }
0x39e: {  	s28 =	rddreg [dreg:$0x19];
	[sflag:s6] =	ssyncadd.s32 $0xFFFFFC18  }
0x39f: {  	[tilespmem:s4], [sflag:$0x2] =	stream.linear.gather [hbm4b:s28+s4], $0x1F40, $0x38;
	[tilespmem:$0xDFB0] =	vst v63  }
0x3a0: {  	_ =	swait.ge [sflag:s6], $0x1F40  }
0x3a1: {  	[sflag:s6] =	ssyncset.done $0x0  }
0x3a2: {  	[sflag:s6] =	ssyncadd.s32 $0xFFFFE0C0  }
0x3a3: {  	[spmem:s3] =	stream.indirect.scatter.add.f32 [tilespmem:s4], [sflag:$0x2], $0x40, s23, s10, $0xb8;
	[tilespmem:$0xDFB0] =	vst v63  }
0x3a4: {  	_ =	swait.ge [sflag:s6], $0x1F40  }
0x3a5: {  	[sflag:s6] =	ssyncset.done $0x0  }
0x3a6: {  	[sflag:s6] =	ssyncadd.s32 $0xFFFFE0C0  }
0x3a7: {  	[spmem:s2] =	stream.indirect.scatter.add.f32 [tilespmem:s9], [sflag:$0x2], $0x8, s23, s10, $0xb8;
	[tilespmem:$0xDFB0] =	vst v63  }
0x3a8: {  	_ =	swait.ge [sflag:s6], $0x3E8  }
0x3a9: {  	[sflag:s6] =	ssyncset.done $0x0  }
0x3aa: {  	s29 =	rddreg [dreg:$0x1a];
	[sflag:s6] =	ssyncadd.s32 $0xFFFFFC18  }
0x3ab: {  	[tilespmem:s4], [sflag:$0x2] =	stream.linear.gather [hbm4b:s29+s4], $0x1F40, $0x38;
	[tilespmem:$0xDFB0] =	vst v63  }
0x3ac: {  	_ =	swait.ge [sflag:s6], $0x1F40  }
0x3ad: {  	[sflag:s6] =	ssyncset.done $0x0  }
0x3ae: {  	[sflag:s6] =	ssyncadd.s32 $0xFFFFE0C0  }
0x3af: {  	[spmem:s3] =	stream.indirect.scatter.add.f32 [tilespmem:s4], [sflag:$0x2], $0x40, s22, s10, $0xb8;
	[tilespmem:$0xDFB0] =	vst v63  }
0x3b0: {  	_ =	swait.ge [sflag:s6], $0x1F40  }
0x3b1: {  	[sflag:s6] =	ssyncset.done $0x0  }
0x3b2: {  	[sflag:s6] =	ssyncadd.s32 $0xFFFFE0C0  }
0x3b3: {  	[spmem:s2] =	stream.indirect.scatter.add.f32 [tilespmem:s9], [sflag:$0x2], $0x8, s22, s10, $0xb8;
	[tilespmem:$0xDFB0] =	vst v63  }
0x3b4: {  	_ =	swait.ge [sflag:s6], $0x3E8  }
0x3b5: {  	[sflag:s6] =	ssyncset.done $0x0  }
0x3b6: {  	s30 =	rddreg [dreg:$0x1b];
	[sflag:s6] =	ssyncadd.s32 $0xFFFFFC18  }
0x3b7: {  	[tilespmem:s4], [sflag:$0x2] =	stream.linear.gather [hbm4b:s30+s4], $0x1F40, $0x38;
	[tilespmem:$0xDFB0] =	vst v63  }
0x3b8: {  	_ =	swait.ge [sflag:s6], $0x1F40  }
0x3b9: {  	[sflag:s6] =	ssyncset.done $0x0  }
0x3ba: {  	[sflag:s6] =	ssyncadd.s32 $0xFFFFE0C0  }
0x3bb: {  	[spmem:s3] =	stream.indirect.scatter.add.f32 [tilespmem:s4], [sflag:$0x2], $0x40, s21, s10, $0xb8;
	[tilespmem:$0xDFB0] =	vst v63  }
0x3bc: {  	_ =	swait.ge [sflag:s6], $0x1F40  }
0x3bd: {  	[sflag:s6] =	ssyncset.done $0x0  }
0x3be: {  	[sflag:s6] =	ssyncadd.s32 $0xFFFFE0C0  }
0x3bf: {  	[spmem:s2] =	stream.indirect.scatter.add.f32 [tilespmem:s9], [sflag:$0x2], $0x8, s21, s10, $0xb8;
	[tilespmem:$0xDFB0] =	vst v63  }
0x3c0: {  	_ =	swait.ge [sflag:s6], $0x3E8  }
0x3c1: {  	[sflag:s6] =	ssyncset.done $0x0  }
0x3c2: {  	s31 =	rddreg [dreg:$0x1c];
	[sflag:s6] =	ssyncadd.s32 $0xFFFFFC18  }
0x3c3: {  	[tilespmem:s4], [sflag:$0x2] =	stream.linear.gather [hbm4b:s31+s4], $0x1F40, $0x38;
	[tilespmem:$0xDFB0] =	vst v63  }
0x3c4: {  	_ =	swait.ge [sflag:s6], $0x1F40  }
0x3c5: {  	[sflag:s6] =	ssyncset.done $0x0  }
0x3c6: {  	[sflag:s6] =	ssyncadd.s32 $0xFFFFE0C0  }
0x3c7: {  	[spmem:s3] =	stream.indirect.scatter.add.f32 [tilespmem:s4], [sflag:$0x2], $0x40, s20, s10, $0xb8;
	[tilespmem:$0xDFB0] =	vst v63  }
0x3c8: {  	_ =	swait.ge [sflag:s6], $0x1F40  }
0x3c9: {  	[sflag:s6] =	ssyncset.done $0x0  }
0x3ca: {  	[sflag:s6] =	ssyncadd.s32 $0xFFFFE0C0  }
0x3cb: {  	[spmem:s2] =	stream.indirect.scatter.add.f32 [tilespmem:s9], [sflag:$0x2], $0x8, s20, s10, $0xb8;
	[tilespmem:$0xDFB0] =	vst v63  }
0x3cc: {  	_ =	swait.ge [sflag:s6], $0x3E8  }
0x3cd: {  	[sflag:s6] =	ssyncset.done $0x0  }
0x3ce: {  	s1 =	rddreg [dreg:$0x1d];
	[sflag:s6] =	ssyncadd.s32 $0xFFFFFC18  }
0x3cf: {  	[tilespmem:s4], [sflag:$0x2] =	stream.linear.gather [hbm4b:s1+s4], $0x1F40, $0x38;
	[tilespmem:$0xDFB0] =	vst v63  }
0x3d0: {  	_ =	swait.ge [sflag:s6], $0x1F40  }
0x3d1: {  	[sflag:s6] =	ssyncset.done $0x0  }
0x3d2: {  	s11 =	simm.s32 $0x2740;
	[sflag:s6] =	ssyncadd.s32 $0xFFFFE0C0  }
0x3d3: {  	[spmem:s3] =	stream.indirect.scatter.add.f32 [tilespmem:s4], [sflag:$0x2], $0x40, s11, s10, $0xb8;
	[tilespmem:$0xDFB0] =	vst v63  }
0x3d4: {  	_ =	swait.ge [sflag:s6], $0x1F40  }
0x3d5: {  	[sflag:s6] =	ssyncset.done $0x0  }
0x3d6: {  	[sflag:s6] =	ssyncadd.s32 $0xFFFFE0C0  }
0x3d7: {  	[spmem:s2] =	stream.indirect.scatter.add.f32 [tilespmem:s9], [sflag:$0x2], $0x8, s11, s10, $0xb8;
	[tilespmem:$0xDFB0] =	vst v63  }
0x3d8: {  	_ =	swait.ge [sflag:s6], $0x3E8  }
0x3d9: {  	[sflag:s6] =	ssyncset.done $0x0  }
0x3da: {  	s12 =	rddreg [dreg:$0x1e];
	[sflag:s6] =	ssyncadd.s32 $0xFFFFFC18  }
0x3db: {  	[tilespmem:s4], [sflag:$0x2] =	stream.linear.gather [hbm4b:s12+s4], $0x1F40, $0x38;
	[tilespmem:$0xDFB0] =	vst v63  }
0x3dc: {  	_ =	swait.ge [sflag:s6], $0x1F40  }
0x3dd: {  	[sflag:s6] =	ssyncset.done $0x0  }
0x3de: {  	s13 =	simm.s32 $0x27C0;
	[sflag:s6] =	ssyncadd.s32 $0xFFFFE0C0  }
0x3df: {  	[spmem:s3] =	stream.indirect.scatter.add.f32 [tilespmem:s4], [sflag:$0x2], $0x40, s13, s10, $0xb8;
	[tilespmem:$0xDFB0] =	vst v63  }
0x3e0: {  	_ =	swait.ge [sflag:s6], $0x1F40  }
0x3e1: {  	[sflag:s6] =	ssyncset.done $0x0  }
0x3e2: {  	[sflag:s6] =	ssyncadd.s32 $0xFFFFE0C0  }
0x3e3: {  	[spmem:s2] =	stream.indirect.scatter.add.f32 [tilespmem:s9], [sflag:$0x2], $0x8, s13, s10, $0xb8;
	[tilespmem:$0xDFB0] =	vst v63  }
0x3e4: {  	_ =	swait.ge [sflag:s6], $0x3E8  }
0x3e5: {  	[sflag:s6] =	ssyncset.done $0x0  }
0x3e6: {  	s14 =	rddreg [dreg:$0x1f];
	[sflag:s6] =	ssyncadd.s32 $0xFFFFFC18  }
0x3e7: {  	[tilespmem:s4], [sflag:$0x2] =	stream.linear.gather [hbm4b:s14+s4], $0x1F40, $0x38;
	[tilespmem:$0xDFB0] =	vst v63  }
0x3e8: {  	_ =	swait.ge [sflag:s6], $0x1F40  }
0x3e9: {  	[sflag:s6] =	ssyncset.done $0x0  }
0x3ea: {  	s15 =	simm.s32 $0x2840;
	[sflag:s6] =	ssyncadd.s32 $0xFFFFE0C0  }
0x3eb: {  	[spmem:s3] =	stream.indirect.scatter.add.f32 [tilespmem:s4], [sflag:$0x2], $0x40, s15, s10, $0xb8;
	[tilespmem:$0xDFB0] =	vst v63  }
0x3ec: {  	_ =	swait.ge [sflag:s6], $0x1F40  }
0x3ed: {  	[sflag:s6] =	ssyncset.done $0x0  }
0x3ee: {  	[sflag:s6] =	ssyncadd.s32 $0xFFFFE0C0  }
0x3ef: {  	[spmem:s2] =	stream.indirect.scatter.add.f32 [tilespmem:s9], [sflag:$0x2], $0x8, s15, s10, $0xb8;
	[tilespmem:$0xDFB0] =	vst v63  }
0x3f0: {  	_ =	swait.ge [sflag:s6], $0x3E8  }
0x3f1: {  	s16 =	sld [smem:$0x7F5]  }
0x3f2: {  	[sflag:s6] =	ssyncset.done $0x0  }
0x3f3: {  	[sflag:s6] =	ssyncadd.s32 $0xFFFFFC18  }
0x3f4: {  	[tilespmem:s4], [sflag:$0x2] =	stream.linear.gather [hbm4b:s16+s4], $0x1F40, $0x38;
	[tilespmem:$0xDFB0] =	vst v63  }
0x3f5: {  	_ =	swait.ge [sflag:s6], $0x1F40  }
0x3f6: {  	[sflag:s6] =	ssyncset.done $0x0  }
0x3f7: {  	s17 =	simm.s32 $0x28C0;
	[sflag:s6] =	ssyncadd.s32 $0xFFFFE0C0  }
0x3f8: {  	[spmem:s3] =	stream.indirect.scatter.add.f32 [tilespmem:s4], [sflag:$0x2], $0x40, s17, s10, $0xb8;
	[tilespmem:$0xDFB0] =	vst v63  }
0x3f9: {  	_ =	swait.ge [sflag:s6], $0x1F40  }
0x3fa: {  	[sflag:s6] =	ssyncset.done $0x0  }
0x3fb: {  	[sflag:s6] =	ssyncadd.s32 $0xFFFFE0C0  }
0x3fc: {  	[spmem:s2] =	stream.indirect.scatter.add.f32 [tilespmem:s9], [sflag:$0x2], $0x8, s17, s10, $0xb8;
	[tilespmem:$0xDFB0] =	vst v63  }
0x3fd: {  	_ =	swait.ge [sflag:s6], $0x3E8  }
0x3fe: {  	s18 =	sld [smem:$0x7F6]  }
0x3ff: {  	[sflag:s6] =	ssyncset.done $0x0  }
0x400: {  	[sflag:s6] =	ssyncadd.s32 $0xFFFFFC18  }
0x401: {  	[tilespmem:s4], [sflag:$0x2] =	stream.linear.gather [hbm4b:s18+s4], $0x1F40, $0x38;
	[tilespmem:$0xDFB0] =	vst v63  }
0x402: {  	_ =	swait.ge [sflag:s6], $0x1F40  }
0x403: {  	[sflag:s6] =	ssyncset.done $0x0  }
0x404: {  	s20 =	simm.s32 $0x2940;
	[sflag:s6] =	ssyncadd.s32 $0xFFFFE0C0  }
0x405: {  	[spmem:s3] =	stream.indirect.scatter.add.f32 [tilespmem:s4], [sflag:$0x2], $0x40, s20, s10, $0xb8;
	[tilespmem:$0xDFB0] =	vst v63  }
0x406: {  	_ =	swait.ge [sflag:s6], $0x1F40  }
0x407: {  	[sflag:s6] =	ssyncset.done $0x0  }
0x408: {  	[sflag:s6] =	ssyncadd.s32 $0xFFFFE0C0  }
0x409: {  	[spmem:s2] =	stream.indirect.scatter.add.f32 [tilespmem:s9], [sflag:$0x2], $0x8, s20, s10, $0xb8;
	[tilespmem:$0xDFB0] =	vst v63  }
0x40a: {  	_ =	swait.ge [sflag:s6], $0x3E8  }
0x40b: {  	s21 =	sld [smem:$0x7F7]  }
0x40c: {  	[sflag:s6] =	ssyncset.done $0x0  }
0x40d: {  	[sflag:s6] =	ssyncadd.s32 $0xFFFFFC18  }
0x40e: {  	[tilespmem:s4], [sflag:$0x2] =	stream.linear.gather [hbm4b:s21+s4], $0x1F40, $0x38;
	[tilespmem:$0xDFB0] =	vst v63  }
0x40f: {  	_ =	swait.ge [sflag:s6], $0x1F40  }
0x410: {  	[sflag:s6] =	ssyncset.done $0x0  }
0x411: {  	s22 =	simm.s32 $0x29C0;
	[sflag:s6] =	ssyncadd.s32 $0xFFFFE0C0  }
0x412: {  	[spmem:s3] =	stream.indirect.scatter.add.f32 [tilespmem:s4], [sflag:$0x2], $0x40, s22, s10, $0xb8;
	[tilespmem:$0xDFB0] =	vst v63  }
0x413: {  	_ =	swait.ge [sflag:s6], $0x1F40  }
0x414: {  	[sflag:s6] =	ssyncset.done $0x0  }
0x415: {  	[sflag:s6] =	ssyncadd.s32 $0xFFFFE0C0  }
0x416: {  	[spmem:s2] =	stream.indirect.scatter.add.f32 [tilespmem:s9], [sflag:$0x2], $0x8, s22, s10, $0xb8;
	[tilespmem:$0xDFB0] =	vst v63  }
0x417: {  	_ =	swait.ge [sflag:s6], $0x3E8  }
0x418: {  	s23 =	sld [smem:$0x7F8]  }
0x419: {  	[sflag:s6] =	ssyncset.done $0x0  }
0x41a: {  	[sflag:s6] =	ssyncadd.s32 $0xFFFFFC18  }
0x41b: {  	[tilespmem:s4], [sflag:$0x2] =	stream.linear.gather [hbm4b:s23+s4], $0x1F40, $0x38;
	[tilespmem:$0xDFB0] =	vst v63  }
0x41c: {  	_ =	swait.ge [sflag:s6], $0x1F40  }
0x41d: {  	[sflag:s6] =	ssyncset.done $0x0  }
0x41e: {  	s24 =	simm.s32 $0x2A40;
	[sflag:s6] =	ssyncadd.s32 $0xFFFFE0C0  }
0x41f: {  	[spmem:s3] =	stream.indirect.scatter.add.f32 [tilespmem:s4], [sflag:$0x2], $0x40, s24, s10, $0xb8;
	[tilespmem:$0xDFB0] =	vst v63  }
0x420: {  	_ =	swait.ge [sflag:s6], $0x1F40  }
0x421: {  	[sflag:s6] =	ssyncset.done $0x0  }
0x422: {  	[sflag:s6] =	ssyncadd.s32 $0xFFFFE0C0  }
0x423: {  	[spmem:s2] =	stream.indirect.scatter.add.f32 [tilespmem:s9], [sflag:$0x2], $0x8, s24, s10, $0xb8;
	[tilespmem:$0xDFB0] =	vst v63  }
0x424: {  	_ =	swait.ge [sflag:s6], $0x3E8  }
0x425: {  	s25 =	sld [smem:$0x7F9]  }
0x426: {  	[sflag:s6] =	ssyncset.done $0x0  }
0x427: {  	[sflag:s6] =	ssyncadd.s32 $0xFFFFFC18  }
0x428: {  	[tilespmem:s4], [sflag:$0x2] =	stream.linear.gather [hbm4b:s25+s4], $0x1F40, $0x38;
	[tilespmem:$0xDFB0] =	vst v63  }
0x429: {  	_ =	swait.ge [sflag:s6], $0x1F40  }
0x42a: {  	[sflag:s6] =	ssyncset.done $0x0  }
0x42b: {  	s26 =	simm.s32 $0x2AC0;
	[sflag:s6] =	ssyncadd.s32 $0xFFFFE0C0  }
0x42c: {  	[spmem:s3] =	stream.indirect.scatter.add.f32 [tilespmem:s4], [sflag:$0x2], $0x40, s26, s10, $0xb8;
	[tilespmem:$0xDFB0] =	vst v63  }
0x42d: {  	_ =	swait.ge [sflag:s6], $0x1F40  }
0x42e: {  	[sflag:s6] =	ssyncset.done $0x0  }
0x42f: {  	[sflag:s6] =	ssyncadd.s32 $0xFFFFE0C0  }
0x430: {  	[spmem:s2] =	stream.indirect.scatter.add.f32 [tilespmem:s9], [sflag:$0x2], $0x8, s26, s10, $0xb8;
	[tilespmem:$0xDFB0] =	vst v63  }
0x431: {  	_ =	swait.ge [sflag:s6], $0x3E8  }
0x432: {  	s28 =	sld [smem:$0x7FA]  }
0x433: {  	[sflag:s6] =	ssyncset.done $0x0  }
0x434: {  	[sflag:s6] =	ssyncadd.s32 $0xFFFFFC18  }
0x435: {  	[tilespmem:s4], [sflag:$0x2] =	stream.linear.gather [hbm4b:s28+s4], $0x1F40, $0x38;
	[tilespmem:$0xDFB0] =	vst v63  }
0x436: {  	_ =	swait.ge [sflag:s6], $0x1F40  }
0x437: {  	[sflag:s6] =	ssyncset.done $0x0  }
0x438: {  	s29 =	simm.s32 $0x2B40;
	[sflag:s6] =	ssyncadd.s32 $0xFFFFE0C0  }
0x439: {  	[spmem:s3] =	stream.indirect.scatter.add.f32 [tilespmem:s4], [sflag:$0x2], $0x40, s29, s10, $0xb8;
	[tilespmem:$0xDFB0] =	vst v63  }
0x43a: {  	_ =	swait.ge [sflag:s6], $0x1F40  }
0x43b: {  	[sflag:s6] =	ssyncset.done $0x0  }
0x43c: {  	[sflag:s6] =	ssyncadd.s32 $0xFFFFE0C0  }
0x43d: {  	[spmem:s2] =	stream.indirect.scatter.add.f32 [tilespmem:s9], [sflag:$0x2], $0x8, s29, s10, $0xb8;
	[tilespmem:$0xDFB0] =	vst v63  }
0x43e: {  	_ =	swait.ge [sflag:s6], $0x3E8  }
0x43f: {  	[sflag:s6] =	ssyncset.done $0x0  }
0x440: {  	[sflag:s6] =	ssyncadd.s32 $0xFFFFFC18  }
0x441: {  	[bflag:$0x0] =	sbarrier.arrive $0xFFFF  }
0x442: {  	s30 =	sld [smem:$0x7FB];
	_ =	sdelay $0x2  }
0x443: {  	[hbm:s30], [sflag:s5] =	dma.local [spmem:s8], $0x1388  }
0x444: {  	_ =	swait.ge [sflag:s6], $0x1388  }
0x445: {  	s31 =	sld [smem:$0x7FC]  }
0x446: {  	[sflag:s6] =	ssyncset.done $0x0  }
0x447: {  	[sflag:s6] =	ssyncadd.s32 $0xFFFFEC78  }
0x448: {  	[hbm:s31], [sflag:s5] =	dma.local [spmem:s7], $0x271  }
0x449: {  	_ =	swait.ge [sflag:s6], $0x271  }
0x44a: {  	[sflag:s6] =	ssyncset.done $0x0  }
0x44b: {  	[sflag:s6] =	ssyncadd.s32 $0xFFFFFD8F  }
0x44c: {  	_ =	sfence.sel $0x180000  }
0x44d: {  	[bflag:$0x0] =	sbarrier.arrive $0xFFFF  }
0x44e: {  	_ =	strace $0x90000047  }
0x44f: {  	[bflag:$0x2] =	sbarrier.arrive $0xFFFF  }
0x450: {  	p0 =	sne.s32 s19, $0x0;
	s0 =	rddreg [dreg:$0x5]  }
0x451: {  	s0 =	sadd.s32 @!p0 $0x100000, s0  }
0x452: {  	[sflag:s0] =	ssyncadd.tile.s32 @!p0 $0x1;
	_ =	shalt  }
.LBB2_2:
.Ltmp3:
0x453: {  	(pc) =	sbr.rel .LBB2_5-.Ltmp3, $2  }
0x454: {  	_ =	sdelay $0x2  }
0x455: {  	s19 =	stileid.u32  }
.Lfunc_end2:
_tile_overlayer_lowered:
.L_overlay_start_2:
0x456: {  	(tag) =	ssettag $0x2  }
0x457: {  	s0 =	rddreg [dreg:$0x0];
	s2 =	stileid.u32  }
0x458: {  	s1 =	rddreg [dreg:$0x1];
	p0 =	sne.s32 s2, $0x0  }
0x459: {  	s3 =	rddreg [dreg:$0x2];
	[bflag:$0x3] =	sbarrier.arrive $0xFFFF;
	s2 =	simm.s32 @!p0 $0x1C02  }
0x45a: {  	[timem:s3], [sflag:s2] =	dma.local @!p0 [hbm:s0], s1  }
0x45b: {  	s0 =	simm.s32 @!p0 $0x2  }
0x45c: {  	_ =	swait.ge @!p0 [sflag:s0], s1  }
0x45d: {  	s1 =	ssub.s32 @!p0 $0x0, s1;
	[sflag:s0] =	ssyncset.done @!p0 $0x0  }
0x45e: {  	[sflag:s0] =	ssyncadd.s32 @!p0 s1  }
0x45f: {  	[bflag:$0x3] =	sbarrier.arrive $0xFFFF  }
0x460: {  	_ =	shalt  }

</sc_bundles>
